<compile_context>
chip_gen: v7x
topology: tpu7x:2x2x1
jax: 0.10.2.dev20260603
libtpu: 0.0.44.dev20260713+nightly
codegen_flags: <defaults>
</compile_context>

<pallas_src>
import functools

import jax
import jax.numpy as jnp
from jax import lax
from jax.experimental import pallas as pl
from jax.experimental.pallas import tpu as pltpu
from jax.experimental.pallas import tpu_sc as plsc

N = 10000
NP = 10240
E = 320000
FH = 128
IDXW = 80
NTEC = 16
NPT = NP // NTEC
ER = E // IDXW
CPT = ER // NTEC
IB = 10
NSLOT = 4
LAG = 2

_mesh = plsc.VectorSubcoreMesh(core_axis_name="c", subcore_axis_name="s",
                               num_cores=2, num_subcores=NTEC)
_linear = pltpu.CompilerParams(use_tc_tiling_on_sc=False)


_DCPT = ER // 32
_DIB = 25
_DLAG = 8


def _deg_body(ei_hbm, ones_hbm, zeros_hbm, out_hbm, didx_v, ones_v, acc_sh,
              ssem, isem):
    c = lax.axis_index("c")
    s = lax.axis_index("s")
    dst_hbm = ei_hbm.at[1]
    pltpu.sync_copy(ones_hbm, ones_v)
    pltpu.sync_copy(zeros_hbm, acc_sh.at[pl.ds(s * NPT, NPT)])
    plsc.subcore_barrier()
    w = s * 2 + c
    base = w * _DCPT

    def fire_idx(i, sb):
        pltpu.make_async_copy(dst_hbm.at[pl.ds(base + i, _DIB)],
                              didx_v.at[sb], isem).start()

    def wait_idx():
        pltpu.make_async_copy(dst_hbm.at[pl.ds(0, _DIB)], didx_v.at[0],
                              isem).wait()

    def fire_s(i):
        sb = lax.rem(i // _DIB, 2)
        pltpu.make_async_copy(ones_v, acc_sh.at[didx_v.at[sb, lax.rem(i, _DIB)]],
                              ssem).start(add=True)

    def drain():
        pltpu.make_async_copy(zeros_hbm.at[pl.ds(0, IDXW)], ones_v, ssem).wait()

    fire_idx(0, 0)
    wait_idx()

    def step(i, carry):
        pl.when(jnp.logical_and(lax.rem(i, _DIB) == 0, i > 0))(wait_idx)
        pl.when(jnp.logical_and(lax.rem(i, _DIB) == _DLAG + 1,
                                i + 2 * _DIB - _DLAG - 1 <= _DCPT))(
            lambda: fire_idx(i + _DIB - _DLAG - 1, lax.rem(i // _DIB + 1, 2)))
        pl.when(i >= _DLAG)(drain)
        fire_s(i)
        return carry

    lax.fori_loop(0, _DCPT, step, 0)
    for _ in range(_DLAG):
        drain()
    plsc.subcore_barrier()
    pltpu.sync_copy(acc_sh.at[pl.ds(s * NPT, NPT)],
                    out_hbm.at[c, pl.ds(s * NPT, NPT)])


_deg_call = functools.partial(
    pl.kernel,
    out_type=jax.ShapeDtypeStruct((2, NP, 16), jnp.float32),
    mesh=_mesh,
    compiler_params=_linear,
    scratch_types=[
        pltpu.VMEM((2, _DIB, IDXW), jnp.int32),
        pltpu.VMEM((IDXW, 16), jnp.float32),
        pltpu.VMEM_SHARED((NP, 16), jnp.float32),
        pltpu.SemaphoreType.DMA,
        pltpu.SemaphoreType.DMA,
    ],
)(_deg_body)


def _agg_body(tab_hbm, ei_hbm, zeros_hbm, out_hbm,
              sidx_v, didx_v, rows_v, acc_sh, gsem, ssem, isem):
    c = lax.axis_index("c")
    s = lax.axis_index("s")
    src_hbm = ei_hbm.at[0]
    dst_hbm = ei_hbm.at[1]
    pltpu.sync_copy(zeros_hbm, acc_sh.at[pl.ds(s * NPT, NPT)])
    plsc.subcore_barrier()
    tab = tab_hbm.at[c]
    base = s * CPT
    zrow = zeros_hbm.at[pl.ds(0, IDXW)]

    def fire_idx(i, sb):
        pltpu.make_async_copy(src_hbm.at[pl.ds(base + i, IB)],
                              sidx_v.at[sb], isem).start()
        pltpu.make_async_copy(dst_hbm.at[pl.ds(base + i, IB)],
                              didx_v.at[sb], isem).start()

    def wait_idx():
        pltpu.make_async_copy(src_hbm.at[pl.ds(0, IB)], sidx_v.at[0], isem).wait()
        pltpu.make_async_copy(dst_hbm.at[pl.ds(0, IB)], didx_v.at[0], isem).wait()

    def fire_g(i):
        sb = lax.rem(i // IB, 2)
        pltpu.make_async_copy(tab.at[sidx_v.at[sb, lax.rem(i, IB)]],
                              rows_v.at[lax.rem(i, NSLOT)], gsem).start()

    def fire_s(i):
        sb = lax.rem(i // IB, 2)
        pltpu.make_async_copy(rows_v.at[lax.rem(i, NSLOT)],
                              acc_sh.at[didx_v.at[sb, lax.rem(i, IB)]],
                              ssem).start(add=True)

    def drain(sem):
        pltpu.make_async_copy(zrow, rows_v.at[0], sem).wait()

    fire_idx(0, 0)
    wait_idx()
    for j in range(LAG):
        fire_g(j)

    def step(i, carry):
        pl.when(lax.rem(i, IB) == 0)(wait_idx)
        pl.when(jnp.logical_and(lax.rem(i, IB) == LAG + 2,
                                i + 2 * IB - LAG - 2 <= CPT))(
            lambda: fire_idx(i + IB - LAG - 2, lax.rem(i // IB + 1, 2)))
        pl.when(i >= NSLOT)(lambda: drain(ssem))
        fire_g(i)
        drain(gsem)
        fire_s(i - LAG)
        return carry

    lax.fori_loop(LAG, CPT, step, 0)
    for j in range(LAG):
        drain(gsem)
        fire_s(CPT - LAG + j)
    for _ in range(NSLOT):
        drain(ssem)
    plsc.subcore_barrier()
    pltpu.sync_copy(acc_sh.at[pl.ds(s * NPT, NPT)],
                    out_hbm.at[c, pl.ds(s * NPT, NPT)])
    plsc.subcore_barrier()


_agg_call = functools.partial(
    pl.kernel,
    out_type=jax.ShapeDtypeStruct((2, NP, FH), jnp.float32),
    mesh=_mesh,
    compiler_params=_linear,
    scratch_types=[
        pltpu.VMEM((2, IB, IDXW), jnp.int32),
        pltpu.VMEM((2, IB, IDXW), jnp.int32),
        pltpu.VMEM((NSLOT, IDXW, FH), jnp.float32),
        pltpu.VMEM_SHARED((NP, FH), jnp.float32),
        pltpu.SemaphoreType.DMA,
        pltpu.SemaphoreType.DMA,
        pltpu.SemaphoreType.DMA,
    ],
)(_agg_body)


_R = 2048


def _dinv_of(degp):
    deg = jnp.sum(degp[0] + degp[1], axis=1, keepdims=True) + 1.0
    return lax.rsqrt(deg)


def _mm1_body(x_ref, w1_ref, degp_ref, u_ref):
    dinv = _dinv_of(degp_ref[...])
    h = jnp.dot(x_ref[...], w1_ref[...], preferred_element_type=jnp.float32)
    u = h * dinv
    u_ref[0] = u[:, :FH]
    u_ref[1] = u[:, FH:]


def _mm23_body(agg_ref, u_ref, degp_ref, w_ref, b_ref, o_ref, *, last):
    dinv = _dinv_of(degp_ref[...])
    t0 = (agg_ref[0] + u_ref[0]) * dinv
    t1 = (agg_ref[1] + u_ref[1]) * dinv
    h = jnp.concatenate([t0, t1], axis=1) + b_ref[...]
    h = jnp.maximum(h, 0.0)
    o = jnp.dot(h, w_ref[...], preferred_element_type=jnp.float32)
    if last:
        o_ref[...] = o
    else:
        o = o * dinv
        o_ref[0] = o[:, :FH]
        o_ref[1] = o[:, FH:]


def _mm_call(body, out_shape, out_spec, in_specs):
    return pl.pallas_call(
        body,
        grid=(NP // _R,),
        in_specs=in_specs,
        out_specs=out_spec,
        out_shape=out_shape,
    )


_spec_half = pl.BlockSpec((2, _R, FH), lambda i: (0, i, 0))
_spec_degp = pl.BlockSpec((2, _R, 16), lambda i: (0, i, 0))


def kernel(x, edge_index, W1, b1, W2, b2, Wfc, bfc):
    ei3 = edge_index.astype(jnp.int32).reshape(2, ER, IDXW)
    ones16 = jnp.full((IDXW, 16), 1.0 / 16, jnp.float32)
    zeros16 = jnp.zeros((NPT, 16), jnp.float32)
    zerosF = jnp.zeros((NPT, FH), jnp.float32)

    degp = _deg_call(ei3, ones16, zeros16)

    u1 = _mm_call(
        _mm1_body,
        jax.ShapeDtypeStruct((2, NP, FH), jnp.float32),
        _spec_half,
        [pl.BlockSpec((_R, 128), lambda i: (i, 0)),
         pl.BlockSpec((128, 256), lambda i: (0, 0)),
         _spec_degp],
    )(x, W1, degp)

    agg1 = _agg_call(u1, ei3, zerosF)

    u2 = _mm_call(
        functools.partial(_mm23_body, last=False),
        jax.ShapeDtypeStruct((2, NP, FH), jnp.float32),
        _spec_half,
        [_spec_half, _spec_half, _spec_degp,
         pl.BlockSpec((256, 256), lambda i: (0, 0)),
         pl.BlockSpec((1, 256), lambda i: (0, 0))],
    )(agg1, u1, degp, W2, b1.reshape(1, 256))

    agg2 = _agg_call(u2, ei3, zerosF)

    wfc_pad = jnp.zeros((256, 128), jnp.float32).at[:, :2].set(Wfc)
    outp = _mm_call(
        functools.partial(_mm23_body, last=True),
        jax.ShapeDtypeStruct((NP, 128), jnp.float32),
        pl.BlockSpec((_R, 128), lambda i: (i, 0)),
        [_spec_half, _spec_half, _spec_degp,
         pl.BlockSpec((256, 128), lambda i: (0, 0)),
         pl.BlockSpec((1, 256), lambda i: (0, 0))],
    )(agg2, u2, degp, wfc_pad, b2.reshape(1, 256))

    return outp[:N, :2] + bfc

# --- scband reference (transcript-rebuilt; emitter-appended) ---
"""Pipeline reference for scband-stgcn-10926396801026 (READ-ONLY COPY).

The authoritative reference and input builder live on the scoring server;
editing this copy changes nothing except your own understanding.
"""

import jax, jax.numpy as jnp
import numpy as np

N_NODES = 10000
N_EDGES = 320000
IN_CH = 128
HID_CH = 256
OUT_CH = 256

def setup_inputs(seed: int = 0) -> dict:
    key = jax.random.key(seed)
    ks = jax.random.split(key, 8)
    x = jax.random.normal(ks[0], (N_NODES, IN_CH), dtype=jnp.float32)
    edge_index = jax.random.randint(ks[1], (2, N_EDGES), 0, N_NODES, dtype=jnp.int64)
    W1 = jax.random.normal(ks[2], (IN_CH, HID_CH), dtype=jnp.float32) * (1.0 / np.sqrt(IN_CH))
    b1 = jnp.zeros((HID_CH,), dtype=jnp.float32)
    W2 = jax.random.normal(ks[3], (HID_CH, OUT_CH), dtype=jnp.float32) * (1.0 / np.sqrt(HID_CH))
    b2 = jnp.zeros((OUT_CH,), dtype=jnp.float32)
    Wfc = jax.random.normal(ks[4], (OUT_CH, 2), dtype=jnp.float32) * (1.0 / np.sqrt(OUT_CH))
    bfc = jnp.zeros((2,), dtype=jnp.float32)
    return {"x": x, "edge_index": edge_index, "W1": W1, "b1": b1, "W2": W2, "b2": b2, "Wfc": Wfc, "bfc": bfc}

def _gcn_conv(x, src, dst, coef, W, b, n):
    # PyG GCNConv: out = D^{-1/2} (A+I) D^{-1/2} X W + b
    h = x @ W
    msg = h[src] * coef[:, None]
    agg = jax.ops.segment_sum(msg, dst, num_segments=n)
    return agg + b

def reference(x, edge_index, W1, b1, W2, b2, Wfc, bfc):
    n = x.shape[0]
    loop = jnp.arange(n, dtype=edge_index.dtype)
    src = jnp.concatenate([edge_index[0], loop])
    dst = jnp.concatenate([edge_index[1], loop])
    deg = jax.ops.segment_sum(jnp.ones_like(dst, dtype=x.dtype), dst, num_segments=n)
    dinv = jnp.where(deg > 0, jax.lax.rsqrt(deg), 0.0)
    coef = dinv[src] * dinv[dst]
    h = _gcn_conv(x, src, dst, coef, W1, b1, n)
    h = jax.nn.relu(h)
    h = _gcn_conv(h, src, dst, coef, W2, b2, n)
    h = jax.nn.relu(h)
    out = h @ Wfc + bfc
    return out

if __name__ == "__main__":
    import jax
    _d = setup_inputs()
    print(jax.jit(kernel)(*tuple(_d.values())))

</pallas_src>

<mosaic_0001>
#map = affine_map<(d0, d1) -> (0, 0, 0)>
#map1 = affine_map<(d0, d1) -> (0, 0)>
module attributes {stable_mosaic.version = 14 : i64} {
  func.func @_deg_body(%arg0: i32, %arg1: i32, %arg2: memref<2x4000x80xi32, #tpu.memory_space<hbm>>, %arg3: memref<80x16xf32, #tpu.memory_space<hbm>>, %arg4: memref<640x16xf32, #tpu.memory_space<hbm>>, %arg5: memref<2x10240x16xf32, #tpu.memory_space<hbm>>, %arg6: memref<2x25x80xi32, #tpu.memory_space<vmem>>, %arg7: memref<80x16xf32, #tpu.memory_space<vmem>>, %arg8: memref<10240x16xf32, #tpu.memory_space<vmem_shared>>, %arg9: memref<!tpu.dma_semaphore, #tpu.memory_space<semaphore_mem>>, %arg10: memref<!tpu.dma_semaphore, #tpu.memory_space<semaphore_mem>>) attributes {dimension_semantics = [#tpu.dimension_semantics<core_parallel>, #tpu.dimension_semantics<subcore_parallel>], iteration_bounds = array<i64: 2, 16>, scalar_prefetch = 0 : i64, scratch_operands = 5 : i64, tpu.core_type = #tpu.core_type<sc_vector_subcore>, window_params = [{transform_indices = #map}, {transform_indices = #map1}, {transform_indices = #map1}, {transform_indices = #map}]} {
    "tpu.region"() ({
      %run_scoped3A = tpu.sem_alloc : memref<!tpu.dma_semaphore, #tpu.memory_space<semaphore_mem>>
      tpu.enqueue_dma source(%arg3 : memref<80x16xf32, #tpu.memory_space<hbm>>) target(%arg7 : memref<80x16xf32, #tpu.memory_space<vmem>>) target_semaphore(%run_scoped3A : memref<!tpu.dma_semaphore, #tpu.memory_space<semaphore_mem>>)
      tpu.wait_dma2 semaphore(%run_scoped3A : memref<!tpu.dma_semaphore, #tpu.memory_space<semaphore_mem>>) src(%arg3 : memref<80x16xf32, #tpu.memory_space<hbm>>) dst(%arg7 : memref<80x16xf32, #tpu.memory_space<vmem>>)
      tpu.yield
    }) : () -> ()
    %mul3A = arith.constant 640 : i32
    %mul3A_0 = arith.muli %arg1, %mul3A : i32
    "tpu.region"() ({
      %run_scoped3A = tpu.sem_alloc : memref<!tpu.dma_semaphore, #tpu.memory_space<semaphore_mem>>
      %dma_start3A_110 = arith.constant 0 : i32
      %dma_start3A_111 = tpu.memref_slice %arg8[%mul3A_0, %dma_start3A_110] : memref<10240x16xf32, #tpu.memory_space<vmem_shared>> -> memref<640x16xf32, #tpu.memory_space<vmem_shared>>
      tpu.enqueue_dma source(%arg4 : memref<640x16xf32, #tpu.memory_space<hbm>>) target(%dma_start3A_111 : memref<640x16xf32, #tpu.memory_space<vmem_shared>>) target_semaphore(%run_scoped3A : memref<!tpu.dma_semaphore, #tpu.memory_space<semaphore_mem>>)
      %dma_wait3A_112 = arith.constant 0 : i32
      %dma_wait3A_113 = tpu.memref_slice %arg8[%mul3A_0, %dma_wait3A_112] : memref<10240x16xf32, #tpu.memory_space<vmem_shared>> -> memref<640x16xf32, #tpu.memory_space<vmem_shared>>
      tpu.wait_dma2 semaphore(%run_scoped3A : memref<!tpu.dma_semaphore, #tpu.memory_space<semaphore_mem>>) src(%arg4 : memref<640x16xf32, #tpu.memory_space<hbm>>) dst(%dma_wait3A_113 : memref<640x16xf32, #tpu.memory_space<vmem_shared>>)
      tpu.yield
    }) : () -> ()
    %barrier3A = arith.constant 0 : index
    tpu.barrier barrier_id(%barrier3A)
    %mul3A_1 = arith.constant 2 : i32
    %mul3A_2 = arith.muli %arg1, %mul3A_1 : i32
    %add3A = arith.addi %mul3A_2, %arg0 : i32
    %mul3A_3 = arith.constant 125 : i32
    %mul3A_4 = arith.muli %add3A, %mul3A_3 : i32
    %add3A_5 = arith.constant 0 : i32
    %add3A_6 = arith.addi %mul3A_4, %add3A_5 : i32
    %dma_start3A = arith.constant 1 : i32
    %dma_start3A_7 = arith.constant 0 : i32
    %dma_start3A_8 = arith.constant 0 : i32
    %dma_start3A_9 = arith.constant 0 : i32
    %dma_start3A_10 = tpu.memref_slice %arg6[%dma_start3A_7, %dma_start3A_8, %dma_start3A_9] : memref<2x25x80xi32, #tpu.memory_space<vmem>> -> memref<1x25x80xi32, #tpu.memory_space<vmem>>
    %dma_start3A_11 = tpu.memref_squeeze %dma_start3A_10 : memref<1x25x80xi32, #tpu.memory_space<vmem>> -> memref<25x80xi32, #tpu.memory_space<vmem>>
    %dma_start3A_12 = arith.constant 0 : i32
    %dma_start3A_13 = arith.constant 0 : i32
    %dma_start3A_14 = tpu.memref_slice %arg2[%dma_start3A, %dma_start3A_12, %dma_start3A_13] : memref<2x4000x80xi32, #tpu.memory_space<hbm>> -> memref<1x4000x80xi32, #tpu.memory_space<hbm>>
    %dma_start3A_15 = tpu.memref_squeeze %dma_start3A_14 : memref<1x4000x80xi32, #tpu.memory_space<hbm>> -> memref<4000x80xi32, #tpu.memory_space<hbm>>
    %dma_start3A_16 = arith.constant 0 : i32
    %dma_start3A_17 = tpu.memref_slice %dma_start3A_15[%add3A_6, %dma_start3A_16] : memref<4000x80xi32, #tpu.memory_space<hbm>> -> memref<25x80xi32, #tpu.memory_space<hbm>>
    %dma_start3A_18 = arith.constant 0 : i32
    %dma_start3A_19 = arith.constant 0 : i32
    %dma_start3A_20 = tpu.memref_slice %arg6[%dma_start3A_7, %dma_start3A_18, %dma_start3A_19] : memref<2x25x80xi32, #tpu.memory_space<vmem>> -> memref<1x25x80xi32, #tpu.memory_space<vmem>>
    %dma_start3A_21 = tpu.memref_squeeze %dma_start3A_20 : memref<1x25x80xi32, #tpu.memory_space<vmem>> -> memref<25x80xi32, #tpu.memory_space<vmem>>
    %dma_start3A_22 = arith.constant 0 : i32
    %dma_start3A_23 = arith.constant 0 : i32
    %dma_start3A_24 = tpu.memref_slice %arg2[%dma_start3A, %dma_start3A_22, %dma_start3A_23] : memref<2x4000x80xi32, #tpu.memory_space<hbm>> -> memref<1x4000x80xi32, #tpu.memory_space<hbm>>
    %dma_start3A_25 = tpu.memref_squeeze %dma_start3A_24 : memref<1x4000x80xi32, #tpu.memory_space<hbm>> -> memref<4000x80xi32, #tpu.memory_space<hbm>>
    %dma_start3A_26 = arith.constant 0 : i32
    %dma_start3A_27 = tpu.memref_slice %dma_start3A_25[%add3A_6, %dma_start3A_26] : memref<4000x80xi32, #tpu.memory_space<hbm>> -> memref<25x80xi32, #tpu.memory_space<hbm>>
    tpu.enqueue_dma source(%dma_start3A_27 : memref<25x80xi32, #tpu.memory_space<hbm>>) target(%dma_start3A_21 : memref<25x80xi32, #tpu.memory_space<vmem>>) target_semaphore(%arg10 : memref<!tpu.dma_semaphore, #tpu.memory_space<semaphore_mem>>)
    %dma_wait3A = arith.constant 1 : i32
    %dma_wait3A_28 = arith.constant 0 : i32
    %dma_wait3A_29 = arith.constant 0 : i32
    %dma_wait3A_30 = arith.constant 0 : i32
    %dma_wait3A_31 = tpu.memref_slice %arg6[%dma_wait3A_28, %dma_wait3A_29, %dma_wait3A_30] : memref<2x25x80xi32, #tpu.memory_space<vmem>> -> memref<1x25x80xi32, #tpu.memory_space<vmem>>
    %dma_wait3A_32 = tpu.memref_squeeze %dma_wait3A_31 : memref<1x25x80xi32, #tpu.memory_space<vmem>> -> memref<25x80xi32, #tpu.memory_space<vmem>>
    %dma_wait3A_33 = arith.constant 0 : i32
    %dma_wait3A_34 = arith.constant 0 : i32
    %dma_wait3A_35 = tpu.memref_slice %arg2[%dma_wait3A, %dma_wait3A_33, %dma_wait3A_34] : memref<2x4000x80xi32, #tpu.memory_space<hbm>> -> memref<1x4000x80xi32, #tpu.memory_space<hbm>>
    %dma_wait3A_36 = tpu.memref_squeeze %dma_wait3A_35 : memref<1x4000x80xi32, #tpu.memory_space<hbm>> -> memref<4000x80xi32, #tpu.memory_space<hbm>>
    %dma_wait3A_37 = arith.constant 0 : i32
    %dma_wait3A_38 = arith.constant 0 : i32
    %dma_wait3A_39 = tpu.memref_slice %dma_wait3A_36[%dma_wait3A_37, %dma_wait3A_38] : memref<4000x80xi32, #tpu.memory_space<hbm>> -> memref<25x80xi32, #tpu.memory_space<hbm>>
    %dma_wait3A_40 = arith.constant 0 : i32
    %dma_wait3A_41 = arith.constant 0 : i32
    %dma_wait3A_42 = tpu.memref_slice %arg6[%dma_wait3A_28, %dma_wait3A_40, %dma_wait3A_41] : memref<2x25x80xi32, #tpu.memory_space<vmem>> -> memref<1x25x80xi32, #tpu.memory_space<vmem>>
    %dma_wait3A_43 = tpu.memref_squeeze %dma_wait3A_42 : memref<1x25x80xi32, #tpu.memory_space<vmem>> -> memref<25x80xi32, #tpu.memory_space<vmem>>
    %dma_wait3A_44 = arith.constant 0 : i32
    %dma_wait3A_45 = arith.constant 0 : i32
    %dma_wait3A_46 = tpu.memref_slice %arg2[%dma_wait3A, %dma_wait3A_44, %dma_wait3A_45] : memref<2x4000x80xi32, #tpu.memory_space<hbm>> -> memref<1x4000x80xi32, #tpu.memory_space<hbm>>
    %dma_wait3A_47 = tpu.memref_squeeze %dma_wait3A_46 : memref<1x4000x80xi32, #tpu.memory_space<hbm>> -> memref<4000x80xi32, #tpu.memory_space<hbm>>
    %dma_wait3A_48 = arith.constant 0 : i32
    %dma_wait3A_49 = arith.constant 0 : i32
    %dma_wait3A_50 = tpu.memref_slice %dma_wait3A_47[%dma_wait3A_48, %dma_wait3A_49] : memref<4000x80xi32, #tpu.memory_space<hbm>> -> memref<25x80xi32, #tpu.memory_space<hbm>>
    tpu.wait_dma2 semaphore(%arg10 : memref<!tpu.dma_semaphore, #tpu.memory_space<semaphore_mem>>) src(%dma_wait3A_50 : memref<25x80xi32, #tpu.memory_space<hbm>>) dst(%dma_wait3A_43 : memref<25x80xi32, #tpu.memory_space<vmem>>)
    %scan3A = arith.constant 0 : i32
    %scan3A_51 = arith.constant 1 : i32
    %scan3A_52 = arith.constant 0 : i32
    %scan3A_53 = arith.constant 125 : i32
    %scan3A_54 = arith.addi %scan3A_52, %scan3A_53 : i32
    %scan3A_55 = arith.constant 1 : i32
    scf.for %scan3A_110 = %scan3A_52 to %scan3A_54 step %scan3A_55  : i32 {
      %rem3A = arith.constant 25 : i32
      %rem3A_111 = arith.remsi %scan3A_110, %rem3A : i32
      %eq3A = arith.constant 0 : i32
      %eq3A_112 = arith.cmpi eq, %rem3A_111, %eq3A : i32
      %gt3A = arith.constant 0 : i32
      %gt3A_113 = arith.cmpi sgt, %scan3A_110, %gt3A : i32
      %and3A = arith.andi %eq3A_112, %gt3A_113 : i1
      %convert_element_type3A = arith.extui %and3A : i1 to i32
      %cond3A = arith.constant 0 : i32
      %cond3A_114 = arith.cmpi ne, %convert_element_type3A, %cond3A : i32
      scf.if %cond3A_114 {
        %dma_wait3A_162 = arith.constant 0 : i32
        %dma_wait3A_163 = arith.constant 0 : i32
        %dma_wait3A_164 = arith.constant 0 : i32
        %dma_wait3A_165 = tpu.memref_slice %arg6[%dma_wait3A_162, %dma_wait3A_163, %dma_wait3A_164] : memref<2x25x80xi32, #tpu.memory_space<vmem>> -> memref<1x25x80xi32, #tpu.memory_space<vmem>>
        %dma_wait3A_166 = tpu.memref_squeeze %dma_wait3A_165 : memref<1x25x80xi32, #tpu.memory_space<vmem>> -> memref<25x80xi32, #tpu.memory_space<vmem>>
        %dma_wait3A_167 = arith.constant 0 : i32
        %dma_wait3A_168 = arith.constant 0 : i32
        %dma_wait3A_169 = tpu.memref_slice %arg2[%scan3A_51, %dma_wait3A_167, %dma_wait3A_168] : memref<2x4000x80xi32, #tpu.memory_space<hbm>> -> memref<1x4000x80xi32, #tpu.memory_space<hbm>>
        %dma_wait3A_170 = tpu.memref_squeeze %dma_wait3A_169 : memref<1x4000x80xi32, #tpu.memory_space<hbm>> -> memref<4000x80xi32, #tpu.memory_space<hbm>>
        %dma_wait3A_171 = arith.constant 0 : i32
        %dma_wait3A_172 = arith.constant 0 : i32
        %dma_wait3A_173 = tpu.memref_slice %dma_wait3A_170[%dma_wait3A_171, %dma_wait3A_172] : memref<4000x80xi32, #tpu.memory_space<hbm>> -> memref<25x80xi32, #tpu.memory_space<hbm>>
        %dma_wait3A_174 = arith.constant 0 : i32
        %dma_wait3A_175 = arith.constant 0 : i32
        %dma_wait3A_176 = tpu.memref_slice %arg6[%dma_wait3A_162, %dma_wait3A_174, %dma_wait3A_175] : memref<2x25x80xi32, #tpu.memory_space<vmem>> -> memref<1x25x80xi32, #tpu.memory_space<vmem>>
        %dma_wait3A_177 = tpu.memref_squeeze %dma_wait3A_176 : memref<1x25x80xi32, #tpu.memory_space<vmem>> -> memref<25x80xi32, #tpu.memory_space<vmem>>
        %dma_wait3A_178 = arith.constant 0 : i32
        %dma_wait3A_179 = arith.constant 0 : i32
        %dma_wait3A_180 = tpu.memref_slice %arg2[%scan3A_51, %dma_wait3A_178, %dma_wait3A_179] : memref<2x4000x80xi32, #tpu.memory_space<hbm>> -> memref<1x4000x80xi32, #tpu.memory_space<hbm>>
        %dma_wait3A_181 = tpu.memref_squeeze %dma_wait3A_180 : memref<1x4000x80xi32, #tpu.memory_space<hbm>> -> memref<4000x80xi32, #tpu.memory_space<hbm>>
        %dma_wait3A_182 = arith.constant 0 : i32
        %dma_wait3A_183 = arith.constant 0 : i32
        %dma_wait3A_184 = tpu.memref_slice %dma_wait3A_181[%dma_wait3A_182, %dma_wait3A_183] : memref<4000x80xi32, #tpu.memory_space<hbm>> -> memref<25x80xi32, #tpu.memory_space<hbm>>
        tpu.wait_dma2 semaphore(%arg10 : memref<!tpu.dma_semaphore, #tpu.memory_space<semaphore_mem>>) src(%dma_wait3A_184 : memref<25x80xi32, #tpu.memory_space<hbm>>) dst(%dma_wait3A_177 : memref<25x80xi32, #tpu.memory_space<vmem>>)
      } else {
      }
      %rem3A_115 = arith.constant 25 : i32
      %rem3A_116 = arith.remsi %scan3A_110, %rem3A_115 : i32
      %eq3A_117 = arith.constant 9 : i32
      %eq3A_118 = arith.cmpi eq, %rem3A_116, %eq3A_117 : i32
      %add3A_119 = arith.constant 50 : i32
      %add3A_120 = arith.addi %scan3A_110, %add3A_119 : i32
      %sub3A = arith.constant 8 : i32
      %sub3A_121 = arith.subi %add3A_120, %sub3A : i32
      %sub3A_122 = arith.constant 1 : i32
      %sub3A_123 = arith.subi %sub3A_121, %sub3A_122 : i32
      %le3A = arith.constant 125 : i32
      %le3A_124 = arith.cmpi sle, %sub3A_123, %le3A : i32
      %and3A_125 = arith.andi %eq3A_118, %le3A_124 : i1
      %convert_element_type3A_126 = arith.extui %and3A_125 : i1 to i32
      %cond3A_127 = arith.constant 0 : i32
      %cond3A_128 = arith.cmpi ne, %convert_element_type3A_126, %cond3A_127 : i32
      scf.if %cond3A_128 {
        %add3A_162 = arith.constant 25 : i32
        %add3A_163 = arith.addi %scan3A_110, %add3A_162 : i32
        %sub3A_164 = arith.constant 8 : i32
        %sub3A_165 = arith.subi %add3A_163, %sub3A_164 : i32
        %sub3A_166 = arith.constant 1 : i32
        %sub3A_167 = arith.subi %sub3A_165, %sub3A_166 : i32
        %jit3A_168 = arith.constant 25 : i32
        %div3A_169 = arith.divsi %scan3A_110, %jit3A_168 : i32
        %sign3A_170 = arith.constant 0 : i32
        %sign3A_171 = arith.cmpi sgt, %scan3A_110, %sign3A_170 : i32
        %sign3A_172 = arith.extui %sign3A_171 : i1 to i32
        %sign3A_173 = arith.constant 0 : i32
        %sign3A_174 = arith.cmpi slt, %scan3A_110, %sign3A_173 : i32
        %sign3A_175 = arith.extui %sign3A_174 : i1 to i32
        %sign3A_176 = arith.subi %sign3A_172, %sign3A_175 : i32
        %sign3A_177 = arith.constant 0 : i32
        %sign3A_178 = arith.cmpi sgt, %jit3A_168, %sign3A_177 : i32
        %sign3A_179 = arith.extui %sign3A_178 : i1 to i32
        %sign3A_180 = arith.constant 0 : i32
        %sign3A_181 = arith.cmpi slt, %jit3A_168, %sign3A_180 : i32
        %sign3A_182 = arith.extui %sign3A_181 : i1 to i32
        %sign3A_183 = arith.subi %sign3A_179, %sign3A_182 : i32
        %ne3A_184 = arith.cmpi ne, %sign3A_176, %sign3A_183 : i32
        %rem3A_185 = arith.remsi %scan3A_110, %jit3A_168 : i32
        %ne3A_186 = arith.constant 0 : i32
        %ne3A_187 = arith.cmpi ne, %rem3A_185, %ne3A_186 : i32
        %and3A_188 = arith.andi %ne3A_184, %ne3A_187 : i1
        %sub3A_189 = arith.constant 1 : i32
        %sub3A_190 = arith.subi %div3A_169, %sub3A_189 : i32
        %select_n3A_191 = arith.select %and3A_188, %sub3A_190, %div3A_169 : i32
        %add3A_192 = arith.constant 1 : i32
        %add3A_193 = arith.addi %select_n3A_191, %add3A_192 : i32
        %rem3A_194 = arith.constant 2 : i32
        %rem3A_195 = arith.remsi %add3A_193, %rem3A_194 : i32
        %add3A_196 = arith.addi %mul3A_4, %sub3A_167 : i32
        %dma_start3A_197 = arith.constant 0 : i32
        %dma_start3A_198 = arith.constant 0 : i32
        %dma_start3A_199 = tpu.memref_slice %arg6[%rem3A_195, %dma_start3A_197, %dma_start3A_198] : memref<2x25x80xi32, #tpu.memory_space<vmem>> -> memref<1x25x80xi32, #tpu.memory_space<vmem>>
        %dma_start3A_200 = tpu.memref_squeeze %dma_start3A_199 : memref<1x25x80xi32, #tpu.memory_space<vmem>> -> memref<25x80xi32, #tpu.memory_space<vmem>>
        %dma_start3A_201 = arith.constant 0 : i32
        %dma_start3A_202 = arith.constant 0 : i32
        %dma_start3A_203 = tpu.memref_slice %arg2[%scan3A_51, %dma_start3A_201, %dma_start3A_202] : memref<2x4000x80xi32, #tpu.memory_space<hbm>> -> memref<1x4000x80xi32, #tpu.memory_space<hbm>>
        %dma_start3A_204 = tpu.memref_squeeze %dma_start3A_203 : memref<1x4000x80xi32, #tpu.memory_space<hbm>> -> memref<4000x80xi32, #tpu.memory_space<hbm>>
        %dma_start3A_205 = arith.constant 0 : i32
        %dma_start3A_206 = tpu.memref_slice %dma_start3A_204[%add3A_196, %dma_start3A_205] : memref<4000x80xi32, #tpu.memory_space<hbm>> -> memref<25x80xi32, #tpu.memory_space<hbm>>
        %dma_start3A_207 = arith.constant 0 : i32
        %dma_start3A_208 = arith.constant 0 : i32
        %dma_start3A_209 = tpu.memref_slice %arg6[%rem3A_195, %dma_start3A_207, %dma_start3A_208] : memref<2x25x80xi32, #tpu.memory_space<vmem>> -> memref<1x25x80xi32, #tpu.memory_space<vmem>>
        %dma_start3A_210 = tpu.memref_squeeze %dma_start3A_209 : memref<1x25x80xi32, #tpu.memory_space<vmem>> -> memref<25x80xi32, #tpu.memory_space<vmem>>
        %dma_start3A_211 = arith.constant 0 : i32
        %dma_start3A_212 = arith.constant 0 : i32
        %dma_start3A_213 = tpu.memref_slice %arg2[%scan3A_51, %dma_start3A_211, %dma_start3A_212] : memref<2x4000x80xi32, #tpu.memory_space<hbm>> -> memref<1x4000x80xi32, #tpu.memory_space<hbm>>
        %dma_start3A_214 = tpu.memref_squeeze %dma_start3A_213 : memref<1x4000x80xi32, #tpu.memory_space<hbm>> -> memref<4000x80xi32, #tpu.memory_space<hbm>>
        %dma_start3A_215 = arith.constant 0 : i32
        %dma_start3A_216 = tpu.memref_slice %dma_start3A_214[%add3A_196, %dma_start3A_215] : memref<4000x80xi32, #tpu.memory_space<hbm>> -> memref<25x80xi32, #tpu.memory_space<hbm>>
        tpu.enqueue_dma source(%dma_start3A_216 : memref<25x80xi32, #tpu.memory_space<hbm>>) target(%dma_start3A_210 : memref<25x80xi32, #tpu.memory_space<vmem>>) target_semaphore(%arg10 : memref<!tpu.dma_semaphore, #tpu.memory_space<semaphore_mem>>)
      } else {
      }
      %ge3A = arith.constant 8 : i32
      %ge3A_129 = arith.cmpi sge, %scan3A_110, %ge3A : i32
      %convert_element_type3A_130 = arith.extui %ge3A_129 : i1 to i32
      %cond3A_131 = arith.constant 0 : i32
      %cond3A_132 = arith.cmpi ne, %convert_element_type3A_130, %cond3A_131 : i32
      scf.if %cond3A_132 {
        %dma_wait3A_162 = arith.constant 0 : i32
        %dma_wait3A_163 = arith.constant 0 : i32
        %dma_wait3A_164 = tpu.memref_slice %arg4[%dma_wait3A_162, %dma_wait3A_163] : memref<640x16xf32, #tpu.memory_space<hbm>> -> memref<80x16xf32, #tpu.memory_space<hbm>>
        %dma_wait3A_165 = arith.constant 0 : i32
        %dma_wait3A_166 = arith.constant 0 : i32
        %dma_wait3A_167 = tpu.memref_slice %arg4[%dma_wait3A_165, %dma_wait3A_166] : memref<640x16xf32, #tpu.memory_space<hbm>> -> memref<80x16xf32, #tpu.memory_space<hbm>>
        tpu.wait_dma2 semaphore(%arg9 : memref<!tpu.dma_semaphore, #tpu.memory_space<semaphore_mem>>) src(%dma_wait3A_167 : memref<80x16xf32, #tpu.memory_space<hbm>>) dst(%arg7 : memref<80x16xf32, #tpu.memory_space<vmem>>)
      } else {
      }
      %jit3A = arith.constant 25 : i32
      %div3A = arith.divsi %scan3A_110, %jit3A : i32
      %sign3A = arith.constant 0 : i32
      %sign3A_133 = arith.cmpi sgt, %scan3A_110, %sign3A : i32
      %sign3A_134 = arith.extui %sign3A_133 : i1 to i32
      %sign3A_135 = arith.constant 0 : i32
      %sign3A_136 = arith.cmpi slt, %scan3A_110, %sign3A_135 : i32
      %sign3A_137 = arith.extui %sign3A_136 : i1 to i32
      %sign3A_138 = arith.subi %sign3A_134, %sign3A_137 : i32
      %sign3A_139 = arith.constant 0 : i32
      %sign3A_140 = arith.cmpi sgt, %jit3A, %sign3A_139 : i32
      %sign3A_141 = arith.extui %sign3A_140 : i1 to i32
      %sign3A_142 = arith.constant 0 : i32
      %sign3A_143 = arith.cmpi slt, %jit3A, %sign3A_142 : i32
      %sign3A_144 = arith.extui %sign3A_143 : i1 to i32
      %sign3A_145 = arith.subi %sign3A_141, %sign3A_144 : i32
      %ne3A = arith.cmpi ne, %sign3A_138, %sign3A_145 : i32
      %rem3A_146 = arith.remsi %scan3A_110, %jit3A : i32
      %ne3A_147 = arith.constant 0 : i32
      %ne3A_148 = arith.cmpi ne, %rem3A_146, %ne3A_147 : i32
      %and3A_149 = arith.andi %ne3A, %ne3A_148 : i1
      %sub3A_150 = arith.constant 1 : i32
      %sub3A_151 = arith.subi %div3A, %sub3A_150 : i32
      %select_n3A = arith.select %and3A_149, %sub3A_151, %div3A : i32
      %rem3A_152 = arith.constant 2 : i32
      %rem3A_153 = arith.remsi %select_n3A, %rem3A_152 : i32
      %rem3A_154 = arith.constant 25 : i32
      %rem3A_155 = arith.remsi %scan3A_110, %rem3A_154 : i32
      %dma_start3A_156 = arith.constant 0 : i32
      %dma_start3A_157 = tpu.memref_slice %arg6[%rem3A_153, %rem3A_155, %dma_start3A_156] : memref<2x25x80xi32, #tpu.memory_space<vmem>> -> memref<1x1x80xi32, #tpu.memory_space<vmem>>
      %dma_start3A_158 = tpu.memref_squeeze %dma_start3A_157 : memref<1x1x80xi32, #tpu.memory_space<vmem>> -> memref<80xi32, #tpu.memory_space<vmem>>
      %dma_start3A_159 = arith.constant 0 : i32
      %dma_start3A_160 = arith.constant 0 : i32
      %dma_start3A_161 = tpu.memref_slice %arg8[%dma_start3A_159, %dma_start3A_160] : memref<10240x16xf32, #tpu.memory_space<vmem_shared>> -> memref<10240x16xf32, #tpu.memory_space<vmem_shared>>
      tpu.enqueue_indirect_dma source(%arg7 : memref<80x16xf32, #tpu.memory_space<vmem>>) target(%dma_start3A_161 : memref<10240x16xf32, #tpu.memory_space<vmem_shared>>) offsets(%dma_start3A_158 : memref<80xi32, #tpu.memory_space<vmem>>) semaphore(%arg9 : memref<!tpu.dma_semaphore, #tpu.memory_space<semaphore_mem>>) {add = true}
    }
    %scan3A_56 = arith.constant 125 : i32
    %dma_wait3A_57 = arith.constant 0 : i32
    %dma_wait3A_58 = arith.constant 0 : i32
    %dma_wait3A_59 = tpu.memref_slice %arg4[%dma_wait3A_57, %dma_wait3A_58] : memref<640x16xf32, #tpu.memory_space<hbm>> -> memref<80x16xf32, #tpu.memory_space<hbm>>
    %dma_wait3A_60 = arith.constant 0 : i32
    %dma_wait3A_61 = arith.constant 0 : i32
    %dma_wait3A_62 = tpu.memref_slice %arg4[%dma_wait3A_60, %dma_wait3A_61] : memref<640x16xf32, #tpu.memory_space<hbm>> -> memref<80x16xf32, #tpu.memory_space<hbm>>
    tpu.wait_dma2 semaphore(%arg9 : memref<!tpu.dma_semaphore, #tpu.memory_space<semaphore_mem>>) src(%dma_wait3A_62 : memref<80x16xf32, #tpu.memory_space<hbm>>) dst(%arg7 : memref<80x16xf32, #tpu.memory_space<vmem>>)
    %dma_wait3A_63 = arith.constant 0 : i32
    %dma_wait3A_64 = arith.constant 0 : i32
    %dma_wait3A_65 = tpu.memref_slice %arg4[%dma_wait3A_63, %dma_wait3A_64] : memref<640x16xf32, #tpu.memory_space<hbm>> -> memref<80x16xf32, #tpu.memory_space<hbm>>
    %dma_wait3A_66 = arith.constant 0 : i32
    %dma_wait3A_67 = arith.constant 0 : i32
    %dma_wait3A_68 = tpu.memref_slice %arg4[%dma_wait3A_66, %dma_wait3A_67] : memref<640x16xf32, #tpu.memory_space<hbm>> -> memref<80x16xf32, #tpu.memory_space<hbm>>
    tpu.wait_dma2 semaphore(%arg9 : memref<!tpu.dma_semaphore, #tpu.memory_space<semaphore_mem>>) src(%dma_wait3A_68 : memref<80x16xf32, #tpu.memory_space<hbm>>) dst(%arg7 : memref<80x16xf32, #tpu.memory_space<vmem>>)
    %dma_wait3A_69 = arith.constant 0 : i32
    %dma_wait3A_70 = arith.constant 0 : i32
    %dma_wait3A_71 = tpu.memref_slice %arg4[%dma_wait3A_69, %dma_wait3A_70] : memref<640x16xf32, #tpu.memory_space<hbm>> -> memref<80x16xf32, #tpu.memory_space<hbm>>
    %dma_wait3A_72 = arith.constant 0 : i32
    %dma_wait3A_73 = arith.constant 0 : i32
    %dma_wait3A_74 = tpu.memref_slice %arg4[%dma_wait3A_72, %dma_wait3A_73] : memref<640x16xf32, #tpu.memory_space<hbm>> -> memref<80x16xf32, #tpu.memory_space<hbm>>
    tpu.wait_dma2 semaphore(%arg9 : memref<!tpu.dma_semaphore, #tpu.memory_space<semaphore_mem>>) src(%dma_wait3A_74 : memref<80x16xf32, #tpu.memory_space<hbm>>) dst(%arg7 : memref<80x16xf32, #tpu.memory_space<vmem>>)
    %dma_wait3A_75 = arith.constant 0 : i32
    %dma_wait3A_76 = arith.constant 0 : i32
    %dma_wait3A_77 = tpu.memref_slice %arg4[%dma_wait3A_75, %dma_wait3A_76] : memref<640x16xf32, #tpu.memory_space<hbm>> -> memref<80x16xf32, #tpu.memory_space<hbm>>
    %dma_wait3A_78 = arith.constant 0 : i32
    %dma_wait3A_79 = arith.constant 0 : i32
    %dma_wait3A_80 = tpu.memref_slice %arg4[%dma_wait3A_78, %dma_wait3A_79] : memref<640x16xf32, #tpu.memory_space<hbm>> -> memref<80x16xf32, #tpu.memory_space<hbm>>
    tpu.wait_dma2 semaphore(%arg9 : memref<!tpu.dma_semaphore, #tpu.memory_space<semaphore_mem>>) src(%dma_wait3A_80 : memref<80x16xf32, #tpu.memory_space<hbm>>) dst(%arg7 : memref<80x16xf32, #tpu.memory_space<vmem>>)
    %dma_wait3A_81 = arith.constant 0 : i32
    %dma_wait3A_82 = arith.constant 0 : i32
    %dma_wait3A_83 = tpu.memref_slice %arg4[%dma_wait3A_81, %dma_wait3A_82] : memref<640x16xf32, #tpu.memory_space<hbm>> -> memref<80x16xf32, #tpu.memory_space<hbm>>
    %dma_wait3A_84 = arith.constant 0 : i32
    %dma_wait3A_85 = arith.constant 0 : i32
    %dma_wait3A_86 = tpu.memref_slice %arg4[%dma_wait3A_84, %dma_wait3A_85] : memref<640x16xf32, #tpu.memory_space<hbm>> -> memref<80x16xf32, #tpu.memory_space<hbm>>
    tpu.wait_dma2 semaphore(%arg9 : memref<!tpu.dma_semaphore, #tpu.memory_space<semaphore_mem>>) src(%dma_wait3A_86 : memref<80x16xf32, #tpu.memory_space<hbm>>) dst(%arg7 : memref<80x16xf32, #tpu.memory_space<vmem>>)
    %dma_wait3A_87 = arith.constant 0 : i32
    %dma_wait3A_88 = arith.constant 0 : i32
    %dma_wait3A_89 = tpu.memref_slice %arg4[%dma_wait3A_87, %dma_wait3A_88] : memref<640x16xf32, #tpu.memory_space<hbm>> -> memref<80x16xf32, #tpu.memory_space<hbm>>
    %dma_wait3A_90 = arith.constant 0 : i32
    %dma_wait3A_91 = arith.constant 0 : i32
    %dma_wait3A_92 = tpu.memref_slice %arg4[%dma_wait3A_90, %dma_wait3A_91] : memref<640x16xf32, #tpu.memory_space<hbm>> -> memref<80x16xf32, #tpu.memory_space<hbm>>
    tpu.wait_dma2 semaphore(%arg9 : memref<!tpu.dma_semaphore, #tpu.memory_space<semaphore_mem>>) src(%dma_wait3A_92 : memref<80x16xf32, #tpu.memory_space<hbm>>) dst(%arg7 : memref<80x16xf32, #tpu.memory_space<vmem>>)
    %dma_wait3A_93 = arith.constant 0 : i32
    %dma_wait3A_94 = arith.constant 0 : i32
    %dma_wait3A_95 = tpu.memref_slice %arg4[%dma_wait3A_93, %dma_wait3A_94] : memref<640x16xf32, #tpu.memory_space<hbm>> -> memref<80x16xf32, #tpu.memory_space<hbm>>
    %dma_wait3A_96 = arith.constant 0 : i32
    %dma_wait3A_97 = arith.constant 0 : i32
    %dma_wait3A_98 = tpu.memref_slice %arg4[%dma_wait3A_96, %dma_wait3A_97] : memref<640x16xf32, #tpu.memory_space<hbm>> -> memref<80x16xf32, #tpu.memory_space<hbm>>
    tpu.wait_dma2 semaphore(%arg9 : memref<!tpu.dma_semaphore, #tpu.memory_space<semaphore_mem>>) src(%dma_wait3A_98 : memref<80x16xf32, #tpu.memory_space<hbm>>) dst(%arg7 : memref<80x16xf32, #tpu.memory_space<vmem>>)
    %dma_wait3A_99 = arith.constant 0 : i32
    %dma_wait3A_100 = arith.constant 0 : i32
    %dma_wait3A_101 = tpu.memref_slice %arg4[%dma_wait3A_99, %dma_wait3A_100] : memref<640x16xf32, #tpu.memory_space<hbm>> -> memref<80x16xf32, #tpu.memory_space<hbm>>
    %dma_wait3A_102 = arith.constant 0 : i32
    %dma_wait3A_103 = arith.constant 0 : i32
    %dma_wait3A_104 = tpu.memref_slice %arg4[%dma_wait3A_102, %dma_wait3A_103] : memref<640x16xf32, #tpu.memory_space<hbm>> -> memref<80x16xf32, #tpu.memory_space<hbm>>
    tpu.wait_dma2 semaphore(%arg9 : memref<!tpu.dma_semaphore, #tpu.memory_space<semaphore_mem>>) src(%dma_wait3A_104 : memref<80x16xf32, #tpu.memory_space<hbm>>) dst(%arg7 : memref<80x16xf32, #tpu.memory_space<vmem>>)
    %barrier3A_105 = arith.constant 0 : index
    tpu.barrier barrier_id(%barrier3A_105)
    %mul3A_106 = arith.constant 640 : i32
    %mul3A_107 = arith.muli %arg1, %mul3A_106 : i32
    %mul3A_108 = arith.constant 640 : i32
    %mul3A_109 = arith.muli %arg1, %mul3A_108 : i32
    "tpu.region"() ({
      %run_scoped3A = tpu.sem_alloc : memref<!tpu.dma_semaphore, #tpu.memory_space<semaphore_mem>>
      %dma_start3A_110 = arith.constant 0 : i32
      %dma_start3A_111 = tpu.memref_slice %arg5[%arg0, %mul3A_109, %dma_start3A_110] : memref<2x10240x16xf32, #tpu.memory_space<hbm>> -> memref<1x640x16xf32, #tpu.memory_space<hbm>>
      %dma_start3A_112 = tpu.memref_squeeze %dma_start3A_111 : memref<1x640x16xf32, #tpu.memory_space<hbm>> -> memref<640x16xf32, #tpu.memory_space<hbm>>
      %dma_start3A_113 = arith.constant 0 : i32
      %dma_start3A_114 = tpu.memref_slice %arg8[%mul3A_107, %dma_start3A_113] : memref<10240x16xf32, #tpu.memory_space<vmem_shared>> -> memref<640x16xf32, #tpu.memory_space<vmem_shared>>
      tpu.enqueue_dma source(%dma_start3A_114 : memref<640x16xf32, #tpu.memory_space<vmem_shared>>) target(%dma_start3A_112 : memref<640x16xf32, #tpu.memory_space<hbm>>) target_semaphore(%run_scoped3A : memref<!tpu.dma_semaphore, #tpu.memory_space<semaphore_mem>>)
      %dma_wait3A_115 = arith.constant 0 : i32
      %dma_wait3A_116 = tpu.memref_slice %arg5[%arg0, %mul3A_109, %dma_wait3A_115] : memref<2x10240x16xf32, #tpu.memory_space<hbm>> -> memref<1x640x16xf32, #tpu.memory_space<hbm>>
      %dma_wait3A_117 = tpu.memref_squeeze %dma_wait3A_116 : memref<1x640x16xf32, #tpu.memory_space<hbm>> -> memref<640x16xf32, #tpu.memory_space<hbm>>
      %dma_wait3A_118 = arith.constant 0 : i32
      %dma_wait3A_119 = tpu.memref_slice %arg8[%mul3A_107, %dma_wait3A_118] : memref<10240x16xf32, #tpu.memory_space<vmem_shared>> -> memref<640x16xf32, #tpu.memory_space<vmem_shared>>
      tpu.wait_dma2 semaphore(%run_scoped3A : memref<!tpu.dma_semaphore, #tpu.memory_space<semaphore_mem>>) src(%dma_wait3A_119 : memref<640x16xf32, #tpu.memory_space<vmem_shared>>) dst(%dma_wait3A_117 : memref<640x16xf32, #tpu.memory_space<hbm>>)
      tpu.yield
    }) : () -> ()
    return
  }
}

#map = affine_map<(d0, d1) -> (0, 0, 0)>
#map1 = affine_map<(d0, d1) -> (0, 0)>
module attributes {stable_mosaic.version = 14 : i64} {
  func.func @_agg_body(%arg0: i32, %arg1: i32, %arg2: memref<2x10240x128xf32, #tpu.memory_space<hbm>>, %arg3: memref<2x4000x80xi32, #tpu.memory_space<hbm>>, %arg4: memref<640x128xf32, #tpu.memory_space<hbm>>, %arg5: memref<2x10240x128xf32, #tpu.memory_space<hbm>>, %arg6: memref<2x10x80xi32, #tpu.memory_space<vmem>>, %arg7: memref<2x10x80xi32, #tpu.memory_space<vmem>>, %arg8: memref<4x80x128xf32, #tpu.memory_space<vmem>>, %arg9: memref<10240x128xf32, #tpu.memory_space<vmem_shared>>, %arg10: memref<!tpu.dma_semaphore, #tpu.memory_space<semaphore_mem>>, %arg11: memref<!tpu.dma_semaphore, #tpu.memory_space<semaphore_mem>>, %arg12: memref<!tpu.dma_semaphore, #tpu.memory_space<semaphore_mem>>) attributes {dimension_semantics = [#tpu.dimension_semantics<core_parallel>, #tpu.dimension_semantics<subcore_parallel>], iteration_bounds = array<i64: 2, 16>, scalar_prefetch = 0 : i64, scratch_operands = 7 : i64, tpu.core_type = #tpu.core_type<sc_vector_subcore>, window_params = [{transform_indices = #map}, {transform_indices = #map}, {transform_indices = #map1}, {transform_indices = #map}]} {
    %mul3A = arith.constant 640 : i32
    %mul3A_0 = arith.muli %arg1, %mul3A : i32
    "tpu.region"() ({
      %run_scoped3A = tpu.sem_alloc : memref<!tpu.dma_semaphore, #tpu.memory_space<semaphore_mem>>
      %dma_start3A_282 = arith.constant 0 : i32
      %dma_start3A_283 = tpu.memref_slice %arg9[%mul3A_0, %dma_start3A_282] : memref<10240x128xf32, #tpu.memory_space<vmem_shared>> -> memref<640x128xf32, #tpu.memory_space<vmem_shared>>
      tpu.enqueue_dma source(%arg4 : memref<640x128xf32, #tpu.memory_space<hbm>>) target(%dma_start3A_283 : memref<640x128xf32, #tpu.memory_space<vmem_shared>>) target_semaphore(%run_scoped3A : memref<!tpu.dma_semaphore, #tpu.memory_space<semaphore_mem>>)
      %dma_wait3A_284 = arith.constant 0 : i32
      %dma_wait3A_285 = tpu.memref_slice %arg9[%mul3A_0, %dma_wait3A_284] : memref<10240x128xf32, #tpu.memory_space<vmem_shared>> -> memref<640x128xf32, #tpu.memory_space<vmem_shared>>
      tpu.wait_dma2 semaphore(%run_scoped3A : memref<!tpu.dma_semaphore, #tpu.memory_space<semaphore_mem>>) src(%arg4 : memref<640x128xf32, #tpu.memory_space<hbm>>) dst(%dma_wait3A_285 : memref<640x128xf32, #tpu.memory_space<vmem_shared>>)
      tpu.yield
    }) : () -> ()
    %barrier3A = arith.constant 0 : index
    tpu.barrier barrier_id(%barrier3A)
    %mul3A_1 = arith.constant 250 : i32
    %mul3A_2 = arith.muli %arg1, %mul3A_1 : i32
    %add3A = arith.constant 0 : i32
    %add3A_3 = arith.addi %mul3A_2, %add3A : i32
    %dma_start3A = arith.constant 0 : i32
    %dma_start3A_4 = arith.constant 0 : i32
    %dma_start3A_5 = arith.constant 0 : i32
    %dma_start3A_6 = arith.constant 0 : i32
    %dma_start3A_7 = tpu.memref_slice %arg6[%dma_start3A_4, %dma_start3A_5, %dma_start3A_6] : memref<2x10x80xi32, #tpu.memory_space<vmem>> -> memref<1x10x80xi32, #tpu.memory_space<vmem>>
    %dma_start3A_8 = tpu.memref_squeeze %dma_start3A_7 : memref<1x10x80xi32, #tpu.memory_space<vmem>> -> memref<10x80xi32, #tpu.memory_space<vmem>>
    %dma_start3A_9 = arith.constant 0 : i32
    %dma_start3A_10 = arith.constant 0 : i32
    %dma_start3A_11 = tpu.memref_slice %arg3[%dma_start3A, %dma_start3A_9, %dma_start3A_10] : memref<2x4000x80xi32, #tpu.memory_space<hbm>> -> memref<1x4000x80xi32, #tpu.memory_space<hbm>>
    %dma_start3A_12 = tpu.memref_squeeze %dma_start3A_11 : memref<1x4000x80xi32, #tpu.memory_space<hbm>> -> memref<4000x80xi32, #tpu.memory_space<hbm>>
    %dma_start3A_13 = arith.constant 0 : i32
    %dma_start3A_14 = tpu.memref_slice %dma_start3A_12[%add3A_3, %dma_start3A_13] : memref<4000x80xi32, #tpu.memory_space<hbm>> -> memref<10x80xi32, #tpu.memory_space<hbm>>
    %dma_start3A_15 = arith.constant 0 : i32
    %dma_start3A_16 = arith.constant 0 : i32
    %dma_start3A_17 = tpu.memref_slice %arg6[%dma_start3A_4, %dma_start3A_15, %dma_start3A_16] : memref<2x10x80xi32, #tpu.memory_space<vmem>> -> memref<1x10x80xi32, #tpu.memory_space<vmem>>
    %dma_start3A_18 = tpu.memref_squeeze %dma_start3A_17 : memref<1x10x80xi32, #tpu.memory_space<vmem>> -> memref<10x80xi32, #tpu.memory_space<vmem>>
    %dma_start3A_19 = arith.constant 0 : i32
    %dma_start3A_20 = arith.constant 0 : i32
    %dma_start3A_21 = tpu.memref_slice %arg3[%dma_start3A, %dma_start3A_19, %dma_start3A_20] : memref<2x4000x80xi32, #tpu.memory_space<hbm>> -> memref<1x4000x80xi32, #tpu.memory_space<hbm>>
    %dma_start3A_22 = tpu.memref_squeeze %dma_start3A_21 : memref<1x4000x80xi32, #tpu.memory_space<hbm>> -> memref<4000x80xi32, #tpu.memory_space<hbm>>
    %dma_start3A_23 = arith.constant 0 : i32
    %dma_start3A_24 = tpu.memref_slice %dma_start3A_22[%add3A_3, %dma_start3A_23] : memref<4000x80xi32, #tpu.memory_space<hbm>> -> memref<10x80xi32, #tpu.memory_space<hbm>>
    tpu.enqueue_dma source(%dma_start3A_24 : memref<10x80xi32, #tpu.memory_space<hbm>>) target(%dma_start3A_18 : memref<10x80xi32, #tpu.memory_space<vmem>>) target_semaphore(%arg12 : memref<!tpu.dma_semaphore, #tpu.memory_space<semaphore_mem>>)
    %add3A_25 = arith.constant 0 : i32
    %add3A_26 = arith.addi %mul3A_2, %add3A_25 : i32
    %dma_start3A_27 = arith.constant 1 : i32
    %dma_start3A_28 = arith.constant 0 : i32
    %dma_start3A_29 = arith.constant 0 : i32
    %dma_start3A_30 = arith.constant 0 : i32
    %dma_start3A_31 = tpu.memref_slice %arg7[%dma_start3A_28, %dma_start3A_29, %dma_start3A_30] : memref<2x10x80xi32, #tpu.memory_space<vmem>> -> memref<1x10x80xi32, #tpu.memory_space<vmem>>
    %dma_start3A_32 = tpu.memref_squeeze %dma_start3A_31 : memref<1x10x80xi32, #tpu.memory_space<vmem>> -> memref<10x80xi32, #tpu.memory_space<vmem>>
    %dma_start3A_33 = arith.constant 0 : i32
    %dma_start3A_34 = arith.constant 0 : i32
    %dma_start3A_35 = tpu.memref_slice %arg3[%dma_start3A_27, %dma_start3A_33, %dma_start3A_34] : memref<2x4000x80xi32, #tpu.memory_space<hbm>> -> memref<1x4000x80xi32, #tpu.memory_space<hbm>>
    %dma_start3A_36 = tpu.memref_squeeze %dma_start3A_35 : memref<1x4000x80xi32, #tpu.memory_space<hbm>> -> memref<4000x80xi32, #tpu.memory_space<hbm>>
    %dma_start3A_37 = arith.constant 0 : i32
    %dma_start3A_38 = tpu.memref_slice %dma_start3A_36[%add3A_26, %dma_start3A_37] : memref<4000x80xi32, #tpu.memory_space<hbm>> -> memref<10x80xi32, #tpu.memory_space<hbm>>
    %dma_start3A_39 = arith.constant 0 : i32
    %dma_start3A_40 = arith.constant 0 : i32
    %dma_start3A_41 = tpu.memref_slice %arg7[%dma_start3A_28, %dma_start3A_39, %dma_start3A_40] : memref<2x10x80xi32, #tpu.memory_space<vmem>> -> memref<1x10x80xi32, #tpu.memory_space<vmem>>
    %dma_start3A_42 = tpu.memref_squeeze %dma_start3A_41 : memref<1x10x80xi32, #tpu.memory_space<vmem>> -> memref<10x80xi32, #tpu.memory_space<vmem>>
    %dma_start3A_43 = arith.constant 0 : i32
    %dma_start3A_44 = arith.constant 0 : i32
    %dma_start3A_45 = tpu.memref_slice %arg3[%dma_start3A_27, %dma_start3A_43, %dma_start3A_44] : memref<2x4000x80xi32, #tpu.memory_space<hbm>> -> memref<1x4000x80xi32, #tpu.memory_space<hbm>>
    %dma_start3A_46 = tpu.memref_squeeze %dma_start3A_45 : memref<1x4000x80xi32, #tpu.memory_space<hbm>> -> memref<4000x80xi32, #tpu.memory_space<hbm>>
    %dma_start3A_47 = arith.constant 0 : i32
    %dma_start3A_48 = tpu.memref_slice %dma_start3A_46[%add3A_26, %dma_start3A_47] : memref<4000x80xi32, #tpu.memory_space<hbm>> -> memref<10x80xi32, #tpu.memory_space<hbm>>
    tpu.enqueue_dma source(%dma_start3A_48 : memref<10x80xi32, #tpu.memory_space<hbm>>) target(%dma_start3A_42 : memref<10x80xi32, #tpu.memory_space<vmem>>) target_semaphore(%arg12 : memref<!tpu.dma_semaphore, #tpu.memory_space<semaphore_mem>>)
    %dma_wait3A = arith.constant 0 : i32
    %dma_wait3A_49 = arith.constant 0 : i32
    %dma_wait3A_50 = arith.constant 0 : i32
    %dma_wait3A_51 = arith.constant 0 : i32
    %dma_wait3A_52 = tpu.memref_slice %arg6[%dma_wait3A_49, %dma_wait3A_50, %dma_wait3A_51] : memref<2x10x80xi32, #tpu.memory_space<vmem>> -> memref<1x10x80xi32, #tpu.memory_space<vmem>>
    %dma_wait3A_53 = tpu.memref_squeeze %dma_wait3A_52 : memref<1x10x80xi32, #tpu.memory_space<vmem>> -> memref<10x80xi32, #tpu.memory_space<vmem>>
    %dma_wait3A_54 = arith.constant 0 : i32
    %dma_wait3A_55 = arith.constant 0 : i32
    %dma_wait3A_56 = tpu.memref_slice %arg3[%dma_wait3A, %dma_wait3A_54, %dma_wait3A_55] : memref<2x4000x80xi32, #tpu.memory_space<hbm>> -> memref<1x4000x80xi32, #tpu.memory_space<hbm>>
    %dma_wait3A_57 = tpu.memref_squeeze %dma_wait3A_56 : memref<1x4000x80xi32, #tpu.memory_space<hbm>> -> memref<4000x80xi32, #tpu.memory_space<hbm>>
    %dma_wait3A_58 = arith.constant 0 : i32
    %dma_wait3A_59 = arith.constant 0 : i32
    %dma_wait3A_60 = tpu.memref_slice %dma_wait3A_57[%dma_wait3A_58, %dma_wait3A_59] : memref<4000x80xi32, #tpu.memory_space<hbm>> -> memref<10x80xi32, #tpu.memory_space<hbm>>
    %dma_wait3A_61 = arith.constant 0 : i32
    %dma_wait3A_62 = arith.constant 0 : i32
    %dma_wait3A_63 = tpu.memref_slice %arg6[%dma_wait3A_49, %dma_wait3A_61, %dma_wait3A_62] : memref<2x10x80xi32, #tpu.memory_space<vmem>> -> memref<1x10x80xi32, #tpu.memory_space<vmem>>
    %dma_wait3A_64 = tpu.memref_squeeze %dma_wait3A_63 : memref<1x10x80xi32, #tpu.memory_space<vmem>> -> memref<10x80xi32, #tpu.memory_space<vmem>>
    %dma_wait3A_65 = arith.constant 0 : i32
    %dma_wait3A_66 = arith.constant 0 : i32
    %dma_wait3A_67 = tpu.memref_slice %arg3[%dma_wait3A, %dma_wait3A_65, %dma_wait3A_66] : memref<2x4000x80xi32, #tpu.memory_space<hbm>> -> memref<1x4000x80xi32, #tpu.memory_space<hbm>>
    %dma_wait3A_68 = tpu.memref_squeeze %dma_wait3A_67 : memref<1x4000x80xi32, #tpu.memory_space<hbm>> -> memref<4000x80xi32, #tpu.memory_space<hbm>>
    %dma_wait3A_69 = arith.constant 0 : i32
    %dma_wait3A_70 = arith.constant 0 : i32
    %dma_wait3A_71 = tpu.memref_slice %dma_wait3A_68[%dma_wait3A_69, %dma_wait3A_70] : memref<4000x80xi32, #tpu.memory_space<hbm>> -> memref<10x80xi32, #tpu.memory_space<hbm>>
    tpu.wait_dma2 semaphore(%arg12 : memref<!tpu.dma_semaphore, #tpu.memory_space<semaphore_mem>>) src(%dma_wait3A_71 : memref<10x80xi32, #tpu.memory_space<hbm>>) dst(%dma_wait3A_64 : memref<10x80xi32, #tpu.memory_space<vmem>>)
    %dma_wait3A_72 = arith.constant 1 : i32
    %dma_wait3A_73 = arith.constant 0 : i32
    %dma_wait3A_74 = arith.constant 0 : i32
    %dma_wait3A_75 = arith.constant 0 : i32
    %dma_wait3A_76 = tpu.memref_slice %arg7[%dma_wait3A_73, %dma_wait3A_74, %dma_wait3A_75] : memref<2x10x80xi32, #tpu.memory_space<vmem>> -> memref<1x10x80xi32, #tpu.memory_space<vmem>>
    %dma_wait3A_77 = tpu.memref_squeeze %dma_wait3A_76 : memref<1x10x80xi32, #tpu.memory_space<vmem>> -> memref<10x80xi32, #tpu.memory_space<vmem>>
    %dma_wait3A_78 = arith.constant 0 : i32
    %dma_wait3A_79 = arith.constant 0 : i32
    %dma_wait3A_80 = tpu.memref_slice %arg3[%dma_wait3A_72, %dma_wait3A_78, %dma_wait3A_79] : memref<2x4000x80xi32, #tpu.memory_space<hbm>> -> memref<1x4000x80xi32, #tpu.memory_space<hbm>>
    %dma_wait3A_81 = tpu.memref_squeeze %dma_wait3A_80 : memref<1x4000x80xi32, #tpu.memory_space<hbm>> -> memref<4000x80xi32, #tpu.memory_space<hbm>>
    %dma_wait3A_82 = arith.constant 0 : i32
    %dma_wait3A_83 = arith.constant 0 : i32
    %dma_wait3A_84 = tpu.memref_slice %dma_wait3A_81[%dma_wait3A_82, %dma_wait3A_83] : memref<4000x80xi32, #tpu.memory_space<hbm>> -> memref<10x80xi32, #tpu.memory_space<hbm>>
    %dma_wait3A_85 = arith.constant 0 : i32
    %dma_wait3A_86 = arith.constant 0 : i32
    %dma_wait3A_87 = tpu.memref_slice %arg7[%dma_wait3A_73, %dma_wait3A_85, %dma_wait3A_86] : memref<2x10x80xi32, #tpu.memory_space<vmem>> -> memref<1x10x80xi32, #tpu.memory_space<vmem>>
    %dma_wait3A_88 = tpu.memref_squeeze %dma_wait3A_87 : memref<1x10x80xi32, #tpu.memory_space<vmem>> -> memref<10x80xi32, #tpu.memory_space<vmem>>
    %dma_wait3A_89 = arith.constant 0 : i32
    %dma_wait3A_90 = arith.constant 0 : i32
    %dma_wait3A_91 = tpu.memref_slice %arg3[%dma_wait3A_72, %dma_wait3A_89, %dma_wait3A_90] : memref<2x4000x80xi32, #tpu.memory_space<hbm>> -> memref<1x4000x80xi32, #tpu.memory_space<hbm>>
    %dma_wait3A_92 = tpu.memref_squeeze %dma_wait3A_91 : memref<1x4000x80xi32, #tpu.memory_space<hbm>> -> memref<4000x80xi32, #tpu.memory_space<hbm>>
    %dma_wait3A_93 = arith.constant 0 : i32
    %dma_wait3A_94 = arith.constant 0 : i32
    %dma_wait3A_95 = tpu.memref_slice %dma_wait3A_92[%dma_wait3A_93, %dma_wait3A_94] : memref<4000x80xi32, #tpu.memory_space<hbm>> -> memref<10x80xi32, #tpu.memory_space<hbm>>
    tpu.wait_dma2 semaphore(%arg12 : memref<!tpu.dma_semaphore, #tpu.memory_space<semaphore_mem>>) src(%dma_wait3A_95 : memref<10x80xi32, #tpu.memory_space<hbm>>) dst(%dma_wait3A_88 : memref<10x80xi32, #tpu.memory_space<vmem>>)
    %rem3A = arith.constant 0 : i32
    %rem3A_96 = arith.constant 2 : i32
    %rem3A_97 = arith.remsi %rem3A, %rem3A_96 : i32
    %rem3A_98 = arith.constant 0 : i32
    %rem3A_99 = arith.constant 10 : i32
    %rem3A_100 = arith.remsi %rem3A_98, %rem3A_99 : i32
    %rem3A_101 = arith.constant 0 : i32
    %rem3A_102 = arith.constant 4 : i32
    %rem3A_103 = arith.remsi %rem3A_101, %rem3A_102 : i32
    %dma_start3A_104 = arith.constant 0 : i32
    %dma_start3A_105 = arith.constant 0 : i32
    %dma_start3A_106 = tpu.memref_slice %arg8[%rem3A_103, %dma_start3A_104, %dma_start3A_105] : memref<4x80x128xf32, #tpu.memory_space<vmem>> -> memref<1x80x128xf32, #tpu.memory_space<vmem>>
    %dma_start3A_107 = tpu.memref_squeeze %dma_start3A_106 : memref<1x80x128xf32, #tpu.memory_space<vmem>> -> memref<80x128xf32, #tpu.memory_space<vmem>>
    %dma_start3A_108 = arith.constant 0 : i32
    %dma_start3A_109 = tpu.memref_slice %arg6[%rem3A_97, %rem3A_100, %dma_start3A_108] : memref<2x10x80xi32, #tpu.memory_space<vmem>> -> memref<1x1x80xi32, #tpu.memory_space<vmem>>
    %dma_start3A_110 = tpu.memref_squeeze %dma_start3A_109 : memref<1x1x80xi32, #tpu.memory_space<vmem>> -> memref<80xi32, #tpu.memory_space<vmem>>
    %dma_start3A_111 = arith.constant 0 : i32
    %dma_start3A_112 = arith.constant 0 : i32
    %dma_start3A_113 = tpu.memref_slice %arg2[%arg0, %dma_start3A_111, %dma_start3A_112] : memref<2x10240x128xf32, #tpu.memory_space<hbm>> -> memref<1x10240x128xf32, #tpu.memory_space<hbm>>
    %dma_start3A_114 = tpu.memref_squeeze %dma_start3A_113 : memref<1x10240x128xf32, #tpu.memory_space<hbm>> -> memref<10240x128xf32, #tpu.memory_space<hbm>>
    %dma_start3A_115 = arith.constant 0 : i32
    %dma_start3A_116 = arith.constant 0 : i32
    %dma_start3A_117 = tpu.memref_slice %dma_start3A_114[%dma_start3A_115, %dma_start3A_116] : memref<10240x128xf32, #tpu.memory_space<hbm>> -> memref<10240x128xf32, #tpu.memory_space<hbm>>
    tpu.enqueue_indirect_dma source(%dma_start3A_117 : memref<10240x128xf32, #tpu.memory_space<hbm>>) target(%dma_start3A_107 : memref<80x128xf32, #tpu.memory_space<vmem>>) offsets(%dma_start3A_110 : memref<80xi32, #tpu.memory_space<vmem>>) semaphore(%arg10 : memref<!tpu.dma_semaphore, #tpu.memory_space<semaphore_mem>>)
    %rem3A_118 = arith.constant 0 : i32
    %rem3A_119 = arith.constant 2 : i32
    %rem3A_120 = arith.remsi %rem3A_118, %rem3A_119 : i32
    %rem3A_121 = arith.constant 1 : i32
    %rem3A_122 = arith.constant 10 : i32
    %rem3A_123 = arith.remsi %rem3A_121, %rem3A_122 : i32
    %rem3A_124 = arith.constant 1 : i32
    %rem3A_125 = arith.constant 4 : i32
    %rem3A_126 = arith.remsi %rem3A_124, %rem3A_125 : i32
    %dma_start3A_127 = arith.constant 0 : i32
    %dma_start3A_128 = arith.constant 0 : i32
    %dma_start3A_129 = tpu.memref_slice %arg8[%rem3A_126, %dma_start3A_127, %dma_start3A_128] : memref<4x80x128xf32, #tpu.memory_space<vmem>> -> memref<1x80x128xf32, #tpu.memory_space<vmem>>
    %dma_start3A_130 = tpu.memref_squeeze %dma_start3A_129 : memref<1x80x128xf32, #tpu.memory_space<vmem>> -> memref<80x128xf32, #tpu.memory_space<vmem>>
    %dma_start3A_131 = arith.constant 0 : i32
    %dma_start3A_132 = tpu.memref_slice %arg6[%rem3A_120, %rem3A_123, %dma_start3A_131] : memref<2x10x80xi32, #tpu.memory_space<vmem>> -> memref<1x1x80xi32, #tpu.memory_space<vmem>>
    %dma_start3A_133 = tpu.memref_squeeze %dma_start3A_132 : memref<1x1x80xi32, #tpu.memory_space<vmem>> -> memref<80xi32, #tpu.memory_space<vmem>>
    %dma_start3A_134 = arith.constant 0 : i32
    %dma_start3A_135 = arith.constant 0 : i32
    %dma_start3A_136 = tpu.memref_slice %arg2[%arg0, %dma_start3A_134, %dma_start3A_135] : memref<2x10240x128xf32, #tpu.memory_space<hbm>> -> memref<1x10240x128xf32, #tpu.memory_space<hbm>>
    %dma_start3A_137 = tpu.memref_squeeze %dma_start3A_136 : memref<1x10240x128xf32, #tpu.memory_space<hbm>> -> memref<10240x128xf32, #tpu.memory_space<hbm>>
    %dma_start3A_138 = arith.constant 0 : i32
    %dma_start3A_139 = arith.constant 0 : i32
    %dma_start3A_140 = tpu.memref_slice %dma_start3A_137[%dma_start3A_138, %dma_start3A_139] : memref<10240x128xf32, #tpu.memory_space<hbm>> -> memref<10240x128xf32, #tpu.memory_space<hbm>>
    tpu.enqueue_indirect_dma source(%dma_start3A_140 : memref<10240x128xf32, #tpu.memory_space<hbm>>) target(%dma_start3A_130 : memref<80x128xf32, #tpu.memory_space<vmem>>) offsets(%dma_start3A_133 : memref<80xi32, #tpu.memory_space<vmem>>) semaphore(%arg10 : memref<!tpu.dma_semaphore, #tpu.memory_space<semaphore_mem>>)
    %scan3A = arith.constant 0 : i32
    %scan3A_141 = arith.constant 0 : i32
    %scan3A_142 = arith.constant 1 : i32
    %scan3A_143 = arith.constant 2 : i32
    %scan3A_144 = arith.constant 248 : i32
    %scan3A_145 = arith.addi %scan3A_143, %scan3A_144 : i32
    %scan3A_146 = arith.constant 1 : i32
    scf.for %scan3A_282 = %scan3A_143 to %scan3A_145 step %scan3A_146  : i32 {
      %rem3A_283 = arith.constant 10 : i32
      %rem3A_284 = arith.remsi %scan3A_282, %rem3A_283 : i32
      %eq3A = arith.constant 0 : i32
      %eq3A_285 = arith.cmpi eq, %rem3A_284, %eq3A : i32
      %convert_element_type3A = arith.extui %eq3A_285 : i1 to i32
      %cond3A = arith.constant 0 : i32
      %cond3A_286 = arith.cmpi ne, %convert_element_type3A, %cond3A : i32
      scf.if %cond3A_286 {
        %dma_wait3A_400 = arith.constant 0 : i32
        %dma_wait3A_401 = arith.constant 0 : i32
        %dma_wait3A_402 = arith.constant 0 : i32
        %dma_wait3A_403 = tpu.memref_slice %arg6[%dma_wait3A_400, %dma_wait3A_401, %dma_wait3A_402] : memref<2x10x80xi32, #tpu.memory_space<vmem>> -> memref<1x10x80xi32, #tpu.memory_space<vmem>>
        %dma_wait3A_404 = tpu.memref_squeeze %dma_wait3A_403 : memref<1x10x80xi32, #tpu.memory_space<vmem>> -> memref<10x80xi32, #tpu.memory_space<vmem>>
        %dma_wait3A_405 = arith.constant 0 : i32
        %dma_wait3A_406 = arith.constant 0 : i32
        %dma_wait3A_407 = tpu.memref_slice %arg3[%scan3A_141, %dma_wait3A_405, %dma_wait3A_406] : memref<2x4000x80xi32, #tpu.memory_space<hbm>> -> memref<1x4000x80xi32, #tpu.memory_space<hbm>>
        %dma_wait3A_408 = tpu.memref_squeeze %dma_wait3A_407 : memref<1x4000x80xi32, #tpu.memory_space<hbm>> -> memref<4000x80xi32, #tpu.memory_space<hbm>>
        %dma_wait3A_409 = arith.constant 0 : i32
        %dma_wait3A_410 = arith.constant 0 : i32
        %dma_wait3A_411 = tpu.memref_slice %dma_wait3A_408[%dma_wait3A_409, %dma_wait3A_410] : memref<4000x80xi32, #tpu.memory_space<hbm>> -> memref<10x80xi32, #tpu.memory_space<hbm>>
        %dma_wait3A_412 = arith.constant 0 : i32
        %dma_wait3A_413 = arith.constant 0 : i32
        %dma_wait3A_414 = tpu.memref_slice %arg6[%dma_wait3A_400, %dma_wait3A_412, %dma_wait3A_413] : memref<2x10x80xi32, #tpu.memory_space<vmem>> -> memref<1x10x80xi32, #tpu.memory_space<vmem>>
        %dma_wait3A_415 = tpu.memref_squeeze %dma_wait3A_414 : memref<1x10x80xi32, #tpu.memory_space<vmem>> -> memref<10x80xi32, #tpu.memory_space<vmem>>
        %dma_wait3A_416 = arith.constant 0 : i32
        %dma_wait3A_417 = arith.constant 0 : i32
        %dma_wait3A_418 = tpu.memref_slice %arg3[%scan3A_141, %dma_wait3A_416, %dma_wait3A_417] : memref<2x4000x80xi32, #tpu.memory_space<hbm>> -> memref<1x4000x80xi32, #tpu.memory_space<hbm>>
        %dma_wait3A_419 = tpu.memref_squeeze %dma_wait3A_418 : memref<1x4000x80xi32, #tpu.memory_space<hbm>> -> memref<4000x80xi32, #tpu.memory_space<hbm>>
        %dma_wait3A_420 = arith.constant 0 : i32
        %dma_wait3A_421 = arith.constant 0 : i32
        %dma_wait3A_422 = tpu.memref_slice %dma_wait3A_419[%dma_wait3A_420, %dma_wait3A_421] : memref<4000x80xi32, #tpu.memory_space<hbm>> -> memref<10x80xi32, #tpu.memory_space<hbm>>
        tpu.wait_dma2 semaphore(%arg12 : memref<!tpu.dma_semaphore, #tpu.memory_space<semaphore_mem>>) src(%dma_wait3A_422 : memref<10x80xi32, #tpu.memory_space<hbm>>) dst(%dma_wait3A_415 : memref<10x80xi32, #tpu.memory_space<vmem>>)
        %dma_wait3A_423 = arith.constant 0 : i32
        %dma_wait3A_424 = arith.constant 0 : i32
        %dma_wait3A_425 = arith.constant 0 : i32
        %dma_wait3A_426 = tpu.memref_slice %arg7[%dma_wait3A_423, %dma_wait3A_424, %dma_wait3A_425] : memref<2x10x80xi32, #tpu.memory_space<vmem>> -> memref<1x10x80xi32, #tpu.memory_space<vmem>>
        %dma_wait3A_427 = tpu.memref_squeeze %dma_wait3A_426 : memref<1x10x80xi32, #tpu.memory_space<vmem>> -> memref<10x80xi32, #tpu.memory_space<vmem>>
        %dma_wait3A_428 = arith.constant 0 : i32
        %dma_wait3A_429 = arith.constant 0 : i32
        %dma_wait3A_430 = tpu.memref_slice %arg3[%scan3A_142, %dma_wait3A_428, %dma_wait3A_429] : memref<2x4000x80xi32, #tpu.memory_space<hbm>> -> memref<1x4000x80xi32, #tpu.memory_space<hbm>>
        %dma_wait3A_431 = tpu.memref_squeeze %dma_wait3A_430 : memref<1x4000x80xi32, #tpu.memory_space<hbm>> -> memref<4000x80xi32, #tpu.memory_space<hbm>>
        %dma_wait3A_432 = arith.constant 0 : i32
        %dma_wait3A_433 = arith.constant 0 : i32
        %dma_wait3A_434 = tpu.memref_slice %dma_wait3A_431[%dma_wait3A_432, %dma_wait3A_433] : memref<4000x80xi32, #tpu.memory_space<hbm>> -> memref<10x80xi32, #tpu.memory_space<hbm>>
        %dma_wait3A_435 = arith.constant 0 : i32
        %dma_wait3A_436 = arith.constant 0 : i32
        %dma_wait3A_437 = tpu.memref_slice %arg7[%dma_wait3A_423, %dma_wait3A_435, %dma_wait3A_436] : memref<2x10x80xi32, #tpu.memory_space<vmem>> -> memref<1x10x80xi32, #tpu.memory_space<vmem>>
        %dma_wait3A_438 = tpu.memref_squeeze %dma_wait3A_437 : memref<1x10x80xi32, #tpu.memory_space<vmem>> -> memref<10x80xi32, #tpu.memory_space<vmem>>
        %dma_wait3A_439 = arith.constant 0 : i32
        %dma_wait3A_440 = arith.constant 0 : i32
        %dma_wait3A_441 = tpu.memref_slice %arg3[%scan3A_142, %dma_wait3A_439, %dma_wait3A_440] : memref<2x4000x80xi32, #tpu.memory_space<hbm>> -> memref<1x4000x80xi32, #tpu.memory_space<hbm>>
        %dma_wait3A_442 = tpu.memref_squeeze %dma_wait3A_441 : memref<1x4000x80xi32, #tpu.memory_space<hbm>> -> memref<4000x80xi32, #tpu.memory_space<hbm>>
        %dma_wait3A_443 = arith.constant 0 : i32
        %dma_wait3A_444 = arith.constant 0 : i32
        %dma_wait3A_445 = tpu.memref_slice %dma_wait3A_442[%dma_wait3A_443, %dma_wait3A_444] : memref<4000x80xi32, #tpu.memory_space<hbm>> -> memref<10x80xi32, #tpu.memory_space<hbm>>
        tpu.wait_dma2 semaphore(%arg12 : memref<!tpu.dma_semaphore, #tpu.memory_space<semaphore_mem>>) src(%dma_wait3A_445 : memref<10x80xi32, #tpu.memory_space<hbm>>) dst(%dma_wait3A_438 : memref<10x80xi32, #tpu.memory_space<vmem>>)
      } else {
      }
      %rem3A_287 = arith.constant 10 : i32
      %rem3A_288 = arith.remsi %scan3A_282, %rem3A_287 : i32
      %eq3A_289 = arith.constant 4 : i32
      %eq3A_290 = arith.cmpi eq, %rem3A_288, %eq3A_289 : i32
      %add3A_291 = arith.constant 20 : i32
      %add3A_292 = arith.addi %scan3A_282, %add3A_291 : i32
      %sub3A = arith.constant 2 : i32
      %sub3A_293 = arith.subi %add3A_292, %sub3A : i32
      %sub3A_294 = arith.constant 2 : i32
      %sub3A_295 = arith.subi %sub3A_293, %sub3A_294 : i32
      %le3A = arith.constant 250 : i32
      %le3A_296 = arith.cmpi sle, %sub3A_295, %le3A : i32
      %and3A = arith.andi %eq3A_290, %le3A_296 : i1
      %convert_element_type3A_297 = arith.extui %and3A : i1 to i32
      %cond3A_298 = arith.constant 0 : i32
      %cond3A_299 = arith.cmpi ne, %convert_element_type3A_297, %cond3A_298 : i32
      scf.if %cond3A_299 {
        %add3A_400 = arith.constant 10 : i32
        %add3A_401 = arith.addi %scan3A_282, %add3A_400 : i32
        %sub3A_402 = arith.constant 2 : i32
        %sub3A_403 = arith.subi %add3A_401, %sub3A_402 : i32
        %sub3A_404 = arith.constant 2 : i32
        %sub3A_405 = arith.subi %sub3A_403, %sub3A_404 : i32
        %jit3A_406 = arith.constant 10 : i32
        %div3A_407 = arith.divsi %scan3A_282, %jit3A_406 : i32
        %sign3A_408 = arith.constant 0 : i32
        %sign3A_409 = arith.cmpi sgt, %scan3A_282, %sign3A_408 : i32
        %sign3A_410 = arith.extui %sign3A_409 : i1 to i32
        %sign3A_411 = arith.constant 0 : i32
        %sign3A_412 = arith.cmpi slt, %scan3A_282, %sign3A_411 : i32
        %sign3A_413 = arith.extui %sign3A_412 : i1 to i32
        %sign3A_414 = arith.subi %sign3A_410, %sign3A_413 : i32
        %sign3A_415 = arith.constant 0 : i32
        %sign3A_416 = arith.cmpi sgt, %jit3A_406, %sign3A_415 : i32
        %sign3A_417 = arith.extui %sign3A_416 : i1 to i32
        %sign3A_418 = arith.constant 0 : i32
        %sign3A_419 = arith.cmpi slt, %jit3A_406, %sign3A_418 : i32
        %sign3A_420 = arith.extui %sign3A_419 : i1 to i32
        %sign3A_421 = arith.subi %sign3A_417, %sign3A_420 : i32
        %ne3A_422 = arith.cmpi ne, %sign3A_414, %sign3A_421 : i32
        %rem3A_423 = arith.remsi %scan3A_282, %jit3A_406 : i32
        %ne3A_424 = arith.constant 0 : i32
        %ne3A_425 = arith.cmpi ne, %rem3A_423, %ne3A_424 : i32
        %and3A_426 = arith.andi %ne3A_422, %ne3A_425 : i1
        %sub3A_427 = arith.constant 1 : i32
        %sub3A_428 = arith.subi %div3A_407, %sub3A_427 : i32
        %select_n3A_429 = arith.select %and3A_426, %sub3A_428, %div3A_407 : i32
        %add3A_430 = arith.constant 1 : i32
        %add3A_431 = arith.addi %select_n3A_429, %add3A_430 : i32
        %rem3A_432 = arith.constant 2 : i32
        %rem3A_433 = arith.remsi %add3A_431, %rem3A_432 : i32
        %add3A_434 = arith.addi %mul3A_2, %sub3A_405 : i32
        %dma_start3A_435 = arith.constant 0 : i32
        %dma_start3A_436 = arith.constant 0 : i32
        %dma_start3A_437 = tpu.memref_slice %arg6[%rem3A_433, %dma_start3A_435, %dma_start3A_436] : memref<2x10x80xi32, #tpu.memory_space<vmem>> -> memref<1x10x80xi32, #tpu.memory_space<vmem>>
        %dma_start3A_438 = tpu.memref_squeeze %dma_start3A_437 : memref<1x10x80xi32, #tpu.memory_space<vmem>> -> memref<10x80xi32, #tpu.memory_space<vmem>>
        %dma_start3A_439 = arith.constant 0 : i32
        %dma_start3A_440 = arith.constant 0 : i32
        %dma_start3A_441 = tpu.memref_slice %arg3[%scan3A_141, %dma_start3A_439, %dma_start3A_440] : memref<2x4000x80xi32, #tpu.memory_space<hbm>> -> memref<1x4000x80xi32, #tpu.memory_space<hbm>>
        %dma_start3A_442 = tpu.memref_squeeze %dma_start3A_441 : memref<1x4000x80xi32, #tpu.memory_space<hbm>> -> memref<4000x80xi32, #tpu.memory_space<hbm>>
        %dma_start3A_443 = arith.constant 0 : i32
        %dma_start3A_444 = tpu.memref_slice %dma_start3A_442[%add3A_434, %dma_start3A_443] : memref<4000x80xi32, #tpu.memory_space<hbm>> -> memref<10x80xi32, #tpu.memory_space<hbm>>
        %dma_start3A_445 = arith.constant 0 : i32
        %dma_start3A_446 = arith.constant 0 : i32
        %dma_start3A_447 = tpu.memref_slice %arg6[%rem3A_433, %dma_start3A_445, %dma_start3A_446] : memref<2x10x80xi32, #tpu.memory_space<vmem>> -> memref<1x10x80xi32, #tpu.memory_space<vmem>>
        %dma_start3A_448 = tpu.memref_squeeze %dma_start3A_447 : memref<1x10x80xi32, #tpu.memory_space<vmem>> -> memref<10x80xi32, #tpu.memory_space<vmem>>
        %dma_start3A_449 = arith.constant 0 : i32
        %dma_start3A_450 = arith.constant 0 : i32
        %dma_start3A_451 = tpu.memref_slice %arg3[%scan3A_141, %dma_start3A_449, %dma_start3A_450] : memref<2x4000x80xi32, #tpu.memory_space<hbm>> -> memref<1x4000x80xi32, #tpu.memory_space<hbm>>
        %dma_start3A_452 = tpu.memref_squeeze %dma_start3A_451 : memref<1x4000x80xi32, #tpu.memory_space<hbm>> -> memref<4000x80xi32, #tpu.memory_space<hbm>>
        %dma_start3A_453 = arith.constant 0 : i32
        %dma_start3A_454 = tpu.memref_slice %dma_start3A_452[%add3A_434, %dma_start3A_453] : memref<4000x80xi32, #tpu.memory_space<hbm>> -> memref<10x80xi32, #tpu.memory_space<hbm>>
        tpu.enqueue_dma source(%dma_start3A_454 : memref<10x80xi32, #tpu.memory_space<hbm>>) target(%dma_start3A_448 : memref<10x80xi32, #tpu.memory_space<vmem>>) target_semaphore(%arg12 : memref<!tpu.dma_semaphore, #tpu.memory_space<semaphore_mem>>)
        %add3A_455 = arith.addi %mul3A_2, %sub3A_405 : i32
        %dma_start3A_456 = arith.constant 0 : i32
        %dma_start3A_457 = arith.constant 0 : i32
        %dma_start3A_458 = tpu.memref_slice %arg7[%rem3A_433, %dma_start3A_456, %dma_start3A_457] : memref<2x10x80xi32, #tpu.memory_space<vmem>> -> memref<1x10x80xi32, #tpu.memory_space<vmem>>
        %dma_start3A_459 = tpu.memref_squeeze %dma_start3A_458 : memref<1x10x80xi32, #tpu.memory_space<vmem>> -> memref<10x80xi32, #tpu.memory_space<vmem>>
        %dma_start3A_460 = arith.constant 0 : i32
        %dma_start3A_461 = arith.constant 0 : i32
        %dma_start3A_462 = tpu.memref_slice %arg3[%scan3A_142, %dma_start3A_460, %dma_start3A_461] : memref<2x4000x80xi32, #tpu.memory_space<hbm>> -> memref<1x4000x80xi32, #tpu.memory_space<hbm>>
        %dma_start3A_463 = tpu.memref_squeeze %dma_start3A_462 : memref<1x4000x80xi32, #tpu.memory_space<hbm>> -> memref<4000x80xi32, #tpu.memory_space<hbm>>
        %dma_start3A_464 = arith.constant 0 : i32
        %dma_start3A_465 = tpu.memref_slice %dma_start3A_463[%add3A_455, %dma_start3A_464] : memref<4000x80xi32, #tpu.memory_space<hbm>> -> memref<10x80xi32, #tpu.memory_space<hbm>>
        %dma_start3A_466 = arith.constant 0 : i32
        %dma_start3A_467 = arith.constant 0 : i32
        %dma_start3A_468 = tpu.memref_slice %arg7[%rem3A_433, %dma_start3A_466, %dma_start3A_467] : memref<2x10x80xi32, #tpu.memory_space<vmem>> -> memref<1x10x80xi32, #tpu.memory_space<vmem>>
        %dma_start3A_469 = tpu.memref_squeeze %dma_start3A_468 : memref<1x10x80xi32, #tpu.memory_space<vmem>> -> memref<10x80xi32, #tpu.memory_space<vmem>>
        %dma_start3A_470 = arith.constant 0 : i32
        %dma_start3A_471 = arith.constant 0 : i32
        %dma_start3A_472 = tpu.memref_slice %arg3[%scan3A_142, %dma_start3A_470, %dma_start3A_471] : memref<2x4000x80xi32, #tpu.memory_space<hbm>> -> memref<1x4000x80xi32, #tpu.memory_space<hbm>>
        %dma_start3A_473 = tpu.memref_squeeze %dma_start3A_472 : memref<1x4000x80xi32, #tpu.memory_space<hbm>> -> memref<4000x80xi32, #tpu.memory_space<hbm>>
        %dma_start3A_474 = arith.constant 0 : i32
        %dma_start3A_475 = tpu.memref_slice %dma_start3A_473[%add3A_455, %dma_start3A_474] : memref<4000x80xi32, #tpu.memory_space<hbm>> -> memref<10x80xi32, #tpu.memory_space<hbm>>
        tpu.enqueue_dma source(%dma_start3A_475 : memref<10x80xi32, #tpu.memory_space<hbm>>) target(%dma_start3A_469 : memref<10x80xi32, #tpu.memory_space<vmem>>) target_semaphore(%arg12 : memref<!tpu.dma_semaphore, #tpu.memory_space<semaphore_mem>>)
      } else {
      }
      %ge3A = arith.constant 4 : i32
      %ge3A_300 = arith.cmpi sge, %scan3A_282, %ge3A : i32
      %convert_element_type3A_301 = arith.extui %ge3A_300 : i1 to i32
      %cond3A_302 = arith.constant 0 : i32
      %cond3A_303 = arith.cmpi ne, %convert_element_type3A_301, %cond3A_302 : i32
      scf.if %cond3A_303 {
        %dma_wait3A_400 = arith.constant 0 : i32
        %dma_wait3A_401 = arith.constant 0 : i32
        %dma_wait3A_402 = arith.constant 0 : i32
        %dma_wait3A_403 = tpu.memref_slice %arg8[%dma_wait3A_400, %dma_wait3A_401, %dma_wait3A_402] : memref<4x80x128xf32, #tpu.memory_space<vmem>> -> memref<1x80x128xf32, #tpu.memory_space<vmem>>
        %dma_wait3A_404 = tpu.memref_squeeze %dma_wait3A_403 : memref<1x80x128xf32, #tpu.memory_space<vmem>> -> memref<80x128xf32, #tpu.memory_space<vmem>>
        %dma_wait3A_405 = arith.constant 0 : i32
        %dma_wait3A_406 = arith.constant 0 : i32
        %dma_wait3A_407 = tpu.memref_slice %arg4[%dma_wait3A_405, %dma_wait3A_406] : memref<640x128xf32, #tpu.memory_space<hbm>> -> memref<80x128xf32, #tpu.memory_space<hbm>>
        %dma_wait3A_408 = arith.constant 0 : i32
        %dma_wait3A_409 = arith.constant 0 : i32
        %dma_wait3A_410 = tpu.memref_slice %arg8[%dma_wait3A_400, %dma_wait3A_408, %dma_wait3A_409] : memref<4x80x128xf32, #tpu.memory_space<vmem>> -> memref<1x80x128xf32, #tpu.memory_space<vmem>>
        %dma_wait3A_411 = tpu.memref_squeeze %dma_wait3A_410 : memref<1x80x128xf32, #tpu.memory_space<vmem>> -> memref<80x128xf32, #tpu.memory_space<vmem>>
        %dma_wait3A_412 = arith.constant 0 : i32
        %dma_wait3A_413 = arith.constant 0 : i32
        %dma_wait3A_414 = tpu.memref_slice %arg4[%dma_wait3A_412, %dma_wait3A_413] : memref<640x128xf32, #tpu.memory_space<hbm>> -> memref<80x128xf32, #tpu.memory_space<hbm>>
        tpu.wait_dma2 semaphore(%arg11 : memref<!tpu.dma_semaphore, #tpu.memory_space<semaphore_mem>>) src(%dma_wait3A_414 : memref<80x128xf32, #tpu.memory_space<hbm>>) dst(%dma_wait3A_411 : memref<80x128xf32, #tpu.memory_space<vmem>>)
      } else {
      }
      %jit3A = arith.constant 10 : i32
      %div3A = arith.divsi %scan3A_282, %jit3A : i32
      %sign3A = arith.constant 0 : i32
      %sign3A_304 = arith.cmpi sgt, %scan3A_282, %sign3A : i32
      %sign3A_305 = arith.extui %sign3A_304 : i1 to i32
      %sign3A_306 = arith.constant 0 : i32
      %sign3A_307 = arith.cmpi slt, %scan3A_282, %sign3A_306 : i32
      %sign3A_308 = arith.extui %sign3A_307 : i1 to i32
      %sign3A_309 = arith.subi %sign3A_305, %sign3A_308 : i32
      %sign3A_310 = arith.constant 0 : i32
      %sign3A_311 = arith.cmpi sgt, %jit3A, %sign3A_310 : i32
      %sign3A_312 = arith.extui %sign3A_311 : i1 to i32
      %sign3A_313 = arith.constant 0 : i32
      %sign3A_314 = arith.cmpi slt, %jit3A, %sign3A_313 : i32
      %sign3A_315 = arith.extui %sign3A_314 : i1 to i32
      %sign3A_316 = arith.subi %sign3A_312, %sign3A_315 : i32
      %ne3A = arith.cmpi ne, %sign3A_309, %sign3A_316 : i32
      %rem3A_317 = arith.remsi %scan3A_282, %jit3A : i32
      %ne3A_318 = arith.constant 0 : i32
      %ne3A_319 = arith.cmpi ne, %rem3A_317, %ne3A_318 : i32
      %and3A_320 = arith.andi %ne3A, %ne3A_319 : i1
      %sub3A_321 = arith.constant 1 : i32
      %sub3A_322 = arith.subi %div3A, %sub3A_321 : i32
      %select_n3A = arith.select %and3A_320, %sub3A_322, %div3A : i32
      %rem3A_323 = arith.constant 2 : i32
      %rem3A_324 = arith.remsi %select_n3A, %rem3A_323 : i32
      %rem3A_325 = arith.constant 10 : i32
      %rem3A_326 = arith.remsi %scan3A_282, %rem3A_325 : i32
      %rem3A_327 = arith.constant 4 : i32
      %rem3A_328 = arith.remsi %scan3A_282, %rem3A_327 : i32
      %dma_start3A_329 = arith.constant 0 : i32
      %dma_start3A_330 = arith.constant 0 : i32
      %dma_start3A_331 = tpu.memref_slice %arg8[%rem3A_328, %dma_start3A_329, %dma_start3A_330] : memref<4x80x128xf32, #tpu.memory_space<vmem>> -> memref<1x80x128xf32, #tpu.memory_space<vmem>>
      %dma_start3A_332 = tpu.memref_squeeze %dma_start3A_331 : memref<1x80x128xf32, #tpu.memory_space<vmem>> -> memref<80x128xf32, #tpu.memory_space<vmem>>
      %dma_start3A_333 = arith.constant 0 : i32
      %dma_start3A_334 = tpu.memref_slice %arg6[%rem3A_324, %rem3A_326, %dma_start3A_333] : memref<2x10x80xi32, #tpu.memory_space<vmem>> -> memref<1x1x80xi32, #tpu.memory_space<vmem>>
      %dma_start3A_335 = tpu.memref_squeeze %dma_start3A_334 : memref<1x1x80xi32, #tpu.memory_space<vmem>> -> memref<80xi32, #tpu.memory_space<vmem>>
      %dma_start3A_336 = arith.constant 0 : i32
      %dma_start3A_337 = arith.constant 0 : i32
      %dma_start3A_338 = tpu.memref_slice %arg2[%arg0, %dma_start3A_336, %dma_start3A_337] : memref<2x10240x128xf32, #tpu.memory_space<hbm>> -> memref<1x10240x128xf32, #tpu.memory_space<hbm>>
      %dma_start3A_339 = tpu.memref_squeeze %dma_start3A_338 : memref<1x10240x128xf32, #tpu.memory_space<hbm>> -> memref<10240x128xf32, #tpu.memory_space<hbm>>
      %dma_start3A_340 = arith.constant 0 : i32
      %dma_start3A_341 = arith.constant 0 : i32
      %dma_start3A_342 = tpu.memref_slice %dma_start3A_339[%dma_start3A_340, %dma_start3A_341] : memref<10240x128xf32, #tpu.memory_space<hbm>> -> memref<10240x128xf32, #tpu.memory_space<hbm>>
      tpu.enqueue_indirect_dma source(%dma_start3A_342 : memref<10240x128xf32, #tpu.memory_space<hbm>>) target(%dma_start3A_332 : memref<80x128xf32, #tpu.memory_space<vmem>>) offsets(%dma_start3A_335 : memref<80xi32, #tpu.memory_space<vmem>>) semaphore(%arg10 : memref<!tpu.dma_semaphore, #tpu.memory_space<semaphore_mem>>)
      %dma_wait3A_343 = arith.constant 0 : i32
      %dma_wait3A_344 = arith.constant 0 : i32
      %dma_wait3A_345 = arith.constant 0 : i32
      %dma_wait3A_346 = tpu.memref_slice %arg8[%dma_wait3A_343, %dma_wait3A_344, %dma_wait3A_345] : memref<4x80x128xf32, #tpu.memory_space<vmem>> -> memref<1x80x128xf32, #tpu.memory_space<vmem>>
      %dma_wait3A_347 = tpu.memref_squeeze %dma_wait3A_346 : memref<1x80x128xf32, #tpu.memory_space<vmem>> -> memref<80x128xf32, #tpu.memory_space<vmem>>
      %dma_wait3A_348 = arith.constant 0 : i32
      %dma_wait3A_349 = arith.constant 0 : i32
      %dma_wait3A_350 = tpu.memref_slice %arg4[%dma_wait3A_348, %dma_wait3A_349] : memref<640x128xf32, #tpu.memory_space<hbm>> -> memref<80x128xf32, #tpu.memory_space<hbm>>
      %dma_wait3A_351 = arith.constant 0 : i32
      %dma_wait3A_352 = arith.constant 0 : i32
      %dma_wait3A_353 = tpu.memref_slice %arg8[%dma_wait3A_343, %dma_wait3A_351, %dma_wait3A_352] : memref<4x80x128xf32, #tpu.memory_space<vmem>> -> memref<1x80x128xf32, #tpu.memory_space<vmem>>
      %dma_wait3A_354 = tpu.memref_squeeze %dma_wait3A_353 : memref<1x80x128xf32, #tpu.memory_space<vmem>> -> memref<80x128xf32, #tpu.memory_space<vmem>>
      %dma_wait3A_355 = arith.constant 0 : i32
      %dma_wait3A_356 = arith.constant 0 : i32
      %dma_wait3A_357 = tpu.memref_slice %arg4[%dma_wait3A_355, %dma_wait3A_356] : memref<640x128xf32, #tpu.memory_space<hbm>> -> memref<80x128xf32, #tpu.memory_space<hbm>>
      tpu.wait_dma2 semaphore(%arg10 : memref<!tpu.dma_semaphore, #tpu.memory_space<semaphore_mem>>) src(%dma_wait3A_357 : memref<80x128xf32, #tpu.memory_space<hbm>>) dst(%dma_wait3A_354 : memref<80x128xf32, #tpu.memory_space<vmem>>)
      %sub3A_358 = arith.constant 2 : i32
      %sub3A_359 = arith.subi %scan3A_282, %sub3A_358 : i32
      %jit3A_360 = arith.constant 10 : i32
      %div3A_361 = arith.divsi %sub3A_359, %jit3A_360 : i32
      %sign3A_362 = arith.constant 0 : i32
      %sign3A_363 = arith.cmpi sgt, %sub3A_359, %sign3A_362 : i32
      %sign3A_364 = arith.extui %sign3A_363 : i1 to i32
      %sign3A_365 = arith.constant 0 : i32
      %sign3A_366 = arith.cmpi slt, %sub3A_359, %sign3A_365 : i32
      %sign3A_367 = arith.extui %sign3A_366 : i1 to i32
      %sign3A_368 = arith.subi %sign3A_364, %sign3A_367 : i32
      %sign3A_369 = arith.constant 0 : i32
      %sign3A_370 = arith.cmpi sgt, %jit3A_360, %sign3A_369 : i32
      %sign3A_371 = arith.extui %sign3A_370 : i1 to i32
      %sign3A_372 = arith.constant 0 : i32
      %sign3A_373 = arith.cmpi slt, %jit3A_360, %sign3A_372 : i32
      %sign3A_374 = arith.extui %sign3A_373 : i1 to i32
      %sign3A_375 = arith.subi %sign3A_371, %sign3A_374 : i32
      %ne3A_376 = arith.cmpi ne, %sign3A_368, %sign3A_375 : i32
      %rem3A_377 = arith.remsi %sub3A_359, %jit3A_360 : i32
      %ne3A_378 = arith.constant 0 : i32
      %ne3A_379 = arith.cmpi ne, %rem3A_377, %ne3A_378 : i32
      %and3A_380 = arith.andi %ne3A_376, %ne3A_379 : i1
      %sub3A_381 = arith.constant 1 : i32
      %sub3A_382 = arith.subi %div3A_361, %sub3A_381 : i32
      %select_n3A_383 = arith.select %and3A_380, %sub3A_382, %div3A_361 : i32
      %rem3A_384 = arith.constant 2 : i32
      %rem3A_385 = arith.remsi %select_n3A_383, %rem3A_384 : i32
      %rem3A_386 = arith.constant 4 : i32
      %rem3A_387 = arith.remsi %sub3A_359, %rem3A_386 : i32
      %rem3A_388 = arith.constant 10 : i32
      %rem3A_389 = arith.remsi %sub3A_359, %rem3A_388 : i32
      %dma_start3A_390 = arith.constant 0 : i32
      %dma_start3A_391 = arith.constant 0 : i32
      %dma_start3A_392 = tpu.memref_slice %arg8[%rem3A_387, %dma_start3A_390, %dma_start3A_391] : memref<4x80x128xf32, #tpu.memory_space<vmem>> -> memref<1x80x128xf32, #tpu.memory_space<vmem>>
      %dma_start3A_393 = tpu.memref_squeeze %dma_start3A_392 : memref<1x80x128xf32, #tpu.memory_space<vmem>> -> memref<80x128xf32, #tpu.memory_space<vmem>>
      %dma_start3A_394 = arith.constant 0 : i32
      %dma_start3A_395 = tpu.memref_slice %arg7[%rem3A_385, %rem3A_389, %dma_start3A_394] : memref<2x10x80xi32, #tpu.memory_space<vmem>> -> memref<1x1x80xi32, #tpu.memory_space<vmem>>
      %dma_start3A_396 = tpu.memref_squeeze %dma_start3A_395 : memref<1x1x80xi32, #tpu.memory_space<vmem>> -> memref<80xi32, #tpu.memory_space<vmem>>
      %dma_start3A_397 = arith.constant 0 : i32
      %dma_start3A_398 = arith.constant 0 : i32
      %dma_start3A_399 = tpu.memref_slice %arg9[%dma_start3A_397, %dma_start3A_398] : memref<10240x128xf32, #tpu.memory_space<vmem_shared>> -> memref<10240x128xf32, #tpu.memory_space<vmem_shared>>
      tpu.enqueue_indirect_dma source(%dma_start3A_393 : memref<80x128xf32, #tpu.memory_space<vmem>>) target(%dma_start3A_399 : memref<10240x128xf32, #tpu.memory_space<vmem_shared>>) offsets(%dma_start3A_396 : memref<80xi32, #tpu.memory_space<vmem>>) semaphore(%arg11 : memref<!tpu.dma_semaphore, #tpu.memory_space<semaphore_mem>>) {add = true}
    }
    %scan3A_147 = arith.constant 248 : i32
    %dma_wait3A_148 = arith.constant 0 : i32
    %dma_wait3A_149 = arith.constant 0 : i32
    %dma_wait3A_150 = arith.constant 0 : i32
    %dma_wait3A_151 = tpu.memref_slice %arg8[%dma_wait3A_148, %dma_wait3A_149, %dma_wait3A_150] : memref<4x80x128xf32, #tpu.memory_space<vmem>> -> memref<1x80x128xf32, #tpu.memory_space<vmem>>
    %dma_wait3A_152 = tpu.memref_squeeze %dma_wait3A_151 : memref<1x80x128xf32, #tpu.memory_space<vmem>> -> memref<80x128xf32, #tpu.memory_space<vmem>>
    %dma_wait3A_153 = arith.constant 0 : i32
    %dma_wait3A_154 = arith.constant 0 : i32
    %dma_wait3A_155 = tpu.memref_slice %arg4[%dma_wait3A_153, %dma_wait3A_154] : memref<640x128xf32, #tpu.memory_space<hbm>> -> memref<80x128xf32, #tpu.memory_space<hbm>>
    %dma_wait3A_156 = arith.constant 0 : i32
    %dma_wait3A_157 = arith.constant 0 : i32
    %dma_wait3A_158 = tpu.memref_slice %arg8[%dma_wait3A_148, %dma_wait3A_156, %dma_wait3A_157] : memref<4x80x128xf32, #tpu.memory_space<vmem>> -> memref<1x80x128xf32, #tpu.memory_space<vmem>>
    %dma_wait3A_159 = tpu.memref_squeeze %dma_wait3A_158 : memref<1x80x128xf32, #tpu.memory_space<vmem>> -> memref<80x128xf32, #tpu.memory_space<vmem>>
    %dma_wait3A_160 = arith.constant 0 : i32
    %dma_wait3A_161 = arith.constant 0 : i32
    %dma_wait3A_162 = tpu.memref_slice %arg4[%dma_wait3A_160, %dma_wait3A_161] : memref<640x128xf32, #tpu.memory_space<hbm>> -> memref<80x128xf32, #tpu.memory_space<hbm>>
    tpu.wait_dma2 semaphore(%arg10 : memref<!tpu.dma_semaphore, #tpu.memory_space<semaphore_mem>>) src(%dma_wait3A_162 : memref<80x128xf32, #tpu.memory_space<hbm>>) dst(%dma_wait3A_159 : memref<80x128xf32, #tpu.memory_space<vmem>>)
    %rem3A_163 = arith.constant 24 : i32
    %rem3A_164 = arith.constant 2 : i32
    %rem3A_165 = arith.remsi %rem3A_163, %rem3A_164 : i32
    %rem3A_166 = arith.constant 248 : i32
    %rem3A_167 = arith.constant 4 : i32
    %rem3A_168 = arith.remsi %rem3A_166, %rem3A_167 : i32
    %rem3A_169 = arith.constant 248 : i32
    %rem3A_170 = arith.constant 10 : i32
    %rem3A_171 = arith.remsi %rem3A_169, %rem3A_170 : i32
    %dma_start3A_172 = arith.constant 0 : i32
    %dma_start3A_173 = arith.constant 0 : i32
    %dma_start3A_174 = tpu.memref_slice %arg8[%rem3A_168, %dma_start3A_172, %dma_start3A_173] : memref<4x80x128xf32, #tpu.memory_space<vmem>> -> memref<1x80x128xf32, #tpu.memory_space<vmem>>
    %dma_start3A_175 = tpu.memref_squeeze %dma_start3A_174 : memref<1x80x128xf32, #tpu.memory_space<vmem>> -> memref<80x128xf32, #tpu.memory_space<vmem>>
    %dma_start3A_176 = arith.constant 0 : i32
    %dma_start3A_177 = tpu.memref_slice %arg7[%rem3A_165, %rem3A_171, %dma_start3A_176] : memref<2x10x80xi32, #tpu.memory_space<vmem>> -> memref<1x1x80xi32, #tpu.memory_space<vmem>>
    %dma_start3A_178 = tpu.memref_squeeze %dma_start3A_177 : memref<1x1x80xi32, #tpu.memory_space<vmem>> -> memref<80xi32, #tpu.memory_space<vmem>>
    %dma_start3A_179 = arith.constant 0 : i32
    %dma_start3A_180 = arith.constant 0 : i32
    %dma_start3A_181 = tpu.memref_slice %arg9[%dma_start3A_179, %dma_start3A_180] : memref<10240x128xf32, #tpu.memory_space<vmem_shared>> -> memref<10240x128xf32, #tpu.memory_space<vmem_shared>>
    tpu.enqueue_indirect_dma source(%dma_start3A_175 : memref<80x128xf32, #tpu.memory_space<vmem>>) target(%dma_start3A_181 : memref<10240x128xf32, #tpu.memory_space<vmem_shared>>) offsets(%dma_start3A_178 : memref<80xi32, #tpu.memory_space<vmem>>) semaphore(%arg11 : memref<!tpu.dma_semaphore, #tpu.memory_space<semaphore_mem>>) {add = true}
    %dma_wait3A_182 = arith.constant 0 : i32
    %dma_wait3A_183 = arith.constant 0 : i32
    %dma_wait3A_184 = arith.constant 0 : i32
    %dma_wait3A_185 = tpu.memref_slice %arg8[%dma_wait3A_182, %dma_wait3A_183, %dma_wait3A_184] : memref<4x80x128xf32, #tpu.memory_space<vmem>> -> memref<1x80x128xf32, #tpu.memory_space<vmem>>
    %dma_wait3A_186 = tpu.memref_squeeze %dma_wait3A_185 : memref<1x80x128xf32, #tpu.memory_space<vmem>> -> memref<80x128xf32, #tpu.memory_space<vmem>>
    %dma_wait3A_187 = arith.constant 0 : i32
    %dma_wait3A_188 = arith.constant 0 : i32
    %dma_wait3A_189 = tpu.memref_slice %arg4[%dma_wait3A_187, %dma_wait3A_188] : memref<640x128xf32, #tpu.memory_space<hbm>> -> memref<80x128xf32, #tpu.memory_space<hbm>>
    %dma_wait3A_190 = arith.constant 0 : i32
    %dma_wait3A_191 = arith.constant 0 : i32
    %dma_wait3A_192 = tpu.memref_slice %arg8[%dma_wait3A_182, %dma_wait3A_190, %dma_wait3A_191] : memref<4x80x128xf32, #tpu.memory_space<vmem>> -> memref<1x80x128xf32, #tpu.memory_space<vmem>>
    %dma_wait3A_193 = tpu.memref_squeeze %dma_wait3A_192 : memref<1x80x128xf32, #tpu.memory_space<vmem>> -> memref<80x128xf32, #tpu.memory_space<vmem>>
    %dma_wait3A_194 = arith.constant 0 : i32
    %dma_wait3A_195 = arith.constant 0 : i32
    %dma_wait3A_196 = tpu.memref_slice %arg4[%dma_wait3A_194, %dma_wait3A_195] : memref<640x128xf32, #tpu.memory_space<hbm>> -> memref<80x128xf32, #tpu.memory_space<hbm>>
    tpu.wait_dma2 semaphore(%arg10 : memref<!tpu.dma_semaphore, #tpu.memory_space<semaphore_mem>>) src(%dma_wait3A_196 : memref<80x128xf32, #tpu.memory_space<hbm>>) dst(%dma_wait3A_193 : memref<80x128xf32, #tpu.memory_space<vmem>>)
    %rem3A_197 = arith.constant 24 : i32
    %rem3A_198 = arith.constant 2 : i32
    %rem3A_199 = arith.remsi %rem3A_197, %rem3A_198 : i32
    %rem3A_200 = arith.constant 249 : i32
    %rem3A_201 = arith.constant 4 : i32
    %rem3A_202 = arith.remsi %rem3A_200, %rem3A_201 : i32
    %rem3A_203 = arith.constant 249 : i32
    %rem3A_204 = arith.constant 10 : i32
    %rem3A_205 = arith.remsi %rem3A_203, %rem3A_204 : i32
    %dma_start3A_206 = arith.constant 0 : i32
    %dma_start3A_207 = arith.constant 0 : i32
    %dma_start3A_208 = tpu.memref_slice %arg8[%rem3A_202, %dma_start3A_206, %dma_start3A_207] : memref<4x80x128xf32, #tpu.memory_space<vmem>> -> memref<1x80x128xf32, #tpu.memory_space<vmem>>
    %dma_start3A_209 = tpu.memref_squeeze %dma_start3A_208 : memref<1x80x128xf32, #tpu.memory_space<vmem>> -> memref<80x128xf32, #tpu.memory_space<vmem>>
    %dma_start3A_210 = arith.constant 0 : i32
    %dma_start3A_211 = tpu.memref_slice %arg7[%rem3A_199, %rem3A_205, %dma_start3A_210] : memref<2x10x80xi32, #tpu.memory_space<vmem>> -> memref<1x1x80xi32, #tpu.memory_space<vmem>>
    %dma_start3A_212 = tpu.memref_squeeze %dma_start3A_211 : memref<1x1x80xi32, #tpu.memory_space<vmem>> -> memref<80xi32, #tpu.memory_space<vmem>>
    %dma_start3A_213 = arith.constant 0 : i32
    %dma_start3A_214 = arith.constant 0 : i32
    %dma_start3A_215 = tpu.memref_slice %arg9[%dma_start3A_213, %dma_start3A_214] : memref<10240x128xf32, #tpu.memory_space<vmem_shared>> -> memref<10240x128xf32, #tpu.memory_space<vmem_shared>>
    tpu.enqueue_indirect_dma source(%dma_start3A_209 : memref<80x128xf32, #tpu.memory_space<vmem>>) target(%dma_start3A_215 : memref<10240x128xf32, #tpu.memory_space<vmem_shared>>) offsets(%dma_start3A_212 : memref<80xi32, #tpu.memory_space<vmem>>) semaphore(%arg11 : memref<!tpu.dma_semaphore, #tpu.memory_space<semaphore_mem>>) {add = true}
    %dma_wait3A_216 = arith.constant 0 : i32
    %dma_wait3A_217 = arith.constant 0 : i32
    %dma_wait3A_218 = arith.constant 0 : i32
    %dma_wait3A_219 = tpu.memref_slice %arg8[%dma_wait3A_216, %dma_wait3A_217, %dma_wait3A_218] : memref<4x80x128xf32, #tpu.memory_space<vmem>> -> memref<1x80x128xf32, #tpu.memory_space<vmem>>
    %dma_wait3A_220 = tpu.memref_squeeze %dma_wait3A_219 : memref<1x80x128xf32, #tpu.memory_space<vmem>> -> memref<80x128xf32, #tpu.memory_space<vmem>>
    %dma_wait3A_221 = arith.constant 0 : i32
    %dma_wait3A_222 = arith.constant 0 : i32
    %dma_wait3A_223 = tpu.memref_slice %arg4[%dma_wait3A_221, %dma_wait3A_222] : memref<640x128xf32, #tpu.memory_space<hbm>> -> memref<80x128xf32, #tpu.memory_space<hbm>>
    %dma_wait3A_224 = arith.constant 0 : i32
    %dma_wait3A_225 = arith.constant 0 : i32
    %dma_wait3A_226 = tpu.memref_slice %arg8[%dma_wait3A_216, %dma_wait3A_224, %dma_wait3A_225] : memref<4x80x128xf32, #tpu.memory_space<vmem>> -> memref<1x80x128xf32, #tpu.memory_space<vmem>>
    %dma_wait3A_227 = tpu.memref_squeeze %dma_wait3A_226 : memref<1x80x128xf32, #tpu.memory_space<vmem>> -> memref<80x128xf32, #tpu.memory_space<vmem>>
    %dma_wait3A_228 = arith.constant 0 : i32
    %dma_wait3A_229 = arith.constant 0 : i32
    %dma_wait3A_230 = tpu.memref_slice %arg4[%dma_wait3A_228, %dma_wait3A_229] : memref<640x128xf32, #tpu.memory_space<hbm>> -> memref<80x128xf32, #tpu.memory_space<hbm>>
    tpu.wait_dma2 semaphore(%arg11 : memref<!tpu.dma_semaphore, #tpu.memory_space<semaphore_mem>>) src(%dma_wait3A_230 : memref<80x128xf32, #tpu.memory_space<hbm>>) dst(%dma_wait3A_227 : memref<80x128xf32, #tpu.memory_space<vmem>>)
    %dma_wait3A_231 = arith.constant 0 : i32
    %dma_wait3A_232 = arith.constant 0 : i32
    %dma_wait3A_233 = arith.constant 0 : i32
    %dma_wait3A_234 = tpu.memref_slice %arg8[%dma_wait3A_231, %dma_wait3A_232, %dma_wait3A_233] : memref<4x80x128xf32, #tpu.memory_space<vmem>> -> memref<1x80x128xf32, #tpu.memory_space<vmem>>
    %dma_wait3A_235 = tpu.memref_squeeze %dma_wait3A_234 : memref<1x80x128xf32, #tpu.memory_space<vmem>> -> memref<80x128xf32, #tpu.memory_space<vmem>>
    %dma_wait3A_236 = arith.constant 0 : i32
    %dma_wait3A_237 = arith.constant 0 : i32
    %dma_wait3A_238 = tpu.memref_slice %arg4[%dma_wait3A_236, %dma_wait3A_237] : memref<640x128xf32, #tpu.memory_space<hbm>> -> memref<80x128xf32, #tpu.memory_space<hbm>>
    %dma_wait3A_239 = arith.constant 0 : i32
    %dma_wait3A_240 = arith.constant 0 : i32
    %dma_wait3A_241 = tpu.memref_slice %arg8[%dma_wait3A_231, %dma_wait3A_239, %dma_wait3A_240] : memref<4x80x128xf32, #tpu.memory_space<vmem>> -> memref<1x80x128xf32, #tpu.memory_space<vmem>>
    %dma_wait3A_242 = tpu.memref_squeeze %dma_wait3A_241 : memref<1x80x128xf32, #tpu.memory_space<vmem>> -> memref<80x128xf32, #tpu.memory_space<vmem>>
    %dma_wait3A_243 = arith.constant 0 : i32
    %dma_wait3A_244 = arith.constant 0 : i32
    %dma_wait3A_245 = tpu.memref_slice %arg4[%dma_wait3A_243, %dma_wait3A_244] : memref<640x128xf32, #tpu.memory_space<hbm>> -> memref<80x128xf32, #tpu.memory_space<hbm>>
    tpu.wait_dma2 semaphore(%arg11 : memref<!tpu.dma_semaphore, #tpu.memory_space<semaphore_mem>>) src(%dma_wait3A_245 : memref<80x128xf32, #tpu.memory_space<hbm>>) dst(%dma_wait3A_242 : memref<80x128xf32, #tpu.memory_space<vmem>>)
    %dma_wait3A_246 = arith.constant 0 : i32
    %dma_wait3A_247 = arith.constant 0 : i32
    %dma_wait3A_248 = arith.constant 0 : i32
    %dma_wait3A_249 = tpu.memref_slice %arg8[%dma_wait3A_246, %dma_wait3A_247, %dma_wait3A_248] : memref<4x80x128xf32, #tpu.memory_space<vmem>> -> memref<1x80x128xf32, #tpu.memory_space<vmem>>
    %dma_wait3A_250 = tpu.memref_squeeze %dma_wait3A_249 : memref<1x80x128xf32, #tpu.memory_space<vmem>> -> memref<80x128xf32, #tpu.memory_space<vmem>>
    %dma_wait3A_251 = arith.constant 0 : i32
    %dma_wait3A_252 = arith.constant 0 : i32
    %dma_wait3A_253 = tpu.memref_slice %arg4[%dma_wait3A_251, %dma_wait3A_252] : memref<640x128xf32, #tpu.memory_space<hbm>> -> memref<80x128xf32, #tpu.memory_space<hbm>>
    %dma_wait3A_254 = arith.constant 0 : i32
    %dma_wait3A_255 = arith.constant 0 : i32
    %dma_wait3A_256 = tpu.memref_slice %arg8[%dma_wait3A_246, %dma_wait3A_254, %dma_wait3A_255] : memref<4x80x128xf32, #tpu.memory_space<vmem>> -> memref<1x80x128xf32, #tpu.memory_space<vmem>>
    %dma_wait3A_257 = tpu.memref_squeeze %dma_wait3A_256 : memref<1x80x128xf32, #tpu.memory_space<vmem>> -> memref<80x128xf32, #tpu.memory_space<vmem>>
    %dma_wait3A_258 = arith.constant 0 : i32
    %dma_wait3A_259 = arith.constant 0 : i32
    %dma_wait3A_260 = tpu.memref_slice %arg4[%dma_wait3A_258, %dma_wait3A_259] : memref<640x128xf32, #tpu.memory_space<hbm>> -> memref<80x128xf32, #tpu.memory_space<hbm>>
    tpu.wait_dma2 semaphore(%arg11 : memref<!tpu.dma_semaphore, #tpu.memory_space<semaphore_mem>>) src(%dma_wait3A_260 : memref<80x128xf32, #tpu.memory_space<hbm>>) dst(%dma_wait3A_257 : memref<80x128xf32, #tpu.memory_space<vmem>>)
    %dma_wait3A_261 = arith.constant 0 : i32
    %dma_wait3A_262 = arith.constant 0 : i32
    %dma_wait3A_263 = arith.constant 0 : i32
    %dma_wait3A_264 = tpu.memref_slice %arg8[%dma_wait3A_261, %dma_wait3A_262, %dma_wait3A_263] : memref<4x80x128xf32, #tpu.memory_space<vmem>> -> memref<1x80x128xf32, #tpu.memory_space<vmem>>
    %dma_wait3A_265 = tpu.memref_squeeze %dma_wait3A_264 : memref<1x80x128xf32, #tpu.memory_space<vmem>> -> memref<80x128xf32, #tpu.memory_space<vmem>>
    %dma_wait3A_266 = arith.constant 0 : i32
    %dma_wait3A_267 = arith.constant 0 : i32
    %dma_wait3A_268 = tpu.memref_slice %arg4[%dma_wait3A_266, %dma_wait3A_267] : memref<640x128xf32, #tpu.memory_space<hbm>> -> memref<80x128xf32, #tpu.memory_space<hbm>>
    %dma_wait3A_269 = arith.constant 0 : i32
    %dma_wait3A_270 = arith.constant 0 : i32
    %dma_wait3A_271 = tpu.memref_slice %arg8[%dma_wait3A_261, %dma_wait3A_269, %dma_wait3A_270] : memref<4x80x128xf32, #tpu.memory_space<vmem>> -> memref<1x80x128xf32, #tpu.memory_space<vmem>>
    %dma_wait3A_272 = tpu.memref_squeeze %dma_wait3A_271 : memref<1x80x128xf32, #tpu.memory_space<vmem>> -> memref<80x128xf32, #tpu.memory_space<vmem>>
    %dma_wait3A_273 = arith.constant 0 : i32
    %dma_wait3A_274 = arith.constant 0 : i32
    %dma_wait3A_275 = tpu.memref_slice %arg4[%dma_wait3A_273, %dma_wait3A_274] : memref<640x128xf32, #tpu.memory_space<hbm>> -> memref<80x128xf32, #tpu.memory_space<hbm>>
    tpu.wait_dma2 semaphore(%arg11 : memref<!tpu.dma_semaphore, #tpu.memory_space<semaphore_mem>>) src(%dma_wait3A_275 : memref<80x128xf32, #tpu.memory_space<hbm>>) dst(%dma_wait3A_272 : memref<80x128xf32, #tpu.memory_space<vmem>>)
    %barrier3A_276 = arith.constant 0 : index
    tpu.barrier barrier_id(%barrier3A_276)
    %mul3A_277 = arith.constant 640 : i32
    %mul3A_278 = arith.muli %arg1, %mul3A_277 : i32
    %mul3A_279 = arith.constant 640 : i32
    %mul3A_280 = arith.muli %arg1, %mul3A_279 : i32
    "tpu.region"() ({
      %run_scoped3A = tpu.sem_alloc : memref<!tpu.dma_semaphore, #tpu.memory_space<semaphore_mem>>
      %dma_start3A_282 = arith.constant 0 : i32
      %dma_start3A_283 = tpu.memref_slice %arg5[%arg0, %mul3A_280, %dma_start3A_282] : memref<2x10240x128xf32, #tpu.memory_space<hbm>> -> memref<1x640x128xf32, #tpu.memory_space<hbm>>
      %dma_start3A_284 = tpu.memref_squeeze %dma_start3A_283 : memref<1x640x128xf32, #tpu.memory_space<hbm>> -> memref<640x128xf32, #tpu.memory_space<hbm>>
      %dma_start3A_285 = arith.constant 0 : i32
      %dma_start3A_286 = tpu.memref_slice %arg9[%mul3A_278, %dma_start3A_285] : memref<10240x128xf32, #tpu.memory_space<vmem_shared>> -> memref<640x128xf32, #tpu.memory_space<vmem_shared>>
      tpu.enqueue_dma source(%dma_start3A_286 : memref<640x128xf32, #tpu.memory_space<vmem_shared>>) target(%dma_start3A_284 : memref<640x128xf32, #tpu.memory_space<hbm>>) target_semaphore(%run_scoped3A : memref<!tpu.dma_semaphore, #tpu.memory_space<semaphore_mem>>)
      %dma_wait3A_287 = arith.constant 0 : i32
      %dma_wait3A_288 = tpu.memref_slice %arg5[%arg0, %mul3A_280, %dma_wait3A_287] : memref<2x10240x128xf32, #tpu.memory_space<hbm>> -> memref<1x640x128xf32, #tpu.memory_space<hbm>>
      %dma_wait3A_289 = tpu.memref_squeeze %dma_wait3A_288 : memref<1x640x128xf32, #tpu.memory_space<hbm>> -> memref<640x128xf32, #tpu.memory_space<hbm>>
      %dma_wait3A_290 = arith.constant 0 : i32
      %dma_wait3A_291 = tpu.memref_slice %arg9[%mul3A_278, %dma_wait3A_290] : memref<10240x128xf32, #tpu.memory_space<vmem_shared>> -> memref<640x128xf32, #tpu.memory_space<vmem_shared>>
      tpu.wait_dma2 semaphore(%run_scoped3A : memref<!tpu.dma_semaphore, #tpu.memory_space<semaphore_mem>>) src(%dma_wait3A_291 : memref<640x128xf32, #tpu.memory_space<vmem_shared>>) dst(%dma_wait3A_289 : memref<640x128xf32, #tpu.memory_space<hbm>>)
      tpu.yield
    }) : () -> ()
    %barrier3A_281 = arith.constant 0 : index
    tpu.barrier barrier_id(%barrier3A_281)
    return
  }
}

#map = affine_map<(d0, d1) -> (0, 0, 0)>
#map1 = affine_map<(d0, d1) -> (0, 0)>
module attributes {stable_mosaic.version = 14 : i64} {
  func.func @_agg_body(%arg0: i32, %arg1: i32, %arg2: memref<2x10240x128xf32, #tpu.memory_space<hbm>>, %arg3: memref<2x4000x80xi32, #tpu.memory_space<hbm>>, %arg4: memref<640x128xf32, #tpu.memory_space<hbm>>, %arg5: memref<2x10240x128xf32, #tpu.memory_space<hbm>>, %arg6: memref<2x10x80xi32, #tpu.memory_space<vmem>>, %arg7: memref<2x10x80xi32, #tpu.memory_space<vmem>>, %arg8: memref<4x80x128xf32, #tpu.memory_space<vmem>>, %arg9: memref<10240x128xf32, #tpu.memory_space<vmem_shared>>, %arg10: memref<!tpu.dma_semaphore, #tpu.memory_space<semaphore_mem>>, %arg11: memref<!tpu.dma_semaphore, #tpu.memory_space<semaphore_mem>>, %arg12: memref<!tpu.dma_semaphore, #tpu.memory_space<semaphore_mem>>) attributes {dimension_semantics = [#tpu.dimension_semantics<core_parallel>, #tpu.dimension_semantics<subcore_parallel>], iteration_bounds = array<i64: 2, 16>, scalar_prefetch = 0 : i64, scratch_operands = 7 : i64, tpu.core_type = #tpu.core_type<sc_vector_subcore>, window_params = [{transform_indices = #map}, {transform_indices = #map}, {transform_indices = #map1}, {transform_indices = #map}]} {
    %mul3A = arith.constant 640 : i32
    %mul3A_0 = arith.muli %arg1, %mul3A : i32
    "tpu.region"() ({
      %run_scoped3A = tpu.sem_alloc : memref<!tpu.dma_semaphore, #tpu.memory_space<semaphore_mem>>
      %dma_start3A_282 = arith.constant 0 : i32
      %dma_start3A_283 = tpu.memref_slice %arg9[%mul3A_0, %dma_start3A_282] : memref<10240x128xf32, #tpu.memory_space<vmem_shared>> -> memref<640x128xf32, #tpu.memory_space<vmem_shared>>
      tpu.enqueue_dma source(%arg4 : memref<640x128xf32, #tpu.memory_space<hbm>>) target(%dma_start3A_283 : memref<640x128xf32, #tpu.memory_space<vmem_shared>>) target_semaphore(%run_scoped3A : memref<!tpu.dma_semaphore, #tpu.memory_space<semaphore_mem>>)
      %dma_wait3A_284 = arith.constant 0 : i32
      %dma_wait3A_285 = tpu.memref_slice %arg9[%mul3A_0, %dma_wait3A_284] : memref<10240x128xf32, #tpu.memory_space<vmem_shared>> -> memref<640x128xf32, #tpu.memory_space<vmem_shared>>
      tpu.wait_dma2 semaphore(%run_scoped3A : memref<!tpu.dma_semaphore, #tpu.memory_space<semaphore_mem>>) src(%arg4 : memref<640x128xf32, #tpu.memory_space<hbm>>) dst(%dma_wait3A_285 : memref<640x128xf32, #tpu.memory_space<vmem_shared>>)
      tpu.yield
    }) : () -> ()
    %barrier3A = arith.constant 0 : index
    tpu.barrier barrier_id(%barrier3A)
    %mul3A_1 = arith.constant 250 : i32
    %mul3A_2 = arith.muli %arg1, %mul3A_1 : i32
    %add3A = arith.constant 0 : i32
    %add3A_3 = arith.addi %mul3A_2, %add3A : i32
    %dma_start3A = arith.constant 0 : i32
    %dma_start3A_4 = arith.constant 0 : i32
    %dma_start3A_5 = arith.constant 0 : i32
    %dma_start3A_6 = arith.constant 0 : i32
    %dma_start3A_7 = tpu.memref_slice %arg6[%dma_start3A_4, %dma_start3A_5, %dma_start3A_6] : memref<2x10x80xi32, #tpu.memory_space<vmem>> -> memref<1x10x80xi32, #tpu.memory_space<vmem>>
    %dma_start3A_8 = tpu.memref_squeeze %dma_start3A_7 : memref<1x10x80xi32, #tpu.memory_space<vmem>> -> memref<10x80xi32, #tpu.memory_space<vmem>>
    %dma_start3A_9 = arith.constant 0 : i32
    %dma_start3A_10 = arith.constant 0 : i32
    %dma_start3A_11 = tpu.memref_slice %arg3[%dma_start3A, %dma_start3A_9, %dma_start3A_10] : memref<2x4000x80xi32, #tpu.memory_space<hbm>> -> memref<1x4000x80xi32, #tpu.memory_space<hbm>>
    %dma_start3A_12 = tpu.memref_squeeze %dma_start3A_11 : memref<1x4000x80xi32, #tpu.memory_space<hbm>> -> memref<4000x80xi32, #tpu.memory_space<hbm>>
    %dma_start3A_13 = arith.constant 0 : i32
    %dma_start3A_14 = tpu.memref_slice %dma_start3A_12[%add3A_3, %dma_start3A_13] : memref<4000x80xi32, #tpu.memory_space<hbm>> -> memref<10x80xi32, #tpu.memory_space<hbm>>
    %dma_start3A_15 = arith.constant 0 : i32
    %dma_start3A_16 = arith.constant 0 : i32
    %dma_start3A_17 = tpu.memref_slice %arg6[%dma_start3A_4, %dma_start3A_15, %dma_start3A_16] : memref<2x10x80xi32, #tpu.memory_space<vmem>> -> memref<1x10x80xi32, #tpu.memory_space<vmem>>
    %dma_start3A_18 = tpu.memref_squeeze %dma_start3A_17 : memref<1x10x80xi32, #tpu.memory_space<vmem>> -> memref<10x80xi32, #tpu.memory_space<vmem>>
    %dma_start3A_19 = arith.constant 0 : i32
    %dma_start3A_20 = arith.constant 0 : i32
    %dma_start3A_21 = tpu.memref_slice %arg3[%dma_start3A, %dma_start3A_19, %dma_start3A_20] : memref<2x4000x80xi32, #tpu.memory_space<hbm>> -> memref<1x4000x80xi32, #tpu.memory_space<hbm>>
    %dma_start3A_22 = tpu.memref_squeeze %dma_start3A_21 : memref<1x4000x80xi32, #tpu.memory_space<hbm>> -> memref<4000x80xi32, #tpu.memory_space<hbm>>
    %dma_start3A_23 = arith.constant 0 : i32
    %dma_start3A_24 = tpu.memref_slice %dma_start3A_22[%add3A_3, %dma_start3A_23] : memref<4000x80xi32, #tpu.memory_space<hbm>> -> memref<10x80xi32, #tpu.memory_space<hbm>>
    tpu.enqueue_dma source(%dma_start3A_24 : memref<10x80xi32, #tpu.memory_space<hbm>>) target(%dma_start3A_18 : memref<10x80xi32, #tpu.memory_space<vmem>>) target_semaphore(%arg12 : memref<!tpu.dma_semaphore, #tpu.memory_space<semaphore_mem>>)
    %add3A_25 = arith.constant 0 : i32
    %add3A_26 = arith.addi %mul3A_2, %add3A_25 : i32
    %dma_start3A_27 = arith.constant 1 : i32
    %dma_start3A_28 = arith.constant 0 : i32
    %dma_start3A_29 = arith.constant 0 : i32
    %dma_start3A_30 = arith.constant 0 : i32
    %dma_start3A_31 = tpu.memref_slice %arg7[%dma_start3A_28, %dma_start3A_29, %dma_start3A_30] : memref<2x10x80xi32, #tpu.memory_space<vmem>> -> memref<1x10x80xi32, #tpu.memory_space<vmem>>
    %dma_start3A_32 = tpu.memref_squeeze %dma_start3A_31 : memref<1x10x80xi32, #tpu.memory_space<vmem>> -> memref<10x80xi32, #tpu.memory_space<vmem>>
    %dma_start3A_33 = arith.constant 0 : i32
    %dma_start3A_34 = arith.constant 0 : i32
    %dma_start3A_35 = tpu.memref_slice %arg3[%dma_start3A_27, %dma_start3A_33, %dma_start3A_34] : memref<2x4000x80xi32, #tpu.memory_space<hbm>> -> memref<1x4000x80xi32, #tpu.memory_space<hbm>>
    %dma_start3A_36 = tpu.memref_squeeze %dma_start3A_35 : memref<1x4000x80xi32, #tpu.memory_space<hbm>> -> memref<4000x80xi32, #tpu.memory_space<hbm>>
    %dma_start3A_37 = arith.constant 0 : i32
    %dma_start3A_38 = tpu.memref_slice %dma_start3A_36[%add3A_26, %dma_start3A_37] : memref<4000x80xi32, #tpu.memory_space<hbm>> -> memref<10x80xi32, #tpu.memory_space<hbm>>
    %dma_start3A_39 = arith.constant 0 : i32
    %dma_start3A_40 = arith.constant 0 : i32
    %dma_start3A_41 = tpu.memref_slice %arg7[%dma_start3A_28, %dma_start3A_39, %dma_start3A_40] : memref<2x10x80xi32, #tpu.memory_space<vmem>> -> memref<1x10x80xi32, #tpu.memory_space<vmem>>
    %dma_start3A_42 = tpu.memref_squeeze %dma_start3A_41 : memref<1x10x80xi32, #tpu.memory_space<vmem>> -> memref<10x80xi32, #tpu.memory_space<vmem>>
    %dma_start3A_43 = arith.constant 0 : i32
    %dma_start3A_44 = arith.constant 0 : i32
    %dma_start3A_45 = tpu.memref_slice %arg3[%dma_start3A_27, %dma_start3A_43, %dma_start3A_44] : memref<2x4000x80xi32, #tpu.memory_space<hbm>> -> memref<1x4000x80xi32, #tpu.memory_space<hbm>>
    %dma_start3A_46 = tpu.memref_squeeze %dma_start3A_45 : memref<1x4000x80xi32, #tpu.memory_space<hbm>> -> memref<4000x80xi32, #tpu.memory_space<hbm>>
    %dma_start3A_47 = arith.constant 0 : i32
    %dma_start3A_48 = tpu.memref_slice %dma_start3A_46[%add3A_26, %dma_start3A_47] : memref<4000x80xi32, #tpu.memory_space<hbm>> -> memref<10x80xi32, #tpu.memory_space<hbm>>
    tpu.enqueue_dma source(%dma_start3A_48 : memref<10x80xi32, #tpu.memory_space<hbm>>) target(%dma_start3A_42 : memref<10x80xi32, #tpu.memory_space<vmem>>) target_semaphore(%arg12 : memref<!tpu.dma_semaphore, #tpu.memory_space<semaphore_mem>>)
    %dma_wait3A = arith.constant 0 : i32
    %dma_wait3A_49 = arith.constant 0 : i32
    %dma_wait3A_50 = arith.constant 0 : i32
    %dma_wait3A_51 = arith.constant 0 : i32
    %dma_wait3A_52 = tpu.memref_slice %arg6[%dma_wait3A_49, %dma_wait3A_50, %dma_wait3A_51] : memref<2x10x80xi32, #tpu.memory_space<vmem>> -> memref<1x10x80xi32, #tpu.memory_space<vmem>>
    %dma_wait3A_53 = tpu.memref_squeeze %dma_wait3A_52 : memref<1x10x80xi32, #tpu.memory_space<vmem>> -> memref<10x80xi32, #tpu.memory_space<vmem>>
    %dma_wait3A_54 = arith.constant 0 : i32
    %dma_wait3A_55 = arith.constant 0 : i32
    %dma_wait3A_56 = tpu.memref_slice %arg3[%dma_wait3A, %dma_wait3A_54, %dma_wait3A_55] : memref<2x4000x80xi32, #tpu.memory_space<hbm>> -> memref<1x4000x80xi32, #tpu.memory_space<hbm>>
    %dma_wait3A_57 = tpu.memref_squeeze %dma_wait3A_56 : memref<1x4000x80xi32, #tpu.memory_space<hbm>> -> memref<4000x80xi32, #tpu.memory_space<hbm>>
    %dma_wait3A_58 = arith.constant 0 : i32
    %dma_wait3A_59 = arith.constant 0 : i32
    %dma_wait3A_60 = tpu.memref_slice %dma_wait3A_57[%dma_wait3A_58, %dma_wait3A_59] : memref<4000x80xi32, #tpu.memory_space<hbm>> -> memref<10x80xi32, #tpu.memory_space<hbm>>
    %dma_wait3A_61 = arith.constant 0 : i32
    %dma_wait3A_62 = arith.constant 0 : i32
    %dma_wait3A_63 = tpu.memref_slice %arg6[%dma_wait3A_49, %dma_wait3A_61, %dma_wait3A_62] : memref<2x10x80xi32, #tpu.memory_space<vmem>> -> memref<1x10x80xi32, #tpu.memory_space<vmem>>
    %dma_wait3A_64 = tpu.memref_squeeze %dma_wait3A_63 : memref<1x10x80xi32, #tpu.memory_space<vmem>> -> memref<10x80xi32, #tpu.memory_space<vmem>>
    %dma_wait3A_65 = arith.constant 0 : i32
    %dma_wait3A_66 = arith.constant 0 : i32
    %dma_wait3A_67 = tpu.memref_slice %arg3[%dma_wait3A, %dma_wait3A_65, %dma_wait3A_66] : memref<2x4000x80xi32, #tpu.memory_space<hbm>> -> memref<1x4000x80xi32, #tpu.memory_space<hbm>>
    %dma_wait3A_68 = tpu.memref_squeeze %dma_wait3A_67 : memref<1x4000x80xi32, #tpu.memory_space<hbm>> -> memref<4000x80xi32, #tpu.memory_space<hbm>>
    %dma_wait3A_69 = arith.constant 0 : i32
    %dma_wait3A_70 = arith.constant 0 : i32
    %dma_wait3A_71 = tpu.memref_slice %dma_wait3A_68[%dma_wait3A_69, %dma_wait3A_70] : memref<4000x80xi32, #tpu.memory_space<hbm>> -> memref<10x80xi32, #tpu.memory_space<hbm>>
    tpu.wait_dma2 semaphore(%arg12 : memref<!tpu.dma_semaphore, #tpu.memory_space<semaphore_mem>>) src(%dma_wait3A_71 : memref<10x80xi32, #tpu.memory_space<hbm>>) dst(%dma_wait3A_64 : memref<10x80xi32, #tpu.memory_space<vmem>>)
    %dma_wait3A_72 = arith.constant 1 : i32
    %dma_wait3A_73 = arith.constant 0 : i32
    %dma_wait3A_74 = arith.constant 0 : i32
    %dma_wait3A_75 = arith.constant 0 : i32
    %dma_wait3A_76 = tpu.memref_slice %arg7[%dma_wait3A_73, %dma_wait3A_74, %dma_wait3A_75] : memref<2x10x80xi32, #tpu.memory_space<vmem>> -> memref<1x10x80xi32, #tpu.memory_space<vmem>>
    %dma_wait3A_77 = tpu.memref_squeeze %dma_wait3A_76 : memref<1x10x80xi32, #tpu.memory_space<vmem>> -> memref<10x80xi32, #tpu.memory_space<vmem>>
    %dma_wait3A_78 = arith.constant 0 : i32
    %dma_wait3A_79 = arith.constant 0 : i32
    %dma_wait3A_80 = tpu.memref_slice %arg3[%dma_wait3A_72, %dma_wait3A_78, %dma_wait3A_79] : memref<2x4000x80xi32, #tpu.memory_space<hbm>> -> memref<1x4000x80xi32, #tpu.memory_space<hbm>>
    %dma_wait3A_81 = tpu.memref_squeeze %dma_wait3A_80 : memref<1x4000x80xi32, #tpu.memory_space<hbm>> -> memref<4000x80xi32, #tpu.memory_space<hbm>>
    %dma_wait3A_82 = arith.constant 0 : i32
    %dma_wait3A_83 = arith.constant 0 : i32
    %dma_wait3A_84 = tpu.memref_slice %dma_wait3A_81[%dma_wait3A_82, %dma_wait3A_83] : memref<4000x80xi32, #tpu.memory_space<hbm>> -> memref<10x80xi32, #tpu.memory_space<hbm>>
    %dma_wait3A_85 = arith.constant 0 : i32
    %dma_wait3A_86 = arith.constant 0 : i32
    %dma_wait3A_87 = tpu.memref_slice %arg7[%dma_wait3A_73, %dma_wait3A_85, %dma_wait3A_86] : memref<2x10x80xi32, #tpu.memory_space<vmem>> -> memref<1x10x80xi32, #tpu.memory_space<vmem>>
    %dma_wait3A_88 = tpu.memref_squeeze %dma_wait3A_87 : memref<1x10x80xi32, #tpu.memory_space<vmem>> -> memref<10x80xi32, #tpu.memory_space<vmem>>
    %dma_wait3A_89 = arith.constant 0 : i32
    %dma_wait3A_90 = arith.constant 0 : i32
    %dma_wait3A_91 = tpu.memref_slice %arg3[%dma_wait3A_72, %dma_wait3A_89, %dma_wait3A_90] : memref<2x4000x80xi32, #tpu.memory_space<hbm>> -> memref<1x4000x80xi32, #tpu.memory_space<hbm>>
    %dma_wait3A_92 = tpu.memref_squeeze %dma_wait3A_91 : memref<1x4000x80xi32, #tpu.memory_space<hbm>> -> memref<4000x80xi32, #tpu.memory_space<hbm>>
    %dma_wait3A_93 = arith.constant 0 : i32
    %dma_wait3A_94 = arith.constant 0 : i32
    %dma_wait3A_95 = tpu.memref_slice %dma_wait3A_92[%dma_wait3A_93, %dma_wait3A_94] : memref<4000x80xi32, #tpu.memory_space<hbm>> -> memref<10x80xi32, #tpu.memory_space<hbm>>
    tpu.wait_dma2 semaphore(%arg12 : memref<!tpu.dma_semaphore, #tpu.memory_space<semaphore_mem>>) src(%dma_wait3A_95 : memref<10x80xi32, #tpu.memory_space<hbm>>) dst(%dma_wait3A_88 : memref<10x80xi32, #tpu.memory_space<vmem>>)
    %rem3A = arith.constant 0 : i32
    %rem3A_96 = arith.constant 2 : i32
    %rem3A_97 = arith.remsi %rem3A, %rem3A_96 : i32
    %rem3A_98 = arith.constant 0 : i32
    %rem3A_99 = arith.constant 10 : i32
    %rem3A_100 = arith.remsi %rem3A_98, %rem3A_99 : i32
    %rem3A_101 = arith.constant 0 : i32
    %rem3A_102 = arith.constant 4 : i32
    %rem3A_103 = arith.remsi %rem3A_101, %rem3A_102 : i32
    %dma_start3A_104 = arith.constant 0 : i32
    %dma_start3A_105 = arith.constant 0 : i32
    %dma_start3A_106 = tpu.memref_slice %arg8[%rem3A_103, %dma_start3A_104, %dma_start3A_105] : memref<4x80x128xf32, #tpu.memory_space<vmem>> -> memref<1x80x128xf32, #tpu.memory_space<vmem>>
    %dma_start3A_107 = tpu.memref_squeeze %dma_start3A_106 : memref<1x80x128xf32, #tpu.memory_space<vmem>> -> memref<80x128xf32, #tpu.memory_space<vmem>>
    %dma_start3A_108 = arith.constant 0 : i32
    %dma_start3A_109 = tpu.memref_slice %arg6[%rem3A_97, %rem3A_100, %dma_start3A_108] : memref<2x10x80xi32, #tpu.memory_space<vmem>> -> memref<1x1x80xi32, #tpu.memory_space<vmem>>
    %dma_start3A_110 = tpu.memref_squeeze %dma_start3A_109 : memref<1x1x80xi32, #tpu.memory_space<vmem>> -> memref<80xi32, #tpu.memory_space<vmem>>
    %dma_start3A_111 = arith.constant 0 : i32
    %dma_start3A_112 = arith.constant 0 : i32
    %dma_start3A_113 = tpu.memref_slice %arg2[%arg0, %dma_start3A_111, %dma_start3A_112] : memref<2x10240x128xf32, #tpu.memory_space<hbm>> -> memref<1x10240x128xf32, #tpu.memory_space<hbm>>
    %dma_start3A_114 = tpu.memref_squeeze %dma_start3A_113 : memref<1x10240x128xf32, #tpu.memory_space<hbm>> -> memref<10240x128xf32, #tpu.memory_space<hbm>>
    %dma_start3A_115 = arith.constant 0 : i32
    %dma_start3A_116 = arith.constant 0 : i32
    %dma_start3A_117 = tpu.memref_slice %dma_start3A_114[%dma_start3A_115, %dma_start3A_116] : memref<10240x128xf32, #tpu.memory_space<hbm>> -> memref<10240x128xf32, #tpu.memory_space<hbm>>
    tpu.enqueue_indirect_dma source(%dma_start3A_117 : memref<10240x128xf32, #tpu.memory_space<hbm>>) target(%dma_start3A_107 : memref<80x128xf32, #tpu.memory_space<vmem>>) offsets(%dma_start3A_110 : memref<80xi32, #tpu.memory_space<vmem>>) semaphore(%arg10 : memref<!tpu.dma_semaphore, #tpu.memory_space<semaphore_mem>>)
    %rem3A_118 = arith.constant 0 : i32
    %rem3A_119 = arith.constant 2 : i32
    %rem3A_120 = arith.remsi %rem3A_118, %rem3A_119 : i32
    %rem3A_121 = arith.constant 1 : i32
    %rem3A_122 = arith.constant 10 : i32
    %rem3A_123 = arith.remsi %rem3A_121, %rem3A_122 : i32
    %rem3A_124 = arith.constant 1 : i32
    %rem3A_125 = arith.constant 4 : i32
    %rem3A_126 = arith.remsi %rem3A_124, %rem3A_125 : i32
    %dma_start3A_127 = arith.constant 0 : i32
    %dma_start3A_128 = arith.constant 0 : i32
    %dma_start3A_129 = tpu.memref_slice %arg8[%rem3A_126, %dma_start3A_127, %dma_start3A_128] : memref<4x80x128xf32, #tpu.memory_space<vmem>> -> memref<1x80x128xf32, #tpu.memory_space<vmem>>
    %dma_start3A_130 = tpu.memref_squeeze %dma_start3A_129 : memref<1x80x128xf32, #tpu.memory_space<vmem>> -> memref<80x128xf32, #tpu.memory_space<vmem>>
    %dma_start3A_131 = arith.constant 0 : i32
    %dma_start3A_132 = tpu.memref_slice %arg6[%rem3A_120, %rem3A_123, %dma_start3A_131] : memref<2x10x80xi32, #tpu.memory_space<vmem>> -> memref<1x1x80xi32, #tpu.memory_space<vmem>>
    %dma_start3A_133 = tpu.memref_squeeze %dma_start3A_132 : memref<1x1x80xi32, #tpu.memory_space<vmem>> -> memref<80xi32, #tpu.memory_space<vmem>>
    %dma_start3A_134 = arith.constant 0 : i32
    %dma_start3A_135 = arith.constant 0 : i32
    %dma_start3A_136 = tpu.memref_slice %arg2[%arg0, %dma_start3A_134, %dma_start3A_135] : memref<2x10240x128xf32, #tpu.memory_space<hbm>> -> memref<1x10240x128xf32, #tpu.memory_space<hbm>>
    %dma_start3A_137 = tpu.memref_squeeze %dma_start3A_136 : memref<1x10240x128xf32, #tpu.memory_space<hbm>> -> memref<10240x128xf32, #tpu.memory_space<hbm>>
    %dma_start3A_138 = arith.constant 0 : i32
    %dma_start3A_139 = arith.constant 0 : i32
    %dma_start3A_140 = tpu.memref_slice %dma_start3A_137[%dma_start3A_138, %dma_start3A_139] : memref<10240x128xf32, #tpu.memory_space<hbm>> -> memref<10240x128xf32, #tpu.memory_space<hbm>>
    tpu.enqueue_indirect_dma source(%dma_start3A_140 : memref<10240x128xf32, #tpu.memory_space<hbm>>) target(%dma_start3A_130 : memref<80x128xf32, #tpu.memory_space<vmem>>) offsets(%dma_start3A_133 : memref<80xi32, #tpu.memory_space<vmem>>) semaphore(%arg10 : memref<!tpu.dma_semaphore, #tpu.memory_space<semaphore_mem>>)
    %scan3A = arith.constant 0 : i32
    %scan3A_141 = arith.constant 0 : i32
    %scan3A_142 = arith.constant 1 : i32
    %scan3A_143 = arith.constant 2 : i32
    %scan3A_144 = arith.constant 248 : i32
    %scan3A_145 = arith.addi %scan3A_143, %scan3A_144 : i32
    %scan3A_146 = arith.constant 1 : i32
    scf.for %scan3A_282 = %scan3A_143 to %scan3A_145 step %scan3A_146  : i32 {
      %rem3A_283 = arith.constant 10 : i32
      %rem3A_284 = arith.remsi %scan3A_282, %rem3A_283 : i32
      %eq3A = arith.constant 0 : i32
      %eq3A_285 = arith.cmpi eq, %rem3A_284, %eq3A : i32
      %convert_element_type3A = arith.extui %eq3A_285 : i1 to i32
      %cond3A = arith.constant 0 : i32
      %cond3A_286 = arith.cmpi ne, %convert_element_type3A, %cond3A : i32
      scf.if %cond3A_286 {
        %dma_wait3A_400 = arith.constant 0 : i32
        %dma_wait3A_401 = arith.constant 0 : i32
        %dma_wait3A_402 = arith.constant 0 : i32
        %dma_wait3A_403 = tpu.memref_slice %arg6[%dma_wait3A_400, %dma_wait3A_401, %dma_wait3A_402] : memref<2x10x80xi32, #tpu.memory_space<vmem>> -> memref<1x10x80xi32, #tpu.memory_space<vmem>>
        %dma_wait3A_404 = tpu.memref_squeeze %dma_wait3A_403 : memref<1x10x80xi32, #tpu.memory_space<vmem>> -> memref<10x80xi32, #tpu.memory_space<vmem>>
        %dma_wait3A_405 = arith.constant 0 : i32
        %dma_wait3A_406 = arith.constant 0 : i32
        %dma_wait3A_407 = tpu.memref_slice %arg3[%scan3A_141, %dma_wait3A_405, %dma_wait3A_406] : memref<2x4000x80xi32, #tpu.memory_space<hbm>> -> memref<1x4000x80xi32, #tpu.memory_space<hbm>>
        %dma_wait3A_408 = tpu.memref_squeeze %dma_wait3A_407 : memref<1x4000x80xi32, #tpu.memory_space<hbm>> -> memref<4000x80xi32, #tpu.memory_space<hbm>>
        %dma_wait3A_409 = arith.constant 0 : i32
        %dma_wait3A_410 = arith.constant 0 : i32
        %dma_wait3A_411 = tpu.memref_slice %dma_wait3A_408[%dma_wait3A_409, %dma_wait3A_410] : memref<4000x80xi32, #tpu.memory_space<hbm>> -> memref<10x80xi32, #tpu.memory_space<hbm>>
        %dma_wait3A_412 = arith.constant 0 : i32
        %dma_wait3A_413 = arith.constant 0 : i32
        %dma_wait3A_414 = tpu.memref_slice %arg6[%dma_wait3A_400, %dma_wait3A_412, %dma_wait3A_413] : memref<2x10x80xi32, #tpu.memory_space<vmem>> -> memref<1x10x80xi32, #tpu.memory_space<vmem>>
        %dma_wait3A_415 = tpu.memref_squeeze %dma_wait3A_414 : memref<1x10x80xi32, #tpu.memory_space<vmem>> -> memref<10x80xi32, #tpu.memory_space<vmem>>
        %dma_wait3A_416 = arith.constant 0 : i32
        %dma_wait3A_417 = arith.constant 0 : i32
        %dma_wait3A_418 = tpu.memref_slice %arg3[%scan3A_141, %dma_wait3A_416, %dma_wait3A_417] : memref<2x4000x80xi32, #tpu.memory_space<hbm>> -> memref<1x4000x80xi32, #tpu.memory_space<hbm>>
        %dma_wait3A_419 = tpu.memref_squeeze %dma_wait3A_418 : memref<1x4000x80xi32, #tpu.memory_space<hbm>> -> memref<4000x80xi32, #tpu.memory_space<hbm>>
        %dma_wait3A_420 = arith.constant 0 : i32
        %dma_wait3A_421 = arith.constant 0 : i32
        %dma_wait3A_422 = tpu.memref_slice %dma_wait3A_419[%dma_wait3A_420, %dma_wait3A_421] : memref<4000x80xi32, #tpu.memory_space<hbm>> -> memref<10x80xi32, #tpu.memory_space<hbm>>
        tpu.wait_dma2 semaphore(%arg12 : memref<!tpu.dma_semaphore, #tpu.memory_space<semaphore_mem>>) src(%dma_wait3A_422 : memref<10x80xi32, #tpu.memory_space<hbm>>) dst(%dma_wait3A_415 : memref<10x80xi32, #tpu.memory_space<vmem>>)
        %dma_wait3A_423 = arith.constant 0 : i32
        %dma_wait3A_424 = arith.constant 0 : i32
        %dma_wait3A_425 = arith.constant 0 : i32
        %dma_wait3A_426 = tpu.memref_slice %arg7[%dma_wait3A_423, %dma_wait3A_424, %dma_wait3A_425] : memref<2x10x80xi32, #tpu.memory_space<vmem>> -> memref<1x10x80xi32, #tpu.memory_space<vmem>>
        %dma_wait3A_427 = tpu.memref_squeeze %dma_wait3A_426 : memref<1x10x80xi32, #tpu.memory_space<vmem>> -> memref<10x80xi32, #tpu.memory_space<vmem>>
        %dma_wait3A_428 = arith.constant 0 : i32
        %dma_wait3A_429 = arith.constant 0 : i32
        %dma_wait3A_430 = tpu.memref_slice %arg3[%scan3A_142, %dma_wait3A_428, %dma_wait3A_429] : memref<2x4000x80xi32, #tpu.memory_space<hbm>> -> memref<1x4000x80xi32, #tpu.memory_space<hbm>>
        %dma_wait3A_431 = tpu.memref_squeeze %dma_wait3A_430 : memref<1x4000x80xi32, #tpu.memory_space<hbm>> -> memref<4000x80xi32, #tpu.memory_space<hbm>>
        %dma_wait3A_432 = arith.constant 0 : i32
        %dma_wait3A_433 = arith.constant 0 : i32
        %dma_wait3A_434 = tpu.memref_slice %dma_wait3A_431[%dma_wait3A_432, %dma_wait3A_433] : memref<4000x80xi32, #tpu.memory_space<hbm>> -> memref<10x80xi32, #tpu.memory_space<hbm>>
        %dma_wait3A_435 = arith.constant 0 : i32
        %dma_wait3A_436 = arith.constant 0 : i32
        %dma_wait3A_437 = tpu.memref_slice %arg7[%dma_wait3A_423, %dma_wait3A_435, %dma_wait3A_436] : memref<2x10x80xi32, #tpu.memory_space<vmem>> -> memref<1x10x80xi32, #tpu.memory_space<vmem>>
        %dma_wait3A_438 = tpu.memref_squeeze %dma_wait3A_437 : memref<1x10x80xi32, #tpu.memory_space<vmem>> -> memref<10x80xi32, #tpu.memory_space<vmem>>
        %dma_wait3A_439 = arith.constant 0 : i32
        %dma_wait3A_440 = arith.constant 0 : i32
        %dma_wait3A_441 = tpu.memref_slice %arg3[%scan3A_142, %dma_wait3A_439, %dma_wait3A_440] : memref<2x4000x80xi32, #tpu.memory_space<hbm>> -> memref<1x4000x80xi32, #tpu.memory_space<hbm>>
        %dma_wait3A_442 = tpu.memref_squeeze %dma_wait3A_441 : memref<1x4000x80xi32, #tpu.memory_space<hbm>> -> memref<4000x80xi32, #tpu.memory_space<hbm>>
        %dma_wait3A_443 = arith.constant 0 : i32
        %dma_wait3A_444 = arith.constant 0 : i32
        %dma_wait3A_445 = tpu.memref_slice %dma_wait3A_442[%dma_wait3A_443, %dma_wait3A_444] : memref<4000x80xi32, #tpu.memory_space<hbm>> -> memref<10x80xi32, #tpu.memory_space<hbm>>
        tpu.wait_dma2 semaphore(%arg12 : memref<!tpu.dma_semaphore, #tpu.memory_space<semaphore_mem>>) src(%dma_wait3A_445 : memref<10x80xi32, #tpu.memory_space<hbm>>) dst(%dma_wait3A_438 : memref<10x80xi32, #tpu.memory_space<vmem>>)
      } else {
      }
      %rem3A_287 = arith.constant 10 : i32
      %rem3A_288 = arith.remsi %scan3A_282, %rem3A_287 : i32
      %eq3A_289 = arith.constant 4 : i32
      %eq3A_290 = arith.cmpi eq, %rem3A_288, %eq3A_289 : i32
      %add3A_291 = arith.constant 20 : i32
      %add3A_292 = arith.addi %scan3A_282, %add3A_291 : i32
      %sub3A = arith.constant 2 : i32
      %sub3A_293 = arith.subi %add3A_292, %sub3A : i32
      %sub3A_294 = arith.constant 2 : i32
      %sub3A_295 = arith.subi %sub3A_293, %sub3A_294 : i32
      %le3A = arith.constant 250 : i32
      %le3A_296 = arith.cmpi sle, %sub3A_295, %le3A : i32
      %and3A = arith.andi %eq3A_290, %le3A_296 : i1
      %convert_element_type3A_297 = arith.extui %and3A : i1 to i32
      %cond3A_298 = arith.constant 0 : i32
      %cond3A_299 = arith.cmpi ne, %convert_element_type3A_297, %cond3A_298 : i32
      scf.if %cond3A_299 {
        %add3A_400 = arith.constant 10 : i32
        %add3A_401 = arith.addi %scan3A_282, %add3A_400 : i32
        %sub3A_402 = arith.constant 2 : i32
        %sub3A_403 = arith.subi %add3A_401, %sub3A_402 : i32
        %sub3A_404 = arith.constant 2 : i32
        %sub3A_405 = arith.subi %sub3A_403, %sub3A_404 : i32
        %jit3A_406 = arith.constant 10 : i32
        %div3A_407 = arith.divsi %scan3A_282, %jit3A_406 : i32
        %sign3A_408 = arith.constant 0 : i32
        %sign3A_409 = arith.cmpi sgt, %scan3A_282, %sign3A_408 : i32
        %sign3A_410 = arith.extui %sign3A_409 : i1 to i32
        %sign3A_411 = arith.constant 0 : i32
        %sign3A_412 = arith.cmpi slt, %scan3A_282, %sign3A_411 : i32
        %sign3A_413 = arith.extui %sign3A_412 : i1 to i32
        %sign3A_414 = arith.subi %sign3A_410, %sign3A_413 : i32
        %sign3A_415 = arith.constant 0 : i32
        %sign3A_416 = arith.cmpi sgt, %jit3A_406, %sign3A_415 : i32
        %sign3A_417 = arith.extui %sign3A_416 : i1 to i32
        %sign3A_418 = arith.constant 0 : i32
        %sign3A_419 = arith.cmpi slt, %jit3A_406, %sign3A_418 : i32
        %sign3A_420 = arith.extui %sign3A_419 : i1 to i32
        %sign3A_421 = arith.subi %sign3A_417, %sign3A_420 : i32
        %ne3A_422 = arith.cmpi ne, %sign3A_414, %sign3A_421 : i32
        %rem3A_423 = arith.remsi %scan3A_282, %jit3A_406 : i32
        %ne3A_424 = arith.constant 0 : i32
        %ne3A_425 = arith.cmpi ne, %rem3A_423, %ne3A_424 : i32
        %and3A_426 = arith.andi %ne3A_422, %ne3A_425 : i1
        %sub3A_427 = arith.constant 1 : i32
        %sub3A_428 = arith.subi %div3A_407, %sub3A_427 : i32
        %select_n3A_429 = arith.select %and3A_426, %sub3A_428, %div3A_407 : i32
        %add3A_430 = arith.constant 1 : i32
        %add3A_431 = arith.addi %select_n3A_429, %add3A_430 : i32
        %rem3A_432 = arith.constant 2 : i32
        %rem3A_433 = arith.remsi %add3A_431, %rem3A_432 : i32
        %add3A_434 = arith.addi %mul3A_2, %sub3A_405 : i32
        %dma_start3A_435 = arith.constant 0 : i32
        %dma_start3A_436 = arith.constant 0 : i32
        %dma_start3A_437 = tpu.memref_slice %arg6[%rem3A_433, %dma_start3A_435, %dma_start3A_436] : memref<2x10x80xi32, #tpu.memory_space<vmem>> -> memref<1x10x80xi32, #tpu.memory_space<vmem>>
        %dma_start3A_438 = tpu.memref_squeeze %dma_start3A_437 : memref<1x10x80xi32, #tpu.memory_space<vmem>> -> memref<10x80xi32, #tpu.memory_space<vmem>>
        %dma_start3A_439 = arith.constant 0 : i32
        %dma_start3A_440 = arith.constant 0 : i32
        %dma_start3A_441 = tpu.memref_slice %arg3[%scan3A_141, %dma_start3A_439, %dma_start3A_440] : memref<2x4000x80xi32, #tpu.memory_space<hbm>> -> memref<1x4000x80xi32, #tpu.memory_space<hbm>>
        %dma_start3A_442 = tpu.memref_squeeze %dma_start3A_441 : memref<1x4000x80xi32, #tpu.memory_space<hbm>> -> memref<4000x80xi32, #tpu.memory_space<hbm>>
        %dma_start3A_443 = arith.constant 0 : i32
        %dma_start3A_444 = tpu.memref_slice %dma_start3A_442[%add3A_434, %dma_start3A_443] : memref<4000x80xi32, #tpu.memory_space<hbm>> -> memref<10x80xi32, #tpu.memory_space<hbm>>
        %dma_start3A_445 = arith.constant 0 : i32
        %dma_start3A_446 = arith.constant 0 : i32
        %dma_start3A_447 = tpu.memref_slice %arg6[%rem3A_433, %dma_start3A_445, %dma_start3A_446] : memref<2x10x80xi32, #tpu.memory_space<vmem>> -> memref<1x10x80xi32, #tpu.memory_space<vmem>>
        %dma_start3A_448 = tpu.memref_squeeze %dma_start3A_447 : memref<1x10x80xi32, #tpu.memory_space<vmem>> -> memref<10x80xi32, #tpu.memory_space<vmem>>
        %dma_start3A_449 = arith.constant 0 : i32
        %dma_start3A_450 = arith.constant 0 : i32
        %dma_start3A_451 = tpu.memref_slice %arg3[%scan3A_141, %dma_start3A_449, %dma_start3A_450] : memref<2x4000x80xi32, #tpu.memory_space<hbm>> -> memref<1x4000x80xi32, #tpu.memory_space<hbm>>
        %dma_start3A_452 = tpu.memref_squeeze %dma_start3A_451 : memref<1x4000x80xi32, #tpu.memory_space<hbm>> -> memref<4000x80xi32, #tpu.memory_space<hbm>>
        %dma_start3A_453 = arith.constant 0 : i32
        %dma_start3A_454 = tpu.memref_slice %dma_start3A_452[%add3A_434, %dma_start3A_453] : memref<4000x80xi32, #tpu.memory_space<hbm>> -> memref<10x80xi32, #tpu.memory_space<hbm>>
        tpu.enqueue_dma source(%dma_start3A_454 : memref<10x80xi32, #tpu.memory_space<hbm>>) target(%dma_start3A_448 : memref<10x80xi32, #tpu.memory_space<vmem>>) target_semaphore(%arg12 : memref<!tpu.dma_semaphore, #tpu.memory_space<semaphore_mem>>)
        %add3A_455 = arith.addi %mul3A_2, %sub3A_405 : i32
        %dma_start3A_456 = arith.constant 0 : i32
        %dma_start3A_457 = arith.constant 0 : i32
        %dma_start3A_458 = tpu.memref_slice %arg7[%rem3A_433, %dma_start3A_456, %dma_start3A_457] : memref<2x10x80xi32, #tpu.memory_space<vmem>> -> memref<1x10x80xi32, #tpu.memory_space<vmem>>
        %dma_start3A_459 = tpu.memref_squeeze %dma_start3A_458 : memref<1x10x80xi32, #tpu.memory_space<vmem>> -> memref<10x80xi32, #tpu.memory_space<vmem>>
        %dma_start3A_460 = arith.constant 0 : i32
        %dma_start3A_461 = arith.constant 0 : i32
        %dma_start3A_462 = tpu.memref_slice %arg3[%scan3A_142, %dma_start3A_460, %dma_start3A_461] : memref<2x4000x80xi32, #tpu.memory_space<hbm>> -> memref<1x4000x80xi32, #tpu.memory_space<hbm>>
        %dma_start3A_463 = tpu.memref_squeeze %dma_start3A_462 : memref<1x4000x80xi32, #tpu.memory_space<hbm>> -> memref<4000x80xi32, #tpu.memory_space<hbm>>
        %dma_start3A_464 = arith.constant 0 : i32
        %dma_start3A_465 = tpu.memref_slice %dma_start3A_463[%add3A_455, %dma_start3A_464] : memref<4000x80xi32, #tpu.memory_space<hbm>> -> memref<10x80xi32, #tpu.memory_space<hbm>>
        %dma_start3A_466 = arith.constant 0 : i32
        %dma_start3A_467 = arith.constant 0 : i32
        %dma_start3A_468 = tpu.memref_slice %arg7[%rem3A_433, %dma_start3A_466, %dma_start3A_467] : memref<2x10x80xi32, #tpu.memory_space<vmem>> -> memref<1x10x80xi32, #tpu.memory_space<vmem>>
        %dma_start3A_469 = tpu.memref_squeeze %dma_start3A_468 : memref<1x10x80xi32, #tpu.memory_space<vmem>> -> memref<10x80xi32, #tpu.memory_space<vmem>>
        %dma_start3A_470 = arith.constant 0 : i32
        %dma_start3A_471 = arith.constant 0 : i32
        %dma_start3A_472 = tpu.memref_slice %arg3[%scan3A_142, %dma_start3A_470, %dma_start3A_471] : memref<2x4000x80xi32, #tpu.memory_space<hbm>> -> memref<1x4000x80xi32, #tpu.memory_space<hbm>>
        %dma_start3A_473 = tpu.memref_squeeze %dma_start3A_472 : memref<1x4000x80xi32, #tpu.memory_space<hbm>> -> memref<4000x80xi32, #tpu.memory_space<hbm>>
        %dma_start3A_474 = arith.constant 0 : i32
        %dma_start3A_475 = tpu.memref_slice %dma_start3A_473[%add3A_455, %dma_start3A_474] : memref<4000x80xi32, #tpu.memory_space<hbm>> -> memref<10x80xi32, #tpu.memory_space<hbm>>
        tpu.enqueue_dma source(%dma_start3A_475 : memref<10x80xi32, #tpu.memory_space<hbm>>) target(%dma_start3A_469 : memref<10x80xi32, #tpu.memory_space<vmem>>) target_semaphore(%arg12 : memref<!tpu.dma_semaphore, #tpu.memory_space<semaphore_mem>>)
      } else {
      }
      %ge3A = arith.constant 4 : i32
      %ge3A_300 = arith.cmpi sge, %scan3A_282, %ge3A : i32
      %convert_element_type3A_301 = arith.extui %ge3A_300 : i1 to i32
      %cond3A_302 = arith.constant 0 : i32
      %cond3A_303 = arith.cmpi ne, %convert_element_type3A_301, %cond3A_302 : i32
      scf.if %cond3A_303 {
        %dma_wait3A_400 = arith.constant 0 : i32
        %dma_wait3A_401 = arith.constant 0 : i32
        %dma_wait3A_402 = arith.constant 0 : i32
        %dma_wait3A_403 = tpu.memref_slice %arg8[%dma_wait3A_400, %dma_wait3A_401, %dma_wait3A_402] : memref<4x80x128xf32, #tpu.memory_space<vmem>> -> memref<1x80x128xf32, #tpu.memory_space<vmem>>
        %dma_wait3A_404 = tpu.memref_squeeze %dma_wait3A_403 : memref<1x80x128xf32, #tpu.memory_space<vmem>> -> memref<80x128xf32, #tpu.memory_space<vmem>>
        %dma_wait3A_405 = arith.constant 0 : i32
        %dma_wait3A_406 = arith.constant 0 : i32
        %dma_wait3A_407 = tpu.memref_slice %arg4[%dma_wait3A_405, %dma_wait3A_406] : memref<640x128xf32, #tpu.memory_space<hbm>> -> memref<80x128xf32, #tpu.memory_space<hbm>>
        %dma_wait3A_408 = arith.constant 0 : i32
        %dma_wait3A_409 = arith.constant 0 : i32
        %dma_wait3A_410 = tpu.memref_slice %arg8[%dma_wait3A_400, %dma_wait3A_408, %dma_wait3A_409] : memref<4x80x128xf32, #tpu.memory_space<vmem>> -> memref<1x80x128xf32, #tpu.memory_space<vmem>>
        %dma_wait3A_411 = tpu.memref_squeeze %dma_wait3A_410 : memref<1x80x128xf32, #tpu.memory_space<vmem>> -> memref<80x128xf32, #tpu.memory_space<vmem>>
        %dma_wait3A_412 = arith.constant 0 : i32
        %dma_wait3A_413 = arith.constant 0 : i32
        %dma_wait3A_414 = tpu.memref_slice %arg4[%dma_wait3A_412, %dma_wait3A_413] : memref<640x128xf32, #tpu.memory_space<hbm>> -> memref<80x128xf32, #tpu.memory_space<hbm>>
        tpu.wait_dma2 semaphore(%arg11 : memref<!tpu.dma_semaphore, #tpu.memory_space<semaphore_mem>>) src(%dma_wait3A_414 : memref<80x128xf32, #tpu.memory_space<hbm>>) dst(%dma_wait3A_411 : memref<80x128xf32, #tpu.memory_space<vmem>>)
      } else {
      }
      %jit3A = arith.constant 10 : i32
      %div3A = arith.divsi %scan3A_282, %jit3A : i32
      %sign3A = arith.constant 0 : i32
      %sign3A_304 = arith.cmpi sgt, %scan3A_282, %sign3A : i32
      %sign3A_305 = arith.extui %sign3A_304 : i1 to i32
      %sign3A_306 = arith.constant 0 : i32
      %sign3A_307 = arith.cmpi slt, %scan3A_282, %sign3A_306 : i32
      %sign3A_308 = arith.extui %sign3A_307 : i1 to i32
      %sign3A_309 = arith.subi %sign3A_305, %sign3A_308 : i32
      %sign3A_310 = arith.constant 0 : i32
      %sign3A_311 = arith.cmpi sgt, %jit3A, %sign3A_310 : i32
      %sign3A_312 = arith.extui %sign3A_311 : i1 to i32
      %sign3A_313 = arith.constant 0 : i32
      %sign3A_314 = arith.cmpi slt, %jit3A, %sign3A_313 : i32
      %sign3A_315 = arith.extui %sign3A_314 : i1 to i32
      %sign3A_316 = arith.subi %sign3A_312, %sign3A_315 : i32
      %ne3A = arith.cmpi ne, %sign3A_309, %sign3A_316 : i32
      %rem3A_317 = arith.remsi %scan3A_282, %jit3A : i32
      %ne3A_318 = arith.constant 0 : i32
      %ne3A_319 = arith.cmpi ne, %rem3A_317, %ne3A_318 : i32
      %and3A_320 = arith.andi %ne3A, %ne3A_319 : i1
      %sub3A_321 = arith.constant 1 : i32
      %sub3A_322 = arith.subi %div3A, %sub3A_321 : i32
      %select_n3A = arith.select %and3A_320, %sub3A_322, %div3A : i32
      %rem3A_323 = arith.constant 2 : i32
      %rem3A_324 = arith.remsi %select_n3A, %rem3A_323 : i32
      %rem3A_325 = arith.constant 10 : i32
      %rem3A_326 = arith.remsi %scan3A_282, %rem3A_325 : i32
      %rem3A_327 = arith.constant 4 : i32
      %rem3A_328 = arith.remsi %scan3A_282, %rem3A_327 : i32
      %dma_start3A_329 = arith.constant 0 : i32
      %dma_start3A_330 = arith.constant 0 : i32
      %dma_start3A_331 = tpu.memref_slice %arg8[%rem3A_328, %dma_start3A_329, %dma_start3A_330] : memref<4x80x128xf32, #tpu.memory_space<vmem>> -> memref<1x80x128xf32, #tpu.memory_space<vmem>>
      %dma_start3A_332 = tpu.memref_squeeze %dma_start3A_331 : memref<1x80x128xf32, #tpu.memory_space<vmem>> -> memref<80x128xf32, #tpu.memory_space<vmem>>
      %dma_start3A_333 = arith.constant 0 : i32
      %dma_start3A_334 = tpu.memref_slice %arg6[%rem3A_324, %rem3A_326, %dma_start3A_333] : memref<2x10x80xi32, #tpu.memory_space<vmem>> -> memref<1x1x80xi32, #tpu.memory_space<vmem>>
      %dma_start3A_335 = tpu.memref_squeeze %dma_start3A_334 : memref<1x1x80xi32, #tpu.memory_space<vmem>> -> memref<80xi32, #tpu.memory_space<vmem>>
      %dma_start3A_336 = arith.constant 0 : i32
      %dma_start3A_337 = arith.constant 0 : i32
      %dma_start3A_338 = tpu.memref_slice %arg2[%arg0, %dma_start3A_336, %dma_start3A_337] : memref<2x10240x128xf32, #tpu.memory_space<hbm>> -> memref<1x10240x128xf32, #tpu.memory_space<hbm>>
      %dma_start3A_339 = tpu.memref_squeeze %dma_start3A_338 : memref<1x10240x128xf32, #tpu.memory_space<hbm>> -> memref<10240x128xf32, #tpu.memory_space<hbm>>
      %dma_start3A_340 = arith.constant 0 : i32
      %dma_start3A_341 = arith.constant 0 : i32
      %dma_start3A_342 = tpu.memref_slice %dma_start3A_339[%dma_start3A_340, %dma_start3A_341] : memref<10240x128xf32, #tpu.memory_space<hbm>> -> memref<10240x128xf32, #tpu.memory_space<hbm>>
      tpu.enqueue_indirect_dma source(%dma_start3A_342 : memref<10240x128xf32, #tpu.memory_space<hbm>>) target(%dma_start3A_332 : memref<80x128xf32, #tpu.memory_space<vmem>>) offsets(%dma_start3A_335 : memref<80xi32, #tpu.memory_space<vmem>>) semaphore(%arg10 : memref<!tpu.dma_semaphore, #tpu.memory_space<semaphore_mem>>)
      %dma_wait3A_343 = arith.constant 0 : i32
      %dma_wait3A_344 = arith.constant 0 : i32
      %dma_wait3A_345 = arith.constant 0 : i32
      %dma_wait3A_346 = tpu.memref_slice %arg8[%dma_wait3A_343, %dma_wait3A_344, %dma_wait3A_345] : memref<4x80x128xf32, #tpu.memory_space<vmem>> -> memref<1x80x128xf32, #tpu.memory_space<vmem>>
      %dma_wait3A_347 = tpu.memref_squeeze %dma_wait3A_346 : memref<1x80x128xf32, #tpu.memory_space<vmem>> -> memref<80x128xf32, #tpu.memory_space<vmem>>
      %dma_wait3A_348 = arith.constant 0 : i32
      %dma_wait3A_349 = arith.constant 0 : i32
      %dma_wait3A_350 = tpu.memref_slice %arg4[%dma_wait3A_348, %dma_wait3A_349] : memref<640x128xf32, #tpu.memory_space<hbm>> -> memref<80x128xf32, #tpu.memory_space<hbm>>
      %dma_wait3A_351 = arith.constant 0 : i32
      %dma_wait3A_352 = arith.constant 0 : i32
      %dma_wait3A_353 = tpu.memref_slice %arg8[%dma_wait3A_343, %dma_wait3A_351, %dma_wait3A_352] : memref<4x80x128xf32, #tpu.memory_space<vmem>> -> memref<1x80x128xf32, #tpu.memory_space<vmem>>
      %dma_wait3A_354 = tpu.memref_squeeze %dma_wait3A_353 : memref<1x80x128xf32, #tpu.memory_space<vmem>> -> memref<80x128xf32, #tpu.memory_space<vmem>>
      %dma_wait3A_355 = arith.constant 0 : i32
      %dma_wait3A_356 = arith.constant 0 : i32
      %dma_wait3A_357 = tpu.memref_slice %arg4[%dma_wait3A_355, %dma_wait3A_356] : memref<640x128xf32, #tpu.memory_space<hbm>> -> memref<80x128xf32, #tpu.memory_space<hbm>>
      tpu.wait_dma2 semaphore(%arg10 : memref<!tpu.dma_semaphore, #tpu.memory_space<semaphore_mem>>) src(%dma_wait3A_357 : memref<80x128xf32, #tpu.memory_space<hbm>>) dst(%dma_wait3A_354 : memref<80x128xf32, #tpu.memory_space<vmem>>)
      %sub3A_358 = arith.constant 2 : i32
      %sub3A_359 = arith.subi %scan3A_282, %sub3A_358 : i32
      %jit3A_360 = arith.constant 10 : i32
      %div3A_361 = arith.divsi %sub3A_359, %jit3A_360 : i32
      %sign3A_362 = arith.constant 0 : i32
      %sign3A_363 = arith.cmpi sgt, %sub3A_359, %sign3A_362 : i32
      %sign3A_364 = arith.extui %sign3A_363 : i1 to i32
      %sign3A_365 = arith.constant 0 : i32
      %sign3A_366 = arith.cmpi slt, %sub3A_359, %sign3A_365 : i32
      %sign3A_367 = arith.extui %sign3A_366 : i1 to i32
      %sign3A_368 = arith.subi %sign3A_364, %sign3A_367 : i32
      %sign3A_369 = arith.constant 0 : i32
      %sign3A_370 = arith.cmpi sgt, %jit3A_360, %sign3A_369 : i32
      %sign3A_371 = arith.extui %sign3A_370 : i1 to i32
      %sign3A_372 = arith.constant 0 : i32
      %sign3A_373 = arith.cmpi slt, %jit3A_360, %sign3A_372 : i32
      %sign3A_374 = arith.extui %sign3A_373 : i1 to i32
      %sign3A_375 = arith.subi %sign3A_371, %sign3A_374 : i32
      %ne3A_376 = arith.cmpi ne, %sign3A_368, %sign3A_375 : i32
      %rem3A_377 = arith.remsi %sub3A_359, %jit3A_360 : i32
      %ne3A_378 = arith.constant 0 : i32
      %ne3A_379 = arith.cmpi ne, %rem3A_377, %ne3A_378 : i32
      %and3A_380 = arith.andi %ne3A_376, %ne3A_379 : i1
      %sub3A_381 = arith.constant 1 : i32
      %sub3A_382 = arith.subi %div3A_361, %sub3A_381 : i32
      %select_n3A_383 = arith.select %and3A_380, %sub3A_382, %div3A_361 : i32
      %rem3A_384 = arith.constant 2 : i32
      %rem3A_385 = arith.remsi %select_n3A_383, %rem3A_384 : i32
      %rem3A_386 = arith.constant 4 : i32
      %rem3A_387 = arith.remsi %sub3A_359, %rem3A_386 : i32
      %rem3A_388 = arith.constant 10 : i32
      %rem3A_389 = arith.remsi %sub3A_359, %rem3A_388 : i32
      %dma_start3A_390 = arith.constant 0 : i32
      %dma_start3A_391 = arith.constant 0 : i32
      %dma_start3A_392 = tpu.memref_slice %arg8[%rem3A_387, %dma_start3A_390, %dma_start3A_391] : memref<4x80x128xf32, #tpu.memory_space<vmem>> -> memref<1x80x128xf32, #tpu.memory_space<vmem>>
      %dma_start3A_393 = tpu.memref_squeeze %dma_start3A_392 : memref<1x80x128xf32, #tpu.memory_space<vmem>> -> memref<80x128xf32, #tpu.memory_space<vmem>>
      %dma_start3A_394 = arith.constant 0 : i32
      %dma_start3A_395 = tpu.memref_slice %arg7[%rem3A_385, %rem3A_389, %dma_start3A_394] : memref<2x10x80xi32, #tpu.memory_space<vmem>> -> memref<1x1x80xi32, #tpu.memory_space<vmem>>
      %dma_start3A_396 = tpu.memref_squeeze %dma_start3A_395 : memref<1x1x80xi32, #tpu.memory_space<vmem>> -> memref<80xi32, #tpu.memory_space<vmem>>
      %dma_start3A_397 = arith.constant 0 : i32
      %dma_start3A_398 = arith.constant 0 : i32
      %dma_start3A_399 = tpu.memref_slice %arg9[%dma_start3A_397, %dma_start3A_398] : memref<10240x128xf32, #tpu.memory_space<vmem_shared>> -> memref<10240x128xf32, #tpu.memory_space<vmem_shared>>
      tpu.enqueue_indirect_dma source(%dma_start3A_393 : memref<80x128xf32, #tpu.memory_space<vmem>>) target(%dma_start3A_399 : memref<10240x128xf32, #tpu.memory_space<vmem_shared>>) offsets(%dma_start3A_396 : memref<80xi32, #tpu.memory_space<vmem>>) semaphore(%arg11 : memref<!tpu.dma_semaphore, #tpu.memory_space<semaphore_mem>>) {add = true}
    }
    %scan3A_147 = arith.constant 248 : i32
    %dma_wait3A_148 = arith.constant 0 : i32
    %dma_wait3A_149 = arith.constant 0 : i32
    %dma_wait3A_150 = arith.constant 0 : i32
    %dma_wait3A_151 = tpu.memref_slice %arg8[%dma_wait3A_148, %dma_wait3A_149, %dma_wait3A_150] : memref<4x80x128xf32, #tpu.memory_space<vmem>> -> memref<1x80x128xf32, #tpu.memory_space<vmem>>
    %dma_wait3A_152 = tpu.memref_squeeze %dma_wait3A_151 : memref<1x80x128xf32, #tpu.memory_space<vmem>> -> memref<80x128xf32, #tpu.memory_space<vmem>>
    %dma_wait3A_153 = arith.constant 0 : i32
    %dma_wait3A_154 = arith.constant 0 : i32
    %dma_wait3A_155 = tpu.memref_slice %arg4[%dma_wait3A_153, %dma_wait3A_154] : memref<640x128xf32, #tpu.memory_space<hbm>> -> memref<80x128xf32, #tpu.memory_space<hbm>>
    %dma_wait3A_156 = arith.constant 0 : i32
    %dma_wait3A_157 = arith.constant 0 : i32
    %dma_wait3A_158 = tpu.memref_slice %arg8[%dma_wait3A_148, %dma_wait3A_156, %dma_wait3A_157] : memref<4x80x128xf32, #tpu.memory_space<vmem>> -> memref<1x80x128xf32, #tpu.memory_space<vmem>>
    %dma_wait3A_159 = tpu.memref_squeeze %dma_wait3A_158 : memref<1x80x128xf32, #tpu.memory_space<vmem>> -> memref<80x128xf32, #tpu.memory_space<vmem>>
    %dma_wait3A_160 = arith.constant 0 : i32
    %dma_wait3A_161 = arith.constant 0 : i32
    %dma_wait3A_162 = tpu.memref_slice %arg4[%dma_wait3A_160, %dma_wait3A_161] : memref<640x128xf32, #tpu.memory_space<hbm>> -> memref<80x128xf32, #tpu.memory_space<hbm>>
    tpu.wait_dma2 semaphore(%arg10 : memref<!tpu.dma_semaphore, #tpu.memory_space<semaphore_mem>>) src(%dma_wait3A_162 : memref<80x128xf32, #tpu.memory_space<hbm>>) dst(%dma_wait3A_159 : memref<80x128xf32, #tpu.memory_space<vmem>>)
    %rem3A_163 = arith.constant 24 : i32
    %rem3A_164 = arith.constant 2 : i32
    %rem3A_165 = arith.remsi %rem3A_163, %rem3A_164 : i32
    %rem3A_166 = arith.constant 248 : i32
    %rem3A_167 = arith.constant 4 : i32
    %rem3A_168 = arith.remsi %rem3A_166, %rem3A_167 : i32
    %rem3A_169 = arith.constant 248 : i32
    %rem3A_170 = arith.constant 10 : i32
    %rem3A_171 = arith.remsi %rem3A_169, %rem3A_170 : i32
    %dma_start3A_172 = arith.constant 0 : i32
    %dma_start3A_173 = arith.constant 0 : i32
    %dma_start3A_174 = tpu.memref_slice %arg8[%rem3A_168, %dma_start3A_172, %dma_start3A_173] : memref<4x80x128xf32, #tpu.memory_space<vmem>> -> memref<1x80x128xf32, #tpu.memory_space<vmem>>
    %dma_start3A_175 = tpu.memref_squeeze %dma_start3A_174 : memref<1x80x128xf32, #tpu.memory_space<vmem>> -> memref<80x128xf32, #tpu.memory_space<vmem>>
    %dma_start3A_176 = arith.constant 0 : i32
    %dma_start3A_177 = tpu.memref_slice %arg7[%rem3A_165, %rem3A_171, %dma_start3A_176] : memref<2x10x80xi32, #tpu.memory_space<vmem>> -> memref<1x1x80xi32, #tpu.memory_space<vmem>>
    %dma_start3A_178 = tpu.memref_squeeze %dma_start3A_177 : memref<1x1x80xi32, #tpu.memory_space<vmem>> -> memref<80xi32, #tpu.memory_space<vmem>>
    %dma_start3A_179 = arith.constant 0 : i32
    %dma_start3A_180 = arith.constant 0 : i32
    %dma_start3A_181 = tpu.memref_slice %arg9[%dma_start3A_179, %dma_start3A_180] : memref<10240x128xf32, #tpu.memory_space<vmem_shared>> -> memref<10240x128xf32, #tpu.memory_space<vmem_shared>>
    tpu.enqueue_indirect_dma source(%dma_start3A_175 : memref<80x128xf32, #tpu.memory_space<vmem>>) target(%dma_start3A_181 : memref<10240x128xf32, #tpu.memory_space<vmem_shared>>) offsets(%dma_start3A_178 : memref<80xi32, #tpu.memory_space<vmem>>) semaphore(%arg11 : memref<!tpu.dma_semaphore, #tpu.memory_space<semaphore_mem>>) {add = true}
    %dma_wait3A_182 = arith.constant 0 : i32
    %dma_wait3A_183 = arith.constant 0 : i32
    %dma_wait3A_184 = arith.constant 0 : i32
    %dma_wait3A_185 = tpu.memref_slice %arg8[%dma_wait3A_182, %dma_wait3A_183, %dma_wait3A_184] : memref<4x80x128xf32, #tpu.memory_space<vmem>> -> memref<1x80x128xf32, #tpu.memory_space<vmem>>
    %dma_wait3A_186 = tpu.memref_squeeze %dma_wait3A_185 : memref<1x80x128xf32, #tpu.memory_space<vmem>> -> memref<80x128xf32, #tpu.memory_space<vmem>>
    %dma_wait3A_187 = arith.constant 0 : i32
    %dma_wait3A_188 = arith.constant 0 : i32
    %dma_wait3A_189 = tpu.memref_slice %arg4[%dma_wait3A_187, %dma_wait3A_188] : memref<640x128xf32, #tpu.memory_space<hbm>> -> memref<80x128xf32, #tpu.memory_space<hbm>>
    %dma_wait3A_190 = arith.constant 0 : i32
    %dma_wait3A_191 = arith.constant 0 : i32
    %dma_wait3A_192 = tpu.memref_slice %arg8[%dma_wait3A_182, %dma_wait3A_190, %dma_wait3A_191] : memref<4x80x128xf32, #tpu.memory_space<vmem>> -> memref<1x80x128xf32, #tpu.memory_space<vmem>>
    %dma_wait3A_193 = tpu.memref_squeeze %dma_wait3A_192 : memref<1x80x128xf32, #tpu.memory_space<vmem>> -> memref<80x128xf32, #tpu.memory_space<vmem>>
    %dma_wait3A_194 = arith.constant 0 : i32
    %dma_wait3A_195 = arith.constant 0 : i32
    %dma_wait3A_196 = tpu.memref_slice %arg4[%dma_wait3A_194, %dma_wait3A_195] : memref<640x128xf32, #tpu.memory_space<hbm>> -> memref<80x128xf32, #tpu.memory_space<hbm>>
    tpu.wait_dma2 semaphore(%arg10 : memref<!tpu.dma_semaphore, #tpu.memory_space<semaphore_mem>>) src(%dma_wait3A_196 : memref<80x128xf32, #tpu.memory_space<hbm>>) dst(%dma_wait3A_193 : memref<80x128xf32, #tpu.memory_space<vmem>>)
    %rem3A_197 = arith.constant 24 : i32
    %rem3A_198 = arith.constant 2 : i32
    %rem3A_199 = arith.remsi %rem3A_197, %rem3A_198 : i32
    %rem3A_200 = arith.constant 249 : i32
    %rem3A_201 = arith.constant 4 : i32
    %rem3A_202 = arith.remsi %rem3A_200, %rem3A_201 : i32
    %rem3A_203 = arith.constant 249 : i32
    %rem3A_204 = arith.constant 10 : i32
    %rem3A_205 = arith.remsi %rem3A_203, %rem3A_204 : i32
    %dma_start3A_206 = arith.constant 0 : i32
    %dma_start3A_207 = arith.constant 0 : i32
    %dma_start3A_208 = tpu.memref_slice %arg8[%rem3A_202, %dma_start3A_206, %dma_start3A_207] : memref<4x80x128xf32, #tpu.memory_space<vmem>> -> memref<1x80x128xf32, #tpu.memory_space<vmem>>
    %dma_start3A_209 = tpu.memref_squeeze %dma_start3A_208 : memref<1x80x128xf32, #tpu.memory_space<vmem>> -> memref<80x128xf32, #tpu.memory_space<vmem>>
    %dma_start3A_210 = arith.constant 0 : i32
    %dma_start3A_211 = tpu.memref_slice %arg7[%rem3A_199, %rem3A_205, %dma_start3A_210] : memref<2x10x80xi32, #tpu.memory_space<vmem>> -> memref<1x1x80xi32, #tpu.memory_space<vmem>>
    %dma_start3A_212 = tpu.memref_squeeze %dma_start3A_211 : memref<1x1x80xi32, #tpu.memory_space<vmem>> -> memref<80xi32, #tpu.memory_space<vmem>>
    %dma_start3A_213 = arith.constant 0 : i32
    %dma_start3A_214 = arith.constant 0 : i32
    %dma_start3A_215 = tpu.memref_slice %arg9[%dma_start3A_213, %dma_start3A_214] : memref<10240x128xf32, #tpu.memory_space<vmem_shared>> -> memref<10240x128xf32, #tpu.memory_space<vmem_shared>>
    tpu.enqueue_indirect_dma source(%dma_start3A_209 : memref<80x128xf32, #tpu.memory_space<vmem>>) target(%dma_start3A_215 : memref<10240x128xf32, #tpu.memory_space<vmem_shared>>) offsets(%dma_start3A_212 : memref<80xi32, #tpu.memory_space<vmem>>) semaphore(%arg11 : memref<!tpu.dma_semaphore, #tpu.memory_space<semaphore_mem>>) {add = true}
    %dma_wait3A_216 = arith.constant 0 : i32
    %dma_wait3A_217 = arith.constant 0 : i32
    %dma_wait3A_218 = arith.constant 0 : i32
    %dma_wait3A_219 = tpu.memref_slice %arg8[%dma_wait3A_216, %dma_wait3A_217, %dma_wait3A_218] : memref<4x80x128xf32, #tpu.memory_space<vmem>> -> memref<1x80x128xf32, #tpu.memory_space<vmem>>
    %dma_wait3A_220 = tpu.memref_squeeze %dma_wait3A_219 : memref<1x80x128xf32, #tpu.memory_space<vmem>> -> memref<80x128xf32, #tpu.memory_space<vmem>>
    %dma_wait3A_221 = arith.constant 0 : i32
    %dma_wait3A_222 = arith.constant 0 : i32
    %dma_wait3A_223 = tpu.memref_slice %arg4[%dma_wait3A_221, %dma_wait3A_222] : memref<640x128xf32, #tpu.memory_space<hbm>> -> memref<80x128xf32, #tpu.memory_space<hbm>>
    %dma_wait3A_224 = arith.constant 0 : i32
    %dma_wait3A_225 = arith.constant 0 : i32
    %dma_wait3A_226 = tpu.memref_slice %arg8[%dma_wait3A_216, %dma_wait3A_224, %dma_wait3A_225] : memref<4x80x128xf32, #tpu.memory_space<vmem>> -> memref<1x80x128xf32, #tpu.memory_space<vmem>>
    %dma_wait3A_227 = tpu.memref_squeeze %dma_wait3A_226 : memref<1x80x128xf32, #tpu.memory_space<vmem>> -> memref<80x128xf32, #tpu.memory_space<vmem>>
    %dma_wait3A_228 = arith.constant 0 : i32
    %dma_wait3A_229 = arith.constant 0 : i32
    %dma_wait3A_230 = tpu.memref_slice %arg4[%dma_wait3A_228, %dma_wait3A_229] : memref<640x128xf32, #tpu.memory_space<hbm>> -> memref<80x128xf32, #tpu.memory_space<hbm>>
    tpu.wait_dma2 semaphore(%arg11 : memref<!tpu.dma_semaphore, #tpu.memory_space<semaphore_mem>>) src(%dma_wait3A_230 : memref<80x128xf32, #tpu.memory_space<hbm>>) dst(%dma_wait3A_227 : memref<80x128xf32, #tpu.memory_space<vmem>>)
    %dma_wait3A_231 = arith.constant 0 : i32
    %dma_wait3A_232 = arith.constant 0 : i32
    %dma_wait3A_233 = arith.constant 0 : i32
    %dma_wait3A_234 = tpu.memref_slice %arg8[%dma_wait3A_231, %dma_wait3A_232, %dma_wait3A_233] : memref<4x80x128xf32, #tpu.memory_space<vmem>> -> memref<1x80x128xf32, #tpu.memory_space<vmem>>
    %dma_wait3A_235 = tpu.memref_squeeze %dma_wait3A_234 : memref<1x80x128xf32, #tpu.memory_space<vmem>> -> memref<80x128xf32, #tpu.memory_space<vmem>>
    %dma_wait3A_236 = arith.constant 0 : i32
    %dma_wait3A_237 = arith.constant 0 : i32
    %dma_wait3A_238 = tpu.memref_slice %arg4[%dma_wait3A_236, %dma_wait3A_237] : memref<640x128xf32, #tpu.memory_space<hbm>> -> memref<80x128xf32, #tpu.memory_space<hbm>>
    %dma_wait3A_239 = arith.constant 0 : i32
    %dma_wait3A_240 = arith.constant 0 : i32
    %dma_wait3A_241 = tpu.memref_slice %arg8[%dma_wait3A_231, %dma_wait3A_239, %dma_wait3A_240] : memref<4x80x128xf32, #tpu.memory_space<vmem>> -> memref<1x80x128xf32, #tpu.memory_space<vmem>>
    %dma_wait3A_242 = tpu.memref_squeeze %dma_wait3A_241 : memref<1x80x128xf32, #tpu.memory_space<vmem>> -> memref<80x128xf32, #tpu.memory_space<vmem>>
    %dma_wait3A_243 = arith.constant 0 : i32
    %dma_wait3A_244 = arith.constant 0 : i32
    %dma_wait3A_245 = tpu.memref_slice %arg4[%dma_wait3A_243, %dma_wait3A_244] : memref<640x128xf32, #tpu.memory_space<hbm>> -> memref<80x128xf32, #tpu.memory_space<hbm>>
    tpu.wait_dma2 semaphore(%arg11 : memref<!tpu.dma_semaphore, #tpu.memory_space<semaphore_mem>>) src(%dma_wait3A_245 : memref<80x128xf32, #tpu.memory_space<hbm>>) dst(%dma_wait3A_242 : memref<80x128xf32, #tpu.memory_space<vmem>>)
    %dma_wait3A_246 = arith.constant 0 : i32
    %dma_wait3A_247 = arith.constant 0 : i32
    %dma_wait3A_248 = arith.constant 0 : i32
    %dma_wait3A_249 = tpu.memref_slice %arg8[%dma_wait3A_246, %dma_wait3A_247, %dma_wait3A_248] : memref<4x80x128xf32, #tpu.memory_space<vmem>> -> memref<1x80x128xf32, #tpu.memory_space<vmem>>
    %dma_wait3A_250 = tpu.memref_squeeze %dma_wait3A_249 : memref<1x80x128xf32, #tpu.memory_space<vmem>> -> memref<80x128xf32, #tpu.memory_space<vmem>>
    %dma_wait3A_251 = arith.constant 0 : i32
    %dma_wait3A_252 = arith.constant 0 : i32
    %dma_wait3A_253 = tpu.memref_slice %arg4[%dma_wait3A_251, %dma_wait3A_252] : memref<640x128xf32, #tpu.memory_space<hbm>> -> memref<80x128xf32, #tpu.memory_space<hbm>>
    %dma_wait3A_254 = arith.constant 0 : i32
    %dma_wait3A_255 = arith.constant 0 : i32
    %dma_wait3A_256 = tpu.memref_slice %arg8[%dma_wait3A_246, %dma_wait3A_254, %dma_wait3A_255] : memref<4x80x128xf32, #tpu.memory_space<vmem>> -> memref<1x80x128xf32, #tpu.memory_space<vmem>>
    %dma_wait3A_257 = tpu.memref_squeeze %dma_wait3A_256 : memref<1x80x128xf32, #tpu.memory_space<vmem>> -> memref<80x128xf32, #tpu.memory_space<vmem>>
    %dma_wait3A_258 = arith.constant 0 : i32
    %dma_wait3A_259 = arith.constant 0 : i32
    %dma_wait3A_260 = tpu.memref_slice %arg4[%dma_wait3A_258, %dma_wait3A_259] : memref<640x128xf32, #tpu.memory_space<hbm>> -> memref<80x128xf32, #tpu.memory_space<hbm>>
    tpu.wait_dma2 semaphore(%arg11 : memref<!tpu.dma_semaphore, #tpu.memory_space<semaphore_mem>>) src(%dma_wait3A_260 : memref<80x128xf32, #tpu.memory_space<hbm>>) dst(%dma_wait3A_257 : memref<80x128xf32, #tpu.memory_space<vmem>>)
    %dma_wait3A_261 = arith.constant 0 : i32
    %dma_wait3A_262 = arith.constant 0 : i32
    %dma_wait3A_263 = arith.constant 0 : i32
    %dma_wait3A_264 = tpu.memref_slice %arg8[%dma_wait3A_261, %dma_wait3A_262, %dma_wait3A_263] : memref<4x80x128xf32, #tpu.memory_space<vmem>> -> memref<1x80x128xf32, #tpu.memory_space<vmem>>
    %dma_wait3A_265 = tpu.memref_squeeze %dma_wait3A_264 : memref<1x80x128xf32, #tpu.memory_space<vmem>> -> memref<80x128xf32, #tpu.memory_space<vmem>>
    %dma_wait3A_266 = arith.constant 0 : i32
    %dma_wait3A_267 = arith.constant 0 : i32
    %dma_wait3A_268 = tpu.memref_slice %arg4[%dma_wait3A_266, %dma_wait3A_267] : memref<640x128xf32, #tpu.memory_space<hbm>> -> memref<80x128xf32, #tpu.memory_space<hbm>>
    %dma_wait3A_269 = arith.constant 0 : i32
    %dma_wait3A_270 = arith.constant 0 : i32
    %dma_wait3A_271 = tpu.memref_slice %arg8[%dma_wait3A_261, %dma_wait3A_269, %dma_wait3A_270] : memref<4x80x128xf32, #tpu.memory_space<vmem>> -> memref<1x80x128xf32, #tpu.memory_space<vmem>>
    %dma_wait3A_272 = tpu.memref_squeeze %dma_wait3A_271 : memref<1x80x128xf32, #tpu.memory_space<vmem>> -> memref<80x128xf32, #tpu.memory_space<vmem>>
    %dma_wait3A_273 = arith.constant 0 : i32
    %dma_wait3A_274 = arith.constant 0 : i32
    %dma_wait3A_275 = tpu.memref_slice %arg4[%dma_wait3A_273, %dma_wait3A_274] : memref<640x128xf32, #tpu.memory_space<hbm>> -> memref<80x128xf32, #tpu.memory_space<hbm>>
    tpu.wait_dma2 semaphore(%arg11 : memref<!tpu.dma_semaphore, #tpu.memory_space<semaphore_mem>>) src(%dma_wait3A_275 : memref<80x128xf32, #tpu.memory_space<hbm>>) dst(%dma_wait3A_272 : memref<80x128xf32, #tpu.memory_space<vmem>>)
    %barrier3A_276 = arith.constant 0 : index
    tpu.barrier barrier_id(%barrier3A_276)
    %mul3A_277 = arith.constant 640 : i32
    %mul3A_278 = arith.muli %arg1, %mul3A_277 : i32
    %mul3A_279 = arith.constant 640 : i32
    %mul3A_280 = arith.muli %arg1, %mul3A_279 : i32
    "tpu.region"() ({
      %run_scoped3A = tpu.sem_alloc : memref<!tpu.dma_semaphore, #tpu.memory_space<semaphore_mem>>
      %dma_start3A_282 = arith.constant 0 : i32
      %dma_start3A_283 = tpu.memref_slice %arg5[%arg0, %mul3A_280, %dma_start3A_282] : memref<2x10240x128xf32, #tpu.memory_space<hbm>> -> memref<1x640x128xf32, #tpu.memory_space<hbm>>
      %dma_start3A_284 = tpu.memref_squeeze %dma_start3A_283 : memref<1x640x128xf32, #tpu.memory_space<hbm>> -> memref<640x128xf32, #tpu.memory_space<hbm>>
      %dma_start3A_285 = arith.constant 0 : i32
      %dma_start3A_286 = tpu.memref_slice %arg9[%mul3A_278, %dma_start3A_285] : memref<10240x128xf32, #tpu.memory_space<vmem_shared>> -> memref<640x128xf32, #tpu.memory_space<vmem_shared>>
      tpu.enqueue_dma source(%dma_start3A_286 : memref<640x128xf32, #tpu.memory_space<vmem_shared>>) target(%dma_start3A_284 : memref<640x128xf32, #tpu.memory_space<hbm>>) target_semaphore(%run_scoped3A : memref<!tpu.dma_semaphore, #tpu.memory_space<semaphore_mem>>)
      %dma_wait3A_287 = arith.constant 0 : i32
      %dma_wait3A_288 = tpu.memref_slice %arg5[%arg0, %mul3A_280, %dma_wait3A_287] : memref<2x10240x128xf32, #tpu.memory_space<hbm>> -> memref<1x640x128xf32, #tpu.memory_space<hbm>>
      %dma_wait3A_289 = tpu.memref_squeeze %dma_wait3A_288 : memref<1x640x128xf32, #tpu.memory_space<hbm>> -> memref<640x128xf32, #tpu.memory_space<hbm>>
      %dma_wait3A_290 = arith.constant 0 : i32
      %dma_wait3A_291 = tpu.memref_slice %arg9[%mul3A_278, %dma_wait3A_290] : memref<10240x128xf32, #tpu.memory_space<vmem_shared>> -> memref<640x128xf32, #tpu.memory_space<vmem_shared>>
      tpu.wait_dma2 semaphore(%run_scoped3A : memref<!tpu.dma_semaphore, #tpu.memory_space<semaphore_mem>>) src(%dma_wait3A_291 : memref<640x128xf32, #tpu.memory_space<vmem_shared>>) dst(%dma_wait3A_289 : memref<640x128xf32, #tpu.memory_space<hbm>>)
      tpu.yield
    }) : () -> ()
    %barrier3A_281 = arith.constant 0 : index
    tpu.barrier barrier_id(%barrier3A_281)
    return
  }
}

module attributes {stable_mosaic.version = 14 : i64} {
  func.func @_mm1_body(%arg0: i32, %arg1: memref<2048x128xf32, #tpu.memory_space<vmem>>, %arg2: memref<128x256xf32, #tpu.memory_space<vmem>>, %arg3: memref<2x2048x16xf32, #tpu.memory_space<vmem>>, %arg4: memref<2x2048x128xf32, #tpu.memory_space<vmem>>) attributes {dimension_semantics = [#tpu.dimension_semantics<arbitrary>], iteration_bounds = array<i64: 5>, scalar_prefetch = 0 : i64, scratch_operands = 0 : i64, tpu.core_type = #tpu.core_type<tc>, window_params = [{transform_indices = @transform_0, window_bounds = array<i64: 2048, 128>}, {pipeline_mode = #tpu.pipeline_mode<synchronous>, transform_indices = @transform_1, window_bounds = array<i64: 128, 256>}, {transform_indices = @transform_2, window_bounds = array<i64: 2, 2048, 16>}, {transform_indices = @transform_3, window_bounds = array<i64: 2, 2048, 128>}]} {
    %get3A = arith.constant 0 : index
    %get3A_0 = arith.constant 0 : index
    %get3A_1 = arith.constant 0 : index
    %get3A_2 = vector.load %arg3[%get3A, %get3A_0, %get3A_1] : memref<2x2048x16xf32, #tpu.memory_space<vmem>>, vector<2x2048x16xf32>
    %slice3A = vector.extract_strided_slice %get3A_2 {offsets = [0, 0, 0], sizes = [1, 2048, 16], strides = [1, 1, 1]} : vector<2x2048x16xf32> to vector<1x2048x16xf32>
    %squeeze3A = vector.shape_cast %slice3A : vector<1x2048x16xf32> to vector<2048x16xf32>
    %slice3A_3 = vector.extract_strided_slice %get3A_2 {offsets = [1, 0, 0], sizes = [1, 2048, 16], strides = [1, 1, 1]} : vector<2x2048x16xf32> to vector<1x2048x16xf32>
    %squeeze3A_4 = vector.shape_cast %slice3A_3 : vector<1x2048x16xf32> to vector<2048x16xf32>
    %add3A = arith.addf %squeeze3A, %squeeze3A_4 : vector<2048x16xf32>
    %reduce_sum3A = arith.constant dense<0.000000e+00> : vector<2048xf32>
    %reduce_sum3A_5 = vector.multi_reduction <add>, %add3A, %reduce_sum3A [1] : vector<2048x16xf32> to vector<2048xf32>
    %broadcast_in_dim3A = vector.shape_cast %reduce_sum3A_5 : vector<2048xf32> to vector<2048x1xf32>
    %add3A_6 = arith.constant 1.000000e+00 : f32
    %add3A_7 = vector.broadcast %add3A_6 : f32 to vector<2048x1xf32>
    %add3A_8 = arith.addf %broadcast_in_dim3A, %add3A_7 : vector<2048x1xf32>
    %rsqrt3A = math.rsqrt %add3A_8 : vector<2048x1xf32>
    %get3A_9 = arith.constant 0 : index
    %get3A_10 = arith.constant 0 : index
    %get3A_11 = vector.load %arg1[%get3A_9, %get3A_10] : memref<2048x128xf32, #tpu.memory_space<vmem>>, vector<2048x128xf32>
    %get3A_12 = arith.constant 0 : index
    %get3A_13 = arith.constant 0 : index
    %get3A_14 = vector.load %arg2[%get3A_12, %get3A_13] : memref<128x256xf32, #tpu.memory_space<vmem>>, vector<128x256xf32>
    %dot_general3A = arith.constant dense<0.000000e+00> : vector<2048x256xf32>
    %dot_general3A_15 = tpu.matmul %get3A_11, %get3A_14, %dot_general3A {dimension_numbers = #tpu.dot_dimension_numbers<[1], [0], [0], [1], [0, 0, 1, 1], [], []>, transpose_lhs_hint = false} : vector<2048x128xf32>, vector<128x256xf32>, vector<2048x256xf32> -> vector<2048x256xf32>
    %mul3A = vector.broadcast %rsqrt3A : vector<2048x1xf32> to vector<2048x256xf32>
    %mul3A_16 = arith.mulf %dot_general3A_15, %mul3A : vector<2048x256xf32>
    %slice3A_17 = vector.extract_strided_slice %mul3A_16 {offsets = [0, 0], sizes = [2048, 128], strides = [1, 1]} : vector<2048x256xf32> to vector<2048x128xf32>
    %swap3A = arith.constant 0 : index
    %swap3A_18 = arith.constant 0 : index
    %swap3A_19 = arith.constant 0 : index
    %swap3A_20 = vector.load %arg4[%swap3A, %swap3A_18, %swap3A_19] : memref<2x2048x128xf32, #tpu.memory_space<vmem>>, vector<1x2048x128xf32>
    %swap3A_21 = vector.shape_cast %swap3A_20 : vector<1x2048x128xf32> to vector<2048x128xf32>
    %swap3A_22 = vector.shape_cast %slice3A_17 : vector<2048x128xf32> to vector<1x2048x128xf32>
    tpu.vector_store %arg4[%swap3A, %swap3A_18, %swap3A_19], %swap3A_22 {strides = array<i32>} : memref<2x2048x128xf32, #tpu.memory_space<vmem>>, vector<1x2048x128xf32>,
    %slice3A_23 = vector.extract_strided_slice %mul3A_16 {offsets = [0, 128], sizes = [2048, 128], strides = [1, 1]} : vector<2048x256xf32> to vector<2048x128xf32>
    %swap3A_24 = arith.constant 1 : index
    %swap3A_25 = arith.constant 0 : index
    %swap3A_26 = arith.constant 0 : index
    %swap3A_27 = vector.load %arg4[%swap3A_24, %swap3A_25, %swap3A_26] : memref<2x2048x128xf32, #tpu.memory_space<vmem>>, vector<1x2048x128xf32>
    %swap3A_28 = vector.shape_cast %swap3A_27 : vector<1x2048x128xf32> to vector<2048x128xf32>
    %swap3A_29 = vector.shape_cast %slice3A_23 : vector<2048x128xf32> to vector<1x2048x128xf32>
    tpu.vector_store %arg4[%swap3A_24, %swap3A_25, %swap3A_26], %swap3A_29 {strides = array<i32>} : memref<2x2048x128xf32, #tpu.memory_space<vmem>>, vector<1x2048x128xf32>,
    return
  }
  func.func @transform_0(%arg0: i32) -> (i32, i32) {
    %c0_i32 = arith.constant 0 : i32
    %c0_i32_0 = arith.constant 0 : i32
    return %arg0, %c0_i32 : i32, i32
  }
  func.func @transform_1(%arg0: i32) -> (i32, i32) {
    %c0_i32 = arith.constant 0 : i32
    %c0_i32_0 = arith.constant 0 : i32
    %c0_i32_1 = arith.constant 0 : i32
    return %c0_i32, %c0_i32_0 : i32, i32
  }
  func.func @transform_2(%arg0: i32) -> (i32, i32, i32) {
    %c0_i32 = arith.constant 0 : i32
    %c0_i32_0 = arith.constant 0 : i32
    %c0_i32_1 = arith.constant 0 : i32
    return %c0_i32, %arg0, %c0_i32_0 : i32, i32, i32
  }
  func.func @transform_3(%arg0: i32) -> (i32, i32, i32) {
    %c0_i32 = arith.constant 0 : i32
    %c0_i32_0 = arith.constant 0 : i32
    %c0_i32_1 = arith.constant 0 : i32
    return %c0_i32, %arg0, %c0_i32_0 : i32, i32, i32
  }
}

module attributes {stable_mosaic.version = 14 : i64} {
  func.func @_mm23_body(%arg0: i32, %arg1: memref<2x2048x128xf32, #tpu.memory_space<vmem>>, %arg2: memref<2x2048x128xf32, #tpu.memory_space<vmem>>, %arg3: memref<2x2048x16xf32, #tpu.memory_space<vmem>>, %arg4: memref<256x256xf32, #tpu.memory_space<vmem>>, %arg5: memref<1x256xf32, #tpu.memory_space<vmem>>, %arg6: memref<2x2048x128xf32, #tpu.memory_space<vmem>>) attributes {dimension_semantics = [#tpu.dimension_semantics<arbitrary>], iteration_bounds = array<i64: 5>, scalar_prefetch = 0 : i64, scratch_operands = 0 : i64, tpu.core_type = #tpu.core_type<tc>, window_params = [{transform_indices = @transform_0, window_bounds = array<i64: 2, 2048, 128>}, {transform_indices = @transform_1, window_bounds = array<i64: 2, 2048, 128>}, {transform_indices = @transform_2, window_bounds = array<i64: 2, 2048, 16>}, {pipeline_mode = #tpu.pipeline_mode<synchronous>, transform_indices = @transform_3, window_bounds = array<i64: 256, 256>}, {pipeline_mode = #tpu.pipeline_mode<synchronous>, transform_indices = @transform_4, window_bounds = array<i64: 1, 256>}, {transform_indices = @transform_5, window_bounds = array<i64: 2, 2048, 128>}]} {
    %get3A = arith.constant 0 : index
    %get3A_0 = arith.constant 0 : index
    %get3A_1 = arith.constant 0 : index
    %get3A_2 = vector.load %arg3[%get3A, %get3A_0, %get3A_1] : memref<2x2048x16xf32, #tpu.memory_space<vmem>>, vector<2x2048x16xf32>
    %slice3A = vector.extract_strided_slice %get3A_2 {offsets = [0, 0, 0], sizes = [1, 2048, 16], strides = [1, 1, 1]} : vector<2x2048x16xf32> to vector<1x2048x16xf32>
    %squeeze3A = vector.shape_cast %slice3A : vector<1x2048x16xf32> to vector<2048x16xf32>
    %slice3A_3 = vector.extract_strided_slice %get3A_2 {offsets = [1, 0, 0], sizes = [1, 2048, 16], strides = [1, 1, 1]} : vector<2x2048x16xf32> to vector<1x2048x16xf32>
    %squeeze3A_4 = vector.shape_cast %slice3A_3 : vector<1x2048x16xf32> to vector<2048x16xf32>
    %add3A = arith.addf %squeeze3A, %squeeze3A_4 : vector<2048x16xf32>
    %reduce_sum3A = arith.constant dense<0.000000e+00> : vector<2048xf32>
    %reduce_sum3A_5 = vector.multi_reduction <add>, %add3A, %reduce_sum3A [1] : vector<2048x16xf32> to vector<2048xf32>
    %broadcast_in_dim3A = vector.shape_cast %reduce_sum3A_5 : vector<2048xf32> to vector<2048x1xf32>
    %add3A_6 = arith.constant 1.000000e+00 : f32
    %add3A_7 = vector.broadcast %add3A_6 : f32 to vector<2048x1xf32>
    %add3A_8 = arith.addf %broadcast_in_dim3A, %add3A_7 : vector<2048x1xf32>
    %rsqrt3A = math.rsqrt %add3A_8 : vector<2048x1xf32>
    %get3A_9 = arith.constant 0 : index
    %get3A_10 = arith.constant 0 : index
    %get3A_11 = arith.constant 0 : index
    %get3A_12 = vector.load %arg1[%get3A_9, %get3A_10, %get3A_11] : memref<2x2048x128xf32, #tpu.memory_space<vmem>>, vector<1x2048x128xf32>
    %get3A_13 = vector.shape_cast %get3A_12 : vector<1x2048x128xf32> to vector<2048x128xf32>
    %get3A_14 = arith.constant 0 : index
    %get3A_15 = arith.constant 0 : index
    %get3A_16 = arith.constant 0 : index
    %get3A_17 = vector.load %arg2[%get3A_14, %get3A_15, %get3A_16] : memref<2x2048x128xf32, #tpu.memory_space<vmem>>, vector<1x2048x128xf32>
    %get3A_18 = vector.shape_cast %get3A_17 : vector<1x2048x128xf32> to vector<2048x128xf32>
    %add3A_19 = arith.addf %get3A_13, %get3A_18 : vector<2048x128xf32>
    %mul3A = vector.broadcast %rsqrt3A : vector<2048x1xf32> to vector<2048x128xf32>
    %mul3A_20 = arith.mulf %add3A_19, %mul3A : vector<2048x128xf32>
    %get3A_21 = arith.constant 1 : index
    %get3A_22 = arith.constant 0 : index
    %get3A_23 = arith.constant 0 : index
    %get3A_24 = vector.load %arg1[%get3A_21, %get3A_22, %get3A_23] : memref<2x2048x128xf32, #tpu.memory_space<vmem>>, vector<1x2048x128xf32>
    %get3A_25 = vector.shape_cast %get3A_24 : vector<1x2048x128xf32> to vector<2048x128xf32>
    %get3A_26 = arith.constant 1 : index
    %get3A_27 = arith.constant 0 : index
    %get3A_28 = arith.constant 0 : index
    %get3A_29 = vector.load %arg2[%get3A_26, %get3A_27, %get3A_28] : memref<2x2048x128xf32, #tpu.memory_space<vmem>>, vector<1x2048x128xf32>
    %get3A_30 = vector.shape_cast %get3A_29 : vector<1x2048x128xf32> to vector<2048x128xf32>
    %add3A_31 = arith.addf %get3A_25, %get3A_30 : vector<2048x128xf32>
    %mul3A_32 = vector.broadcast %rsqrt3A : vector<2048x1xf32> to vector<2048x128xf32>
    %mul3A_33 = arith.mulf %add3A_31, %mul3A_32 : vector<2048x128xf32>
    %concatenate3A = tpu.concatenate %mul3A_20, %mul3A_33 in 1 : vector<2048x128xf32>, vector<2048x128xf32> -> vector<2048x256xf32>
    %get3A_34 = arith.constant 0 : index
    %get3A_35 = arith.constant 0 : index
    %get3A_36 = vector.load %arg5[%get3A_34, %get3A_35] : memref<1x256xf32, #tpu.memory_space<vmem>>, vector<1x256xf32>
    %add3A_37 = vector.broadcast %get3A_36 : vector<1x256xf32> to vector<2048x256xf32>
    %add3A_38 = arith.addf %concatenate3A, %add3A_37 : vector<2048x256xf32>
    %max3A = arith.constant 0.000000e+00 : f32
    %max3A_39 = vector.broadcast %max3A : f32 to vector<2048x256xf32>
    %max3A_40 = arith.maximumf %add3A_38, %max3A_39 : vector<2048x256xf32>
    %get3A_41 = arith.constant 0 : index
    %get3A_42 = arith.constant 0 : index
    %get3A_43 = vector.load %arg4[%get3A_41, %get3A_42] : memref<256x256xf32, #tpu.memory_space<vmem>>, vector<256x256xf32>
    %dot_general3A = arith.constant dense<0.000000e+00> : vector<2048x256xf32>
    %dot_general3A_44 = tpu.matmul %max3A_40, %get3A_43, %dot_general3A {dimension_numbers = #tpu.dot_dimension_numbers<[1], [0], [0], [1], [0, 0, 1, 1], [], []>, transpose_lhs_hint = false} : vector<2048x256xf32>, vector<256x256xf32>, vector<2048x256xf32> -> vector<2048x256xf32>
    %mul3A_45 = vector.broadcast %rsqrt3A : vector<2048x1xf32> to vector<2048x256xf32>
    %mul3A_46 = arith.mulf %dot_general3A_44, %mul3A_45 : vector<2048x256xf32>
    %slice3A_47 = vector.extract_strided_slice %mul3A_46 {offsets = [0, 0], sizes = [2048, 128], strides = [1, 1]} : vector<2048x256xf32> to vector<2048x128xf32>
    %swap3A = arith.constant 0 : index
    %swap3A_48 = arith.constant 0 : index
    %swap3A_49 = arith.constant 0 : index
    %swap3A_50 = vector.load %arg6[%swap3A, %swap3A_48, %swap3A_49] : memref<2x2048x128xf32, #tpu.memory_space<vmem>>, vector<1x2048x128xf32>
    %swap3A_51 = vector.shape_cast %swap3A_50 : vector<1x2048x128xf32> to vector<2048x128xf32>
    %swap3A_52 = vector.shape_cast %slice3A_47 : vector<2048x128xf32> to vector<1x2048x128xf32>
    tpu.vector_store %arg6[%swap3A, %swap3A_48, %swap3A_49], %swap3A_52 {strides = array<i32>} : memref<2x2048x128xf32, #tpu.memory_space<vmem>>, vector<1x2048x128xf32>,
    %slice3A_53 = vector.extract_strided_slice %mul3A_46 {offsets = [0, 128], sizes = [2048, 128], strides = [1, 1]} : vector<2048x256xf32> to vector<2048x128xf32>
    %swap3A_54 = arith.constant 1 : index
    %swap3A_55 = arith.constant 0 : index
    %swap3A_56 = arith.constant 0 : index
    %swap3A_57 = vector.load %arg6[%swap3A_54, %swap3A_55, %swap3A_56] : memref<2x2048x128xf32, #tpu.memory_space<vmem>>, vector<1x2048x128xf32>
    %swap3A_58 = vector.shape_cast %swap3A_57 : vector<1x2048x128xf32> to vector<2048x128xf32>
    %swap3A_59 = vector.shape_cast %slice3A_53 : vector<2048x128xf32> to vector<1x2048x128xf32>
    tpu.vector_store %arg6[%swap3A_54, %swap3A_55, %swap3A_56], %swap3A_59 {strides = array<i32>} : memref<2x2048x128xf32, #tpu.memory_space<vmem>>, vector<1x2048x128xf32>,
    return
  }
  func.func @transform_0(%arg0: i32) -> (i32, i32, i32) {
    %c0_i32 = arith.constant 0 : i32
    %c0_i32_0 = arith.constant 0 : i32
    %c0_i32_1 = arith.constant 0 : i32
    return %c0_i32, %arg0, %c0_i32_0 : i32, i32, i32
  }
  func.func @transform_1(%arg0: i32) -> (i32, i32, i32) {
    %c0_i32 = arith.constant 0 : i32
    %c0_i32_0 = arith.constant 0 : i32
    %c0_i32_1 = arith.constant 0 : i32
    return %c0_i32, %arg0, %c0_i32_0 : i32, i32, i32
  }
  func.func @transform_2(%arg0: i32) -> (i32, i32, i32) {
    %c0_i32 = arith.constant 0 : i32
    %c0_i32_0 = arith.constant 0 : i32
    %c0_i32_1 = arith.constant 0 : i32
    return %c0_i32, %arg0, %c0_i32_0 : i32, i32, i32
  }
  func.func @transform_3(%arg0: i32) -> (i32, i32) {
    %c0_i32 = arith.constant 0 : i32
    %c0_i32_0 = arith.constant 0 : i32
    %c0_i32_1 = arith.constant 0 : i32
    return %c0_i32, %c0_i32_0 : i32, i32
  }
  func.func @transform_4(%arg0: i32) -> (i32, i32) {
    %c0_i32 = arith.constant 0 : i32
    %c0_i32_0 = arith.constant 0 : i32
    %c0_i32_1 = arith.constant 0 : i32
    return %c0_i32, %c0_i32_0 : i32, i32
  }
  func.func @transform_5(%arg0: i32) -> (i32, i32, i32) {
    %c0_i32 = arith.constant 0 : i32
    %c0_i32_0 = arith.constant 0 : i32
    %c0_i32_1 = arith.constant 0 : i32
    return %c0_i32, %arg0, %c0_i32_0 : i32, i32, i32
  }
}

module attributes {stable_mosaic.version = 14 : i64} {
  func.func @_mm23_body(%arg0: i32, %arg1: memref<2x2048x128xf32, #tpu.memory_space<vmem>>, %arg2: memref<2x2048x128xf32, #tpu.memory_space<vmem>>, %arg3: memref<2x2048x16xf32, #tpu.memory_space<vmem>>, %arg4: memref<256x128xf32, #tpu.memory_space<vmem>>, %arg5: memref<1x256xf32, #tpu.memory_space<vmem>>, %arg6: memref<2048x128xf32, #tpu.memory_space<vmem>>) attributes {dimension_semantics = [#tpu.dimension_semantics<arbitrary>], iteration_bounds = array<i64: 5>, scalar_prefetch = 0 : i64, scratch_operands = 0 : i64, tpu.core_type = #tpu.core_type<tc>, window_params = [{transform_indices = @transform_0, window_bounds = array<i64: 2, 2048, 128>}, {transform_indices = @transform_1, window_bounds = array<i64: 2, 2048, 128>}, {transform_indices = @transform_2, window_bounds = array<i64: 2, 2048, 16>}, {pipeline_mode = #tpu.pipeline_mode<synchronous>, transform_indices = @transform_3, window_bounds = array<i64: 256, 128>}, {pipeline_mode = #tpu.pipeline_mode<synchronous>, transform_indices = @transform_4, window_bounds = array<i64: 1, 256>}, {transform_indices = @transform_5, window_bounds = array<i64: 2048, 128>}]} {
    %get3A = arith.constant 0 : index
    %get3A_0 = arith.constant 0 : index
    %get3A_1 = arith.constant 0 : index
    %get3A_2 = vector.load %arg3[%get3A, %get3A_0, %get3A_1] : memref<2x2048x16xf32, #tpu.memory_space<vmem>>, vector<2x2048x16xf32>
    %slice3A = vector.extract_strided_slice %get3A_2 {offsets = [0, 0, 0], sizes = [1, 2048, 16], strides = [1, 1, 1]} : vector<2x2048x16xf32> to vector<1x2048x16xf32>
    %squeeze3A = vector.shape_cast %slice3A : vector<1x2048x16xf32> to vector<2048x16xf32>
    %slice3A_3 = vector.extract_strided_slice %get3A_2 {offsets = [1, 0, 0], sizes = [1, 2048, 16], strides = [1, 1, 1]} : vector<2x2048x16xf32> to vector<1x2048x16xf32>
    %squeeze3A_4 = vector.shape_cast %slice3A_3 : vector<1x2048x16xf32> to vector<2048x16xf32>
    %add3A = arith.addf %squeeze3A, %squeeze3A_4 : vector<2048x16xf32>
    %reduce_sum3A = arith.constant dense<0.000000e+00> : vector<2048xf32>
    %reduce_sum3A_5 = vector.multi_reduction <add>, %add3A, %reduce_sum3A [1] : vector<2048x16xf32> to vector<2048xf32>
    %broadcast_in_dim3A = vector.shape_cast %reduce_sum3A_5 : vector<2048xf32> to vector<2048x1xf32>
    %add3A_6 = arith.constant 1.000000e+00 : f32
    %add3A_7 = vector.broadcast %add3A_6 : f32 to vector<2048x1xf32>
    %add3A_8 = arith.addf %broadcast_in_dim3A, %add3A_7 : vector<2048x1xf32>
    %rsqrt3A = math.rsqrt %add3A_8 : vector<2048x1xf32>
    %get3A_9 = arith.constant 0 : index
    %get3A_10 = arith.constant 0 : index
    %get3A_11 = arith.constant 0 : index
    %get3A_12 = vector.load %arg1[%get3A_9, %get3A_10, %get3A_11] : memref<2x2048x128xf32, #tpu.memory_space<vmem>>, vector<1x2048x128xf32>
    %get3A_13 = vector.shape_cast %get3A_12 : vector<1x2048x128xf32> to vector<2048x128xf32>
    %get3A_14 = arith.constant 0 : index
    %get3A_15 = arith.constant 0 : index
    %get3A_16 = arith.constant 0 : index
    %get3A_17 = vector.load %arg2[%get3A_14, %get3A_15, %get3A_16] : memref<2x2048x128xf32, #tpu.memory_space<vmem>>, vector<1x2048x128xf32>
    %get3A_18 = vector.shape_cast %get3A_17 : vector<1x2048x128xf32> to vector<2048x128xf32>
    %add3A_19 = arith.addf %get3A_13, %get3A_18 : vector<2048x128xf32>
    %mul3A = vector.broadcast %rsqrt3A : vector<2048x1xf32> to vector<2048x128xf32>
    %mul3A_20 = arith.mulf %add3A_19, %mul3A : vector<2048x128xf32>
    %get3A_21 = arith.constant 1 : index
    %get3A_22 = arith.constant 0 : index
    %get3A_23 = arith.constant 0 : index
    %get3A_24 = vector.load %arg1[%get3A_21, %get3A_22, %get3A_23] : memref<2x2048x128xf32, #tpu.memory_space<vmem>>, vector<1x2048x128xf32>
    %get3A_25 = vector.shape_cast %get3A_24 : vector<1x2048x128xf32> to vector<2048x128xf32>
    %get3A_26 = arith.constant 1 : index
    %get3A_27 = arith.constant 0 : index
    %get3A_28 = arith.constant 0 : index
    %get3A_29 = vector.load %arg2[%get3A_26, %get3A_27, %get3A_28] : memref<2x2048x128xf32, #tpu.memory_space<vmem>>, vector<1x2048x128xf32>
    %get3A_30 = vector.shape_cast %get3A_29 : vector<1x2048x128xf32> to vector<2048x128xf32>
    %add3A_31 = arith.addf %get3A_25, %get3A_30 : vector<2048x128xf32>
    %mul3A_32 = vector.broadcast %rsqrt3A : vector<2048x1xf32> to vector<2048x128xf32>
    %mul3A_33 = arith.mulf %add3A_31, %mul3A_32 : vector<2048x128xf32>
    %concatenate3A = tpu.concatenate %mul3A_20, %mul3A_33 in 1 : vector<2048x128xf32>, vector<2048x128xf32> -> vector<2048x256xf32>
    %get3A_34 = arith.constant 0 : index
    %get3A_35 = arith.constant 0 : index
    %get3A_36 = vector.load %arg5[%get3A_34, %get3A_35] : memref<1x256xf32, #tpu.memory_space<vmem>>, vector<1x256xf32>
    %add3A_37 = vector.broadcast %get3A_36 : vector<1x256xf32> to vector<2048x256xf32>
    %add3A_38 = arith.addf %concatenate3A, %add3A_37 : vector<2048x256xf32>
    %max3A = arith.constant 0.000000e+00 : f32
    %max3A_39 = vector.broadcast %max3A : f32 to vector<2048x256xf32>
    %max3A_40 = arith.maximumf %add3A_38, %max3A_39 : vector<2048x256xf32>
    %get3A_41 = arith.constant 0 : index
    %get3A_42 = arith.constant 0 : index
    %get3A_43 = vector.load %arg4[%get3A_41, %get3A_42] : memref<256x128xf32, #tpu.memory_space<vmem>>, vector<256x128xf32>
    %dot_general3A = arith.constant dense<0.000000e+00> : vector<2048x128xf32>
    %dot_general3A_44 = tpu.matmul %max3A_40, %get3A_43, %dot_general3A {dimension_numbers = #tpu.dot_dimension_numbers<[1], [0], [0], [1], [0, 0, 1, 1], [], []>, transpose_lhs_hint = false} : vector<2048x256xf32>, vector<256x128xf32>, vector<2048x128xf32> -> vector<2048x128xf32>
    %swap3A = arith.constant 0 : index
    %swap3A_45 = arith.constant 0 : index
    %swap3A_46 = vector.load %arg6[%swap3A, %swap3A_45] : memref<2048x128xf32, #tpu.memory_space<vmem>>, vector<2048x128xf32>
    tpu.vector_store %arg6[%swap3A, %swap3A_45], %dot_general3A_44 {strides = array<i32>} : memref<2048x128xf32, #tpu.memory_space<vmem>>, vector<2048x128xf32>,
    return
  }
  func.func @transform_0(%arg0: i32) -> (i32, i32, i32) {
    %c0_i32 = arith.constant 0 : i32
    %c0_i32_0 = arith.constant 0 : i32
    %c0_i32_1 = arith.constant 0 : i32
    return %c0_i32, %arg0, %c0_i32_0 : i32, i32, i32
  }
  func.func @transform_1(%arg0: i32) -> (i32, i32, i32) {
    %c0_i32 = arith.constant 0 : i32
    %c0_i32_0 = arith.constant 0 : i32
    %c0_i32_1 = arith.constant 0 : i32
    return %c0_i32, %arg0, %c0_i32_0 : i32, i32, i32
  }
  func.func @transform_2(%arg0: i32) -> (i32, i32, i32) {
    %c0_i32 = arith.constant 0 : i32
    %c0_i32_0 = arith.constant 0 : i32
    %c0_i32_1 = arith.constant 0 : i32
    return %c0_i32, %arg0, %c0_i32_0 : i32, i32, i32
  }
  func.func @transform_3(%arg0: i32) -> (i32, i32) {
    %c0_i32 = arith.constant 0 : i32
    %c0_i32_0 = arith.constant 0 : i32
    %c0_i32_1 = arith.constant 0 : i32
    return %c0_i32, %c0_i32_0 : i32, i32
  }
  func.func @transform_4(%arg0: i32) -> (i32, i32) {
    %c0_i32 = arith.constant 0 : i32
    %c0_i32_0 = arith.constant 0 : i32
    %c0_i32_1 = arith.constant 0 : i32
    return %c0_i32, %c0_i32_0 : i32, i32
  }
  func.func @transform_5(%arg0: i32) -> (i32, i32) {
    %c0_i32 = arith.constant 0 : i32
    %c0_i32_0 = arith.constant 0 : i32
    return %arg0, %c0_i32 : i32, i32
  }
}

</mosaic_0001>

<sc_bundles>
// kernel: kernel.11.cloned.1.call-start
scs
__scs_entry_jumppad:
0x0: {  	(pc) =	sbr.rel $0x88, $3  }
0x1: {  	(tag) =	ssettag $0x0;
	lr =	simm.s32 $0x1  }
0x2: {  	[smem:$0x3F99] =	sst lr;
	_ =	strace $0xD0000000  }
0x3: {  	_ = 	snop  }
0x4: {  	_ = 	snop  }
0x5: {  	_ = 	snop  }
0x6: {  	_ = 	snop  }
0x7: {  	_ = 	snop  }
__scs_overlays_trampoline_lowered:
0x8: {  	[smem:$0x3FA8] =	sst s0  }
0x9: {  	[smem:$0x3FA9] =	sst s1  }
0xa: {  	[smem:$0x3FAA] =	sst s2  }
0xb: {  	[smem:$0x3FAB] =	sst s3  }
0xc: {  	[smem:$0x3FAC] =	sst s4  }
0xd: {  	[smem:$0x3FAD] =	sst s5  }
0xe: {  	[smem:$0x3FAE] =	sst s6  }
0xf: {  	[smem:$0x3FAF] =	sst s7  }
0x10: {  	[smem:$0x3FB0] =	sst s8  }
0x11: {  	[smem:$0x3FB1] =	sst s9;
	s0 =	simm.s32 @!p0 $0x0  }
0x12: {  	s1 =	sld [smem:$0x3F97];
	s0 =	simm.s32 @p0 $0x1  }
0x13: {  	[smem:$0x3FB2] =	sst s0;
	s0 =	simm.s32 @!p1 $0x0  }
0x14: {  	s2 =	sld [smem:$0x3F96];
	s0 =	simm.s32 @p1 $0x1  }
0x15: {  	[smem:$0x3FB3] =	sst s0;
	s0 =	simm.s32 @!p2 $0x0  }
0x16: {  	s3 =	sld [smem:$0x3FDB];
	s0 =	simm.s32 @p2 $0x1  }
0x17: {  	s4 =	simm.s32 $0x1BF5;
	[smem:$0x3FB5] =	sst s0  }
0x18: {  	s0 =	sld [smem:$0x3F98];
	_ =	swait.ge [sflag:s4], $0x0  }
0x19: {  	s7 =	sld [smem:$0x3F99]  }
0x1a: {  	s8 =	sadd.s32 $0xFFFFE003, lr  }
0x1b: {  	s9 =	sadd.s32 $0xFFFFFEF7, lr;
	s5 =	simm.s32 $0xFFFFFFFF;
	p2 =	slt.u32 s8, $0xFFFFF086  }
0x1c: {  	p1 =	slt.u32 s9, $0xF7A;
	s5 =	simm.s32 @!p2 $0x0  }
0x1d: {  	s5 =	simm.s32 @p1 $0x1;
	p0 =	seq.s32 s7, s2  }
0x1e: {  	s7 =	smul.u32 @!p0 $0xF7A, s2;
	p2 =	seq.s32 @!p0 s5, $0x0  }
0x1f: {  	s9 =	smul.u32 $0xF7A, s1;
	s8 =	simm.s32 @!p0 $0x1BF5;
	p2 =	por !p2, p0  }
0x20: {  	[sflag:s8] =	ssyncset.s32 @!p0 $0xFFFFF086;
	s6 =	sadd.s32 @!p0 s3, s7;
	s7 =	simm.s32 @!p0 $0x108  }
0x21: {  	s3 =	sadd.s32 s3, s9;
	s6 =	sadd.s32 @!p0 $0x88, s6;
	s7 =	simm.s32 @p2 $0x1082  }
0x22: {  	[simem:s7], [sflag:s8] =	dma.local @!p0 [hbm:s6], $0xF7A  }
0x23: {  	s9 =	sor.u32 $0xD0000000, s2;
	s6 =	simm.s32 $0x108;
	_ =	swait.ge @!p0 [sflag:s8], $0x0  }
0x24: {  	s3 =	sadd.s32 $0x88, s3;
	s6 =	simm.s32 @!p1 $0x1082;
	[sflag:s4] =	ssyncset.s32 $0xFFFFF086  }
0x25: {  	[simem:s6], [sflag:s4] =	dma.local [hbm:s3], $0xF7A  }
0x26: {  	[smem:$0x3F99] =	sst s1;
	(tag) =	ssettag s2;
	_ =	strace s9  }
0x27: {  	s1 =	sld [smem:$0x3FA9]  }
0x28: {  	s2 =	sld [smem:$0x3FAA]  }
0x29: {  	s4 =	sld [smem:$0x3FAC]  }
0x2a: {  	p0 =	seq.s32 s5, $0x0;
	s5 =	sld [smem:$0x3FAD]  }
0x2b: {  	s6 =	sld [smem:$0x3FAE]  }
0x2c: {  	s7 =	sld [smem:$0x3FAF]  }
0x2d: {  	s3 =	simm.s32 $0x108;
	s8 =	sld [smem:$0x3FB0]  }
0x2e: {  	s3 =	simm.s32 @!p0 $0x1082;
	s9 =	sld [smem:$0x3FB1]  }
0x2f: {  	lr =	sadd.s32 s0, s3;
	s0 =	sld [smem:$0x3FA8]  }
0x30: {  	s3 =	sld [smem:$0x3FAB]  }
0x31: {  	[smem:$0x3FB4] =	sst s10  }
0x32: {  	s10 =	sld [smem:$0x3FB2];
	_ =	sdelay $0x3  }
0x33: {  	p0 =	seq.s32 s10, $0x1;
	s10 =	sld [smem:$0x3FB4];
	_ =	sdelay $0x3  }
0x34: {  	[smem:$0x3FB4] =	sst s10  }
0x35: {  	s10 =	sld [smem:$0x3FB3];
	_ =	sdelay $0x3  }
0x36: {  	p1 =	seq.s32 s10, $0x1;
	s10 =	sld [smem:$0x3FB4];
	_ =	sdelay $0x3  }
0x37: {  	[smem:$0x3FB4] =	sst s10  }
0x38: {  	s10 =	sld [smem:$0x3FB5]  }
0x39: {  	_ = 	snop;
	(pc) =	sbr.ind lr, $3  }
0x3a: {  	_ = 	snop  }
0x3b: {  	_ = 	snop  }
0x3c: {  	p2 =	seq.s32 s10, $0x1;
	s10 =	sld [smem:$0x3FB4]  }
0x3d: {  	_ =	shalt  }
0x3e: {  	_ =	shalt  }
0x3f: {  	_ =	shalt  }
0x40: {  	_ =	shalt  }
0x41: {  	_ =	shalt  }
0x42: {  	_ =	shalt  }
0x43: {  	_ =	shalt  }
0x44: {  	_ =	shalt  }
0x45: {  	_ =	shalt  }
0x46: {  	_ =	shalt  }
0x47: {  	_ =	shalt  }
0x48: {  	_ =	shalt  }
0x49: {  	_ =	shalt  }
0x4a: {  	_ =	shalt  }
0x4b: {  	_ =	shalt  }
0x4c: {  	_ =	shalt  }
0x4d: {  	_ =	shalt  }
0x4e: {  	_ =	shalt  }
0x4f: {  	_ =	shalt  }
0x50: {  	_ =	shalt  }
0x51: {  	_ =	shalt  }
0x52: {  	_ =	shalt  }
0x53: {  	_ =	shalt  }
0x54: {  	_ =	shalt  }
0x55: {  	_ =	shalt  }
0x56: {  	_ =	shalt  }
0x57: {  	_ =	shalt  }
0x58: {  	_ =	shalt  }
0x59: {  	_ =	shalt  }
0x5a: {  	_ =	shalt  }
0x5b: {  	_ =	shalt  }
0x5c: {  	_ =	shalt  }
0x5d: {  	_ =	shalt  }
0x5e: {  	_ =	shalt  }
0x5f: {  	_ =	shalt  }
0x60: {  	_ =	shalt  }
0x61: {  	_ =	shalt  }
0x62: {  	_ =	shalt  }
0x63: {  	_ =	shalt  }
0x64: {  	_ =	shalt  }
0x65: {  	_ =	shalt  }
0x66: {  	_ =	shalt  }
0x67: {  	_ =	shalt  }
0x68: {  	_ =	shalt  }
0x69: {  	_ =	shalt  }
0x6a: {  	_ =	shalt  }
0x6b: {  	_ =	shalt  }
0x6c: {  	_ =	shalt  }
0x6d: {  	_ =	shalt  }
0x6e: {  	_ =	shalt  }
0x6f: {  	_ =	shalt  }
0x70: {  	_ =	shalt  }
0x71: {  	_ =	shalt  }
0x72: {  	_ =	shalt  }
0x73: {  	_ =	shalt  }
0x74: {  	_ =	shalt  }
0x75: {  	_ =	shalt  }
0x76: {  	_ =	shalt  }
0x77: {  	_ =	shalt  }
0x78: {  	_ =	shalt  }
0x79: {  	_ =	shalt  }
0x7a: {  	_ =	shalt  }
0x7b: {  	_ =	shalt  }
0x7c: {  	_ =	shalt  }
0x7d: {  	_ =	shalt  }
0x7e: {  	_ =	shalt  }
0x7f: {  	_ =	shalt  }
0x80: {  	_ =	shalt  }
0x81: {  	_ =	shalt  }
0x82: {  	_ =	shalt  }
0x83: {  	_ =	shalt  }
0x84: {  	_ =	shalt  }
0x85: {  	_ =	shalt  }
0x86: {  	_ =	shalt  }
0x87: {  	_ =	shalt  }
.Lfunc_end0:
.L_simem_size_0:
called_computation.1_lowered:
.L_overlay_start_0:
0x88: {  	s2 =	sld [smem:$0x3FD9]  }
0x89: {  	s3 =	sld [smem:$0x3FFE];
	_ =	sdelay $0x1  }
0x8a: {  	s1 =	srdreg.scid  }
0x8b: {  	s0 =	sand.u32 $0x1, s1  }
0x8c: {  	s16 =	sshll.u32 s0, $0xA;
	s2 =	sadd.s32 s3, s2  }
0x8d: {  	s2 =	sadd.s32 s2, s16  }
0x8e: {  	[smem:$0x3FC0] =	sst s2  }
0x8f: {  	_ = 	snop  }
0x90: {  	(tm) =	ssettm $0x1  }
0x91: {  	s17 =	sld [smem:$0x3FFB];
	_ =	sdelay $0x3  }
0x92: {  	_ =	strace s17  }
0x93: {  	s2 =	sld [smem:$0x3FFC];
	_ =	sdelay $0x3  }
0x94: {  	_ =	strace s2  }
0x95: {  	s2 =	sld [smem:$0x3FFD];
	_ =	sdelay $0x3  }
0x96: {  	_ =	strace s2  }
0x97: {  	_ =	strace $0x8FFFFFFF  }
0x98: {  	s18 =	sld [smem:$0x3FDB];
	_ =	sdelay $0x1  }
0x99: {  	s19 =	simm.s32 $_scs_section_size  }
0x9a: {  	s4 =	simm.s32 $_size__tile_overlayer_lowered;
	s5 =	simm.s32 $_tile_overlayer_lowered  }
0x9b: {  	s22 =	simm.s32 $0x1BFF;
	s21 =	sshll.u32 s5, $0x1;
	s2 =	sadd.s32 s19, s18  }
0x9c: {  	s6 =	simm.s32 $0x0;
	s20 =	sshll.u32 s4, $0x1;
	s4 =	sadd.s32 s21, s2  }
0x9d: {  	[timem:s6], [sflag:s22] =	dma.local [hbm:s4], s20  }
0x9e: {  	_ =	swait.ge [sflag:s22], s20  }
0x9f: {  	s3 =	ssub.s32 $0x0, s20;
	[sflag:s22] =	ssyncset.done $0x0  }
0xa0: {  	[sflag:s22] =	ssyncadd.s32 s3;
	_ =	sdelay $0x1  }
0xa1: {  	s23 =	simm.s32 $0x1B8B  }
0xa2: {  	_ =	swait.ge [sflag:s23], $0x1  }
0xa3: {  	[sflag:s23] =	ssyncset.done $0x0  }
0xa4: {  	s25 =	simm.s32 $0x1B8E;
	s24 =	sld [smem:$0x3FFE];
	[sflag:s23] =	ssyncadd.s32 $0xFFFFFFFF  }
0xa5: {  	s26 =	simm.s32 $execute0_lowered;
	[smem:$0x3FD2] =	sst s25  }
0xa6: {  	s4 =	sshll.u32 s26, $0x1;
	_ =	strace $0x80000049;
	[dreg:$0x1] =	wrdreg $0xFFFFFFFF  }
0xa7: {  	s28 =	simm.s32 $_size_execute0_lowered;
	s2 =	sadd.s32 s2, s4;
	[dreg:$0x0] =	wrdreg $0x0  }
0xa8: {  	s4 =	sshll.u32 s28, $0x1;
	[dreg:$0x2] =	wrdreg s2  }
0xa9: {  	[dreg:$0x3] =	wrdreg s4  }
0xaa: {  	[dreg:$0x4] =	wrdreg $0xC0  }
0xab: {  	_ =	task [dreg:s6], $0x5FFFF  }
0xac: {  	[dreg:$0x1] =	wrdreg $0xFFFFFFFF  }
0xad: {  	[dreg:$0x0] =	wrdreg $0x60  }
0xae: {  	[dreg:$0x2] =	wrdreg s24  }
0xaf: {  	[dreg:$0x3] =	wrdreg $0xAC800  }
0xb0: {  	[dreg:$0x4] =	wrdreg $0x9  }
0xb1: {  	_ =	task.clear_ibuf [dreg:s6], $0x5FFFF;
	_ =	strace $0x90000049  }
0xb2: {  	s29 =	simm.s32 $0x9;
	_ =	strace $0x8000004B  }
0xb3: {  	_ =	swait.ge [sflag:s29], $0x1  }
0xb4: {  	[sflag:s29] =	ssyncadd.s32 $0xFFFFFFFF  }
0xb5: {  	_ =	strace $0x9000004B  }
0xb6: {  	_ =	sfence  }
0xb7: {  	s30 =	sld [smem:$0x0];
	_ =	sdelay $0x2  }
0xb8: {  	s31 =	sshll.u32 s1, $0xD;
	s1 =	sshrl.u32 s1, $0x2  }
0xb9: {  	s3 =	sand.u32 $0x4000, s31;
	s1 =	sadd.s32 s1, s30  }
0xba: {  	s0 =	sor.u32 s3, s0;
	s1 =	sshll.u32 s1, $0x11  }
0xbb: {  	s0 =	sor.u32 s1, s0  }
0xbc: {  	s0 =	sadd.s32 $0x8F2B, s0  }
0xbd: {  	[sflag:s0] =	ssyncadd.remote.s32 $0x1  }
0xbe: {  	_ =	sfence.sel $0xFFFF  }
0xbf: {  	[dreg:$0x0] =	wrdreg $0xFFFFFFFF;
	(pc) =	sbr.abs _section_cstart, $3  }
0xc0: {  	[dreg:$0x1] =	wrdreg $0xFFFFFFFF  }
0xc1: {  	_ =	task.clear_ibuf [dreg:s6], $0x2FFFF;
	_ =	strace $0x9FFFFFFF  }
0xc2: {  	(tm) =	ssettm $0x7FFFFFFF  }
0xc3: {  	_ =	shalt  }
tec
execute0_lowered:
.L_overlay_start_1:
0x0: {  	(tag) =	ssettag $0x1  }
0x1: {  	s7 =	rddreg [dreg:$0x0];
	s0 =	srdreg.scid  }
0x2: {  	s2 =	rddreg [dreg:$0x1];
	s31 =	stileid.u32;
	s3 =	simm.s32 $0x0  }
0x3: {  	s15 =	simm.s32 $0x3;
	s16 =	simm.s32 $0x50;
	s17 =	simm.s32 $0xC80  }
0x4: {  	s18 =	simm.s32 $0x3480;
	s21 =	simm.s32 $0x1;
	s23 =	simm.s32 $0x910  }
0x5: {  	s24 =	simm.s32 $0x0;
	s5 =	sand.u32 $0x1, s0;
	s6 =	smul.u32 $0x14000, s31  }
0x6: {  	[smem:$0x7FF] =	sst s3;
	s10 =	sadd.s32 $0x2400, s7;
	s13 =	smul.u32 $0x9C4, s31  }
0x7: {  	s12 =	sshll.u32 s31, $0x6;
	s4 =	smul.u32 $0x140000, s5;
	s5 =	ssub.s32 $0x2, s5  }
0x8: {  	s19 =	sadd.s32 $0xC040, s7;
	_ =	strace $0x8000004A;
	s11 =	sshrl.u32 s5, $0x1  }
0x9: {  	s14 =	sadd.s32 s6, s2;
	s20 =	sadd.s32 $0x50, s13;
	s8 =	sshrl.u32 s4, $0x3  }
0xa: {  	s4 =	sadd.s32 s6, s4;
	s11 =	ssub.s32 s5, s11;
	s5 =	sor.u32 $0x1C04, s12  }
.Ltmp0:
0xb: {  	s6 =	sadd.s32 s10, s13;
	s10 =	sadd.s32 s10, s20;
	(pc) =	sbr.rel .LBB2_1-.Ltmp0, $4  }
0xc: {  	s12 =	simm.s32 $0x4;
	s13 =	sadd.s32 s13, s19;
	s19 =	sadd.s32 s19, s20  }
0xd: {  	s20 =	simm.s32 $0x2;
	s8 =	sadd.s32 s8, s7;
	s9 =	sshrl.u32 s4, $0x3  }
0xe: {  	s4 =	sadd.s32 $0x15E00, s7;
	s9 =	sadd.s32 s9, s7;
	s7 =	sadd.s32 $0x70000, s8  }
0xf: {  	s8 =	sadd.s32 $0xC0000, s9;
	s9 =	smax.u32 s11, $0x1;
	s11 =	sshrl.u32 s14, $0x3  }
.LBB2_9:
0x10: {  	_ =	swait.ge [sflag:s21], $0x2800  }
0x11: {  	[sflag:s21] =	ssyncset.done $0x0  }
0x12: {  	s0 =	simm.s32 $0x8C0;
	[sflag:s21] =	ssyncadd.s32 $0xFFFFD800  }
0x13: {  	[spmem:s2] =	stream.indirect.scatter.add.f32 [tilespmem:s17], [sflag:$0x2], $0x80, s0, s16, $0xb8;
	[tilespmem:$0x1EC80] =	vst v63  }
0x14: {  	_ =	swait.ge [sflag:s21], $0x2800  }
0x15: {  	[sflag:s21] =	ssyncset.done $0x0  }
0x16: {  	[sflag:s21] =	ssyncadd.s32 $0xFFFFD800  }
0x17: {  	[spmem:s2] =	stream.indirect.scatter.add.f32 [tilespmem:s18], [sflag:$0x2], $0x80, s23, s16, $0xb8;
	[tilespmem:$0x1EC80] =	vst v63  }
0x18: {  	_ =	swait.ge [sflag:s20], $0x2800  }
0x19: {  	[sflag:s20] =	ssyncset.done $0x0  }
0x1a: {  	[sflag:s20] =	ssyncadd.s32 $0xFFFFD800  }
0x1b: {  	_ =	swait.ge [sflag:s20], $0x2800  }
0x1c: {  	[sflag:s20] =	ssyncset.done $0x0  }
0x1d: {  	[sflag:s20] =	ssyncadd.s32 $0xFFFFD800  }
0x1e: {  	_ =	swait.ge [sflag:s20], $0x2800  }
0x1f: {  	[sflag:s20] =	ssyncset.done $0x0  }
0x20: {  	[sflag:s20] =	ssyncadd.s32 $0xFFFFD800  }
0x21: {  	_ =	swait.ge [sflag:s20], $0x2800  }
0x22: {  	[sflag:s20] =	ssyncset.done $0x0  }
0x23: {  	s24 =	sadd.s32 $0x1, s24;
	[sflag:s20] =	ssyncadd.s32 $0xFFFFD800  }
0x24: {  	p0 =	sne.s32 s24, s9;
	[bflag:$0x0] =	sbarrier.arrive $0xFFFF  }
0x25: {  	[hbm:s8], [sflag:s5] =	dma.local [spmem:s11], $0x2800  }
.Ltmp1:
0x26: {  	_ =	swait.ge [sflag:s12], $0x2800;
	(pc) =	sbr.rel @!p0 .LBB2_10-.Ltmp1, $3  }
0x27: {  	[sflag:s12] =	ssyncset.done $0x0  }
0x28: {  	[sflag:s12] =	ssyncadd.s32 $0xFFFFD800  }
0x29: {  	[bflag:$0x0] =	sbarrier.arrive $0xFFFF;
	_ =	sdelay $0x1  }
.LBB2_1:
0x2a: {  	[spmem:s11], [sflag:s5] =	dma.local [hbm:s4], $0x2800  }
0x2b: {  	_ =	swait.ge [sflag:s12], $0x2800  }
0x2c: {  	[sflag:s12] =	ssyncset.done $0x0  }
0x2d: {  	[sflag:s12] =	ssyncadd.s32 $0xFFFFD800  }
0x2e: {  	[bflag:$0x0] =	sbarrier.arrive $0xFFFF  }
0x2f: {  	[tilespmem:s3], [sflag:$0x3] =	stream.linear.gather [hbm4b:s6+s3], $0x320, $0x38;
	[tilespmem:$0x1EC80] =	vst v63  }
0x30: {  	s0 =	simm.s32 $0x640  }
0x31: {  	[tilespmem:s0], [sflag:$0x3] =	stream.linear.gather [hbm4b:s13+s3], $0x320, $0x38;
	[tilespmem:$0x1EC80] =	vst v63  }
0x32: {  	_ =	swait.ge [sflag:s15], $0x320  }
0x33: {  	[sflag:s15] =	ssyncset.done $0x0  }
0x34: {  	[sflag:s15] =	ssyncadd.s32 $0xFFFFFCE0  }
0x35: {  	_ =	swait.ge [sflag:s15], $0x320  }
.Ltmp2:
0x36: {  	[sflag:s15] =	ssyncset.done $0x0;
	(pc) =	sbr.rel .LBB2_2-.Ltmp2, $4  }
0x37: {  	[sflag:s15] =	ssyncadd.s32 $0xFFFFFCE0  }
0x38: {  	[tilespmem:s17], [sflag:$0x1] =	stream.indirect.gather [hbm4b:s7+s16], $0x80, s3, s16, $0xb8;
	[tilespmem:$0x1EC80] =	vst v63  }
0x39: {  	s25 =	smov.u32 s19;
	s26 =	smov.u32 s10;
	s28 =	simm.s32 $0x2  }
0x3a: {  	[tilespmem:s18], [sflag:$0x1] =	stream.indirect.gather [hbm4b:s7+s16], $0x80, s16, s16, $0xb8;
	[tilespmem:$0x1EC80] =	vst v63  }
.LBB2_6:
0x3b: {  	s31 =	sxor.u32 $0xFFFFFFFF, s29  }
0x3c: {  	s31 =	sand.u32 $0x1, s31  }
0x3d: {  	s31 =	smul.u32 $0x320, s31;
	_ =	sdelay $0x1  }
0x3e: {  	[tilespmem:s31], [sflag:$0x3] =	stream.linear.gather [hbm4b:s26+s3], $0x320, $0x38;
	[tilespmem:$0x1EC80] =	vst v63  }
0x3f: {  	s31 =	sadd.s32 $0x640, s31  }
0x40: {  	[tilespmem:s31], [sflag:$0x3] =	stream.linear.gather [hbm4b:s25+s3], $0x320, $0x38;
	[tilespmem:$0x1EC80] =	vst v63  }
.LBB2_7:
0x41: {  	_ =	swait.ge [sflag:s20], $0x2800  }
0x42: {  	[sflag:s20] =	ssyncset.done $0x0  }
0x43: {  	[sflag:s20] =	ssyncadd.s32 $0xFFFFD800  }
.LBB2_8:
0x44: {  	s31 =	sadd.s32 $0xFFFFFFFE, s28  }
0x45: {  	s0 =	sshll.u32 s31, $0x10  }
0x46: {  	s0 =	sshra.s32 s0, $0x10  }
0x47: {  	s14 =	smul.u32 $0x6667, s0  }
0x48: {  	s1 =	sand.u32 $0x3, s28;
	s29 =	sand.u32 $0x1, s29;
	s30 =	smul.u32 $0x140, s30  }
0x49: {  	s1 =	smul.u32 $0xA000, s1;
	s22 =	sshrl.u32 s14, $0x1F;
	s14 =	sshra.s32 s14, $0x12  }
0x4a: {  	p0 =	seq.s32 s29, $0x1;
	s14 =	sadd.s32 s22, s14;
	s22 =	simm.s32 $0x320  }
0x4b: {  	s30 =	sshrl.u32 s30, $0x2;
	s1 =	sshrl.u32 s1, $0x2;
	s22 =	simm.s32 @!p0 $0x0  }
0x4c: {  	s1 =	sadd.s32 $0xC80, s1;
	s22 =	sadd.s32 s30, s22;
	s30 =	smul.u32 $0xFFFFFFF6, s14  }
0x4d: {  	[tilespmem:s1], [sflag:$0x1] =	stream.indirect.gather [hbm4b:s7+s16], $0x80, s22, s16, $0xb8;
	[tilespmem:$0x1EC80] =	vst v63  }
0x4e: {  	s29 =	sadd.s32 s31, s30  }
0x4f: {  	s30 =	sand.u32 $0xFFFF, s29  }
0x50: {  	p6 =	slt.u32 s28, $0x3;
	p1 =	sne.s32 s30, $0x0  }
0x51: {  	p0 =	por !p6, !p1  }
0x52: {  	s22 =	simm.s32 $0x1;
	p0 =	por !p0, !p0  }
0x53: {  	s0 =	sshrl.u32 s0, $0x1D;
	s22 =	simm.s32 @!p0 $0x0  }
0x54: {  	s0 =	sand.u32 $0x3, s0;
	s14 =	ssub.s32 s14, s22  }
0x55: {  	s0 =	sadd.s32 s0, s31;
	s22 =	sand.u32 $0x80, s14  }
0x56: {  	s0 =	sand.u32 $0xFFFC, s0;
	s22 =	sshrl.u32 s22, $0x7  }
0x57: {  	s0 =	ssub.s32 s31, s0;
	s22 =	sadd.s32 s22, s14  }
0x58: {  	s0 =	sshll.u32 s0, $0x10;
	s22 =	sand.u32 $0xFE, s22  }
0x59: {  	s0 =	sshra.s32 s0, $0x10;
	s14 =	ssub.s32 s14, s22  }
0x5a: {  	s0 =	smul.u32 $0xA000, s0;
	s14 =	sshll.u32 s14, $0x18  }
0x5b: {  	s28 =	sadd.s32 $0x1, s28;
	s1 =	smul.u32 $0x1400000, s29;
	s14 =	sshra.s32 s14, $0x18  }
0x5c: {  	p0 =	sne.s32 s28, $0xFA;
	s14 =	smul.u32 $0xC80, s14  }
.Ltmp3:
0x5d: {  	s26 =	sadd.s32 $0xA, s26;
	s25 =	sadd.s32 $0xA, s25;
	(pc) =	sbr.rel @!p0 .LBB2_9-.Ltmp3, $4  }
0x5e: {  	_ =	swait.ge [sflag:s21], $0x2800;
	s1 =	sshra.s32 s1, $0x12;
	s14 =	sshra.s32 s14, $0x2  }
0x5f: {  	[sflag:s21] =	ssyncset.done $0x0;
	s0 =	sshra.s32 s0, $0x2;
	s1 =	sadd.s32 s1, s14  }
0x60: {  	[sflag:s21] =	ssyncadd.s32 $0xFFFFD800;
	s0 =	sadd.s32 $0xC80, s0;
	s1 =	sadd.s32 $0x640, s1  }
0x61: {  	[spmem:s2] =	stream.indirect.scatter.add.f32 [tilespmem:s0], [sflag:$0x2], $0x80, s1, s16, $0xb8;
	[tilespmem:$0x1EC80] =	vst v63  }
.LBB2_2:
0x62: {  	s29 =	smul.u32 $0xCD, s28;
	_ =	sdelay $0x1  }
0x63: {  	s29 =	sshrl.u32 s29, $0xB  }
0x64: {  	s29 =	sand.u32 $0x1F, s29  }
0x65: {  	s30 =	smul.u32 $0xA, s29;
	_ =	sdelay $0x1  }
0x66: {  	s31 =	ssub.s32 s28, s30  }
0x67: {  	s30 =	sand.u32 $0xFF, s31  }
0x68: {  	p0 =	sne.s32 s30, $0x0  }
.Ltmp4:
0x69: {  	_ = 	snop;
	(pc) =	sbr.rel @!p0 .LBB2_3-.Ltmp4, $1  }
0x6a: {  	_ =	sdelay $0x3  }
0x6b: {  	p0 =	sgt.u32 s28, $0xEA  }
0x6c: {  	s31 =	sand.u32 @!p0 $0xFF, s31  }
0x6d: {  	p1 =	sne.s32 @!p0 s31, $0x4  }
0x6e: {  	p0 =	por p0, p1  }
.Ltmp5:
0x6f: {  	_ = 	snop;
	(pc) =	sbr.rel @!p0 .LBB2_6-.Ltmp5, $4  }
.Ltmp6:
0x70: {  	_ = 	snop;
	(pc) =	sbr.rel @p0 .LBB2_4-.Ltmp6, $4  }
0x71: {  	_ = 	snop  }
0x72: {  	_ = 	snop  }
0x73: {  	_ = 	snop  }
0x74: {  	_ = 	snop  }
.LBB2_3:
0x75: {  	_ =	swait.ge [sflag:s15], $0x320  }
0x76: {  	[sflag:s15] =	ssyncset.done $0x0  }
0x77: {  	[sflag:s15] =	ssyncadd.s32 $0xFFFFFCE0  }
0x78: {  	_ =	swait.ge [sflag:s15], $0x320  }
0x79: {  	[sflag:s15] =	ssyncset.done $0x0  }
0x7a: {  	[sflag:s15] =	ssyncadd.s32 $0xFFFFFCE0  }
.LBB2_4:
0x7b: {  	p0 =	slt.u32 s28, $0x4  }
.Ltmp7:
0x7c: {  	_ = 	snop;
	(pc) =	sbr.rel @p0 .LBB2_8-.Ltmp7, $4  }
.Ltmp8:
0x7d: {  	_ = 	snop;
	(pc) =	sbr.rel @!p0 .LBB2_7-.Ltmp8, $4  }
0x7e: {  	_ = 	snop  }
0x7f: {  	_ = 	snop  }
0x80: {  	_ = 	snop  }
0x81: {  	_ = 	snop  }
.LBB2_10:
0x82: {  	_ =	sfence.sel $0x180000  }
0x83: {  	[bflag:$0x0] =	sbarrier.arrive $0xFFFF  }
0x84: {  	_ =	strace $0x9000004A  }
0x85: {  	s0 =	stileid.u32;
	[bflag:$0x2] =	sbarrier.arrive $0xFFFF  }
0x86: {  	p0 =	sne.s32 s0, $0x0;
	s0 =	rddreg [dreg:$0x2]  }
0x87: {  	s0 =	sadd.s32 @!p0 $0x100000, s0  }
0x88: {  	[sflag:s0] =	ssyncadd.tile.s32 @!p0 $0x1;
	_ =	shalt  }
.Lfunc_end2:
_tile_overlayer_lowered:
.L_overlay_start_2:
0x89: {  	(tag) =	ssettag $0x2  }
0x8a: {  	s0 =	rddreg [dreg:$0x0];
	s2 =	stileid.u32  }
0x8b: {  	s1 =	rddreg [dreg:$0x1];
	p0 =	sne.s32 s2, $0x0  }
0x8c: {  	s3 =	rddreg [dreg:$0x2];
	[bflag:$0x3] =	sbarrier.arrive $0xFFFF;
	s2 =	simm.s32 @!p0 $0x1C04  }
0x8d: {  	[timem:s3], [sflag:s2] =	dma.local @!p0 [hbm:s0], s1  }
0x8e: {  	s0 =	simm.s32 @!p0 $0x4  }
0x8f: {  	_ =	swait.ge @!p0 [sflag:s0], s1  }
0x90: {  	s1 =	ssub.s32 @!p0 $0x0, s1;
	[sflag:s0] =	ssyncset.done @!p0 $0x0  }
0x91: {  	[sflag:s0] =	ssyncadd.s32 @!p0 s1  }
0x92: {  	[bflag:$0x3] =	sbarrier.arrive $0xFFFF  }
0x93: {  	_ =	shalt  }

// kernel: kernel.14.cloned.1.call-start
scs
__scs_entry_jumppad:
0x0: {  	(pc) =	sbr.rel $0x88, $3  }
0x1: {  	(tag) =	ssettag $0x0;
	lr =	simm.s32 $0x1  }
0x2: {  	[smem:$0x3F99] =	sst lr;
	_ =	strace $0xD0000000  }
0x3: {  	_ = 	snop  }
0x4: {  	_ = 	snop  }
0x5: {  	_ = 	snop  }
0x6: {  	_ = 	snop  }
0x7: {  	_ = 	snop  }
__scs_overlays_trampoline_lowered:
0x8: {  	[smem:$0x3FA8] =	sst s0  }
0x9: {  	[smem:$0x3FA9] =	sst s1  }
0xa: {  	[smem:$0x3FAA] =	sst s2  }
0xb: {  	[smem:$0x3FAB] =	sst s3  }
0xc: {  	[smem:$0x3FAC] =	sst s4  }
0xd: {  	[smem:$0x3FAD] =	sst s5  }
0xe: {  	[smem:$0x3FAE] =	sst s6  }
0xf: {  	[smem:$0x3FAF] =	sst s7  }
0x10: {  	[smem:$0x3FB0] =	sst s8  }
0x11: {  	[smem:$0x3FB1] =	sst s9;
	s0 =	simm.s32 @!p0 $0x0  }
0x12: {  	s1 =	sld [smem:$0x3F97];
	s0 =	simm.s32 @p0 $0x1  }
0x13: {  	[smem:$0x3FB2] =	sst s0;
	s0 =	simm.s32 @!p1 $0x0  }
0x14: {  	s2 =	sld [smem:$0x3F96];
	s0 =	simm.s32 @p1 $0x1  }
0x15: {  	[smem:$0x3FB3] =	sst s0;
	s0 =	simm.s32 @!p2 $0x0  }
0x16: {  	s3 =	sld [smem:$0x3FDB];
	s0 =	simm.s32 @p2 $0x1  }
0x17: {  	s4 =	simm.s32 $0x1BF5;
	[smem:$0x3FB5] =	sst s0  }
0x18: {  	s0 =	sld [smem:$0x3F98];
	_ =	swait.ge [sflag:s4], $0x0  }
0x19: {  	s7 =	sld [smem:$0x3F99]  }
0x1a: {  	s8 =	sadd.s32 $0xFFFFE003, lr  }
0x1b: {  	s9 =	sadd.s32 $0xFFFFFEF7, lr;
	s5 =	simm.s32 $0xFFFFFFFF;
	p2 =	slt.u32 s8, $0xFFFFF086  }
0x1c: {  	p1 =	slt.u32 s9, $0xF7A;
	s5 =	simm.s32 @!p2 $0x0  }
0x1d: {  	s5 =	simm.s32 @p1 $0x1;
	p0 =	seq.s32 s7, s2  }
0x1e: {  	s7 =	smul.u32 @!p0 $0xF7A, s2;
	p2 =	seq.s32 @!p0 s5, $0x0  }
0x1f: {  	s9 =	smul.u32 $0xF7A, s1;
	s8 =	simm.s32 @!p0 $0x1BF5;
	p2 =	por !p2, p0  }
0x20: {  	[sflag:s8] =	ssyncset.s32 @!p0 $0xFFFFF086;
	s6 =	sadd.s32 @!p0 s3, s7;
	s7 =	simm.s32 @!p0 $0x108  }
0x21: {  	s3 =	sadd.s32 s3, s9;
	s6 =	sadd.s32 @!p0 $0x88, s6;
	s7 =	simm.s32 @p2 $0x1082  }
0x22: {  	[simem:s7], [sflag:s8] =	dma.local @!p0 [hbm:s6], $0xF7A  }
0x23: {  	s9 =	sor.u32 $0xD0000000, s2;
	s6 =	simm.s32 $0x108;
	_ =	swait.ge @!p0 [sflag:s8], $0x0  }
0x24: {  	s3 =	sadd.s32 $0x88, s3;
	s6 =	simm.s32 @!p1 $0x1082;
	[sflag:s4] =	ssyncset.s32 $0xFFFFF086  }
0x25: {  	[simem:s6], [sflag:s4] =	dma.local [hbm:s3], $0xF7A  }
0x26: {  	[smem:$0x3F99] =	sst s1;
	(tag) =	ssettag s2;
	_ =	strace s9  }
0x27: {  	s1 =	sld [smem:$0x3FA9]  }
0x28: {  	s2 =	sld [smem:$0x3FAA]  }
0x29: {  	s4 =	sld [smem:$0x3FAC]  }
0x2a: {  	p0 =	seq.s32 s5, $0x0;
	s5 =	sld [smem:$0x3FAD]  }
0x2b: {  	s6 =	sld [smem:$0x3FAE]  }
0x2c: {  	s7 =	sld [smem:$0x3FAF]  }
0x2d: {  	s3 =	simm.s32 $0x108;
	s8 =	sld [smem:$0x3FB0]  }
0x2e: {  	s3 =	simm.s32 @!p0 $0x1082;
	s9 =	sld [smem:$0x3FB1]  }
0x2f: {  	lr =	sadd.s32 s0, s3;
	s0 =	sld [smem:$0x3FA8]  }
0x30: {  	s3 =	sld [smem:$0x3FAB]  }
0x31: {  	[smem:$0x3FB4] =	sst s10  }
0x32: {  	s10 =	sld [smem:$0x3FB2];
	_ =	sdelay $0x3  }
0x33: {  	p0 =	seq.s32 s10, $0x1;
	s10 =	sld [smem:$0x3FB4];
	_ =	sdelay $0x3  }
0x34: {  	[smem:$0x3FB4] =	sst s10  }
0x35: {  	s10 =	sld [smem:$0x3FB3];
	_ =	sdelay $0x3  }
0x36: {  	p1 =	seq.s32 s10, $0x1;
	s10 =	sld [smem:$0x3FB4];
	_ =	sdelay $0x3  }
0x37: {  	[smem:$0x3FB4] =	sst s10  }
0x38: {  	s10 =	sld [smem:$0x3FB5]  }
0x39: {  	_ = 	snop;
	(pc) =	sbr.ind lr, $3  }
0x3a: {  	_ = 	snop  }
0x3b: {  	_ = 	snop  }
0x3c: {  	p2 =	seq.s32 s10, $0x1;
	s10 =	sld [smem:$0x3FB4]  }
0x3d: {  	_ =	shalt  }
0x3e: {  	_ =	shalt  }
0x3f: {  	_ =	shalt  }
0x40: {  	_ =	shalt  }
0x41: {  	_ =	shalt  }
0x42: {  	_ =	shalt  }
0x43: {  	_ =	shalt  }
0x44: {  	_ =	shalt  }
0x45: {  	_ =	shalt  }
0x46: {  	_ =	shalt  }
0x47: {  	_ =	shalt  }
0x48: {  	_ =	shalt  }
0x49: {  	_ =	shalt  }
0x4a: {  	_ =	shalt  }
0x4b: {  	_ =	shalt  }
0x4c: {  	_ =	shalt  }
0x4d: {  	_ =	shalt  }
0x4e: {  	_ =	shalt  }
0x4f: {  	_ =	shalt  }
0x50: {  	_ =	shalt  }
0x51: {  	_ =	shalt  }
0x52: {  	_ =	shalt  }
0x53: {  	_ =	shalt  }
0x54: {  	_ =	shalt  }
0x55: {  	_ =	shalt  }
0x56: {  	_ =	shalt  }
0x57: {  	_ =	shalt  }
0x58: {  	_ =	shalt  }
0x59: {  	_ =	shalt  }
0x5a: {  	_ =	shalt  }
0x5b: {  	_ =	shalt  }
0x5c: {  	_ =	shalt  }
0x5d: {  	_ =	shalt  }
0x5e: {  	_ =	shalt  }
0x5f: {  	_ =	shalt  }
0x60: {  	_ =	shalt  }
0x61: {  	_ =	shalt  }
0x62: {  	_ =	shalt  }
0x63: {  	_ =	shalt  }
0x64: {  	_ =	shalt  }
0x65: {  	_ =	shalt  }
0x66: {  	_ =	shalt  }
0x67: {  	_ =	shalt  }
0x68: {  	_ =	shalt  }
0x69: {  	_ =	shalt  }
0x6a: {  	_ =	shalt  }
0x6b: {  	_ =	shalt  }
0x6c: {  	_ =	shalt  }
0x6d: {  	_ =	shalt  }
0x6e: {  	_ =	shalt  }
0x6f: {  	_ =	shalt  }
0x70: {  	_ =	shalt  }
0x71: {  	_ =	shalt  }
0x72: {  	_ =	shalt  }
0x73: {  	_ =	shalt  }
0x74: {  	_ =	shalt  }
0x75: {  	_ =	shalt  }
0x76: {  	_ =	shalt  }
0x77: {  	_ =	shalt  }
0x78: {  	_ =	shalt  }
0x79: {  	_ =	shalt  }
0x7a: {  	_ =	shalt  }
0x7b: {  	_ =	shalt  }
0x7c: {  	_ =	shalt  }
0x7d: {  	_ =	shalt  }
0x7e: {  	_ =	shalt  }
0x7f: {  	_ =	shalt  }
0x80: {  	_ =	shalt  }
0x81: {  	_ =	shalt  }
0x82: {  	_ =	shalt  }
0x83: {  	_ =	shalt  }
0x84: {  	_ =	shalt  }
0x85: {  	_ =	shalt  }
0x86: {  	_ =	shalt  }
0x87: {  	_ =	shalt  }
.Lfunc_end0:
.L_simem_size_0:
called_computation.2_lowered:
.L_overlay_start_0:
0x88: {  	s2 =	sld [smem:$0x3FD9]  }
0x89: {  	s3 =	sld [smem:$0x3FFE];
	_ =	sdelay $0x1  }
0x8a: {  	s1 =	srdreg.scid  }
0x8b: {  	s0 =	sand.u32 $0x1, s1  }
0x8c: {  	s16 =	sshll.u32 s0, $0xA;
	s2 =	sadd.s32 s3, s2  }
0x8d: {  	s2 =	sadd.s32 s2, s16  }
0x8e: {  	[smem:$0x3FC0] =	sst s2  }
0x8f: {  	_ = 	snop  }
0x90: {  	(tm) =	ssettm $0x1  }
0x91: {  	s17 =	sld [smem:$0x3FFB];
	_ =	sdelay $0x3  }
0x92: {  	_ =	strace s17  }
0x93: {  	s2 =	sld [smem:$0x3FFC];
	_ =	sdelay $0x3  }
0x94: {  	_ =	strace s2  }
0x95: {  	s2 =	sld [smem:$0x3FFD];
	_ =	sdelay $0x3  }
0x96: {  	_ =	strace s2  }
0x97: {  	_ =	strace $0x8FFFFFFF  }
0x98: {  	s18 =	sld [smem:$0x3FDB];
	_ =	sdelay $0x1  }
0x99: {  	s19 =	simm.s32 $_scs_section_size  }
0x9a: {  	s4 =	simm.s32 $_size__tile_overlayer_lowered;
	s5 =	simm.s32 $_tile_overlayer_lowered  }
0x9b: {  	s22 =	simm.s32 $0x1BFF;
	s21 =	sshll.u32 s5, $0x1;
	s2 =	sadd.s32 s19, s18  }
0x9c: {  	s6 =	simm.s32 $0x0;
	s20 =	sshll.u32 s4, $0x1;
	s4 =	sadd.s32 s21, s2  }
0x9d: {  	[timem:s6], [sflag:s22] =	dma.local [hbm:s4], s20  }
0x9e: {  	_ =	swait.ge [sflag:s22], s20  }
0x9f: {  	s3 =	ssub.s32 $0x0, s20;
	[sflag:s22] =	ssyncset.done $0x0  }
0xa0: {  	[sflag:s22] =	ssyncadd.s32 s3;
	_ =	sdelay $0x1  }
0xa1: {  	s23 =	simm.s32 $0x1B8B  }
0xa2: {  	_ =	swait.ge [sflag:s23], $0x1  }
0xa3: {  	[sflag:s23] =	ssyncset.done $0x0  }
0xa4: {  	s25 =	simm.s32 $0x1B8E;
	s24 =	sld [smem:$0x3FFE];
	[sflag:s23] =	ssyncadd.s32 $0xFFFFFFFF  }
0xa5: {  	s26 =	simm.s32 $execute0_lowered;
	[smem:$0x3FD2] =	sst s25  }
0xa6: {  	s4 =	sshll.u32 s26, $0x1;
	_ =	strace $0x8000004C;
	[dreg:$0x1] =	wrdreg $0xFFFFFFFF  }
0xa7: {  	s28 =	simm.s32 $_size_execute0_lowered;
	s2 =	sadd.s32 s2, s4;
	[dreg:$0x0] =	wrdreg $0x0  }
0xa8: {  	s4 =	sshll.u32 s28, $0x1;
	[dreg:$0x2] =	wrdreg s2  }
0xa9: {  	[dreg:$0x3] =	wrdreg s4  }
0xaa: {  	[dreg:$0x4] =	wrdreg $0xC0  }
0xab: {  	_ =	task [dreg:s6], $0x5FFFF  }
0xac: {  	[dreg:$0x1] =	wrdreg $0xFFFFFFFF  }
0xad: {  	[dreg:$0x0] =	wrdreg $0x60  }
0xae: {  	[dreg:$0x2] =	wrdreg s24  }
0xaf: {  	[dreg:$0x3] =	wrdreg $0xAC800  }
0xb0: {  	[dreg:$0x4] =	wrdreg $0x9  }
0xb1: {  	_ =	task.clear_ibuf [dreg:s6], $0x5FFFF;
	_ =	strace $0x9000004C  }
0xb2: {  	s29 =	simm.s32 $0x9;
	_ =	strace $0x8000004E  }
0xb3: {  	_ =	swait.ge [sflag:s29], $0x1  }
0xb4: {  	[sflag:s29] =	ssyncadd.s32 $0xFFFFFFFF  }
0xb5: {  	_ =	strace $0x9000004E  }
0xb6: {  	_ =	sfence  }
0xb7: {  	s30 =	sld [smem:$0x0];
	_ =	sdelay $0x2  }
0xb8: {  	s31 =	sshll.u32 s1, $0xD;
	s1 =	sshrl.u32 s1, $0x2  }
0xb9: {  	s3 =	sand.u32 $0x4000, s31;
	s1 =	sadd.s32 s1, s30  }
0xba: {  	s0 =	sor.u32 s3, s0;
	s1 =	sshll.u32 s1, $0x11  }
0xbb: {  	s0 =	sor.u32 s1, s0  }
0xbc: {  	s0 =	sadd.s32 $0x8F2B, s0  }
0xbd: {  	[sflag:s0] =	ssyncadd.remote.s32 $0x1  }
0xbe: {  	_ =	sfence.sel $0xFFFF  }
0xbf: {  	[dreg:$0x0] =	wrdreg $0xFFFFFFFF;
	(pc) =	sbr.abs _section_cstart, $3  }
0xc0: {  	[dreg:$0x1] =	wrdreg $0xFFFFFFFF  }
0xc1: {  	_ =	task.clear_ibuf [dreg:s6], $0x2FFFF;
	_ =	strace $0x9FFFFFFF  }
0xc2: {  	(tm) =	ssettm $0x7FFFFFFF  }
0xc3: {  	_ =	shalt  }
tec
execute0_lowered:
.L_overlay_start_1:
0x0: {  	(tag) =	ssettag $0x1  }
0x1: {  	s7 =	rddreg [dreg:$0x0];
	s0 =	srdreg.scid  }
0x2: {  	s2 =	rddreg [dreg:$0x1];
	s31 =	stileid.u32;
	s3 =	simm.s32 $0x0  }
0x3: {  	s15 =	simm.s32 $0x3;
	s16 =	simm.s32 $0x50;
	s17 =	simm.s32 $0xC80  }
0x4: {  	s18 =	simm.s32 $0x3480;
	s21 =	simm.s32 $0x1;
	s23 =	simm.s32 $0x910  }
0x5: {  	s24 =	simm.s32 $0x0;
	s5 =	sand.u32 $0x1, s0;
	s6 =	smul.u32 $0x14000, s31  }
0x6: {  	[smem:$0x7FF] =	sst s3;
	s10 =	sadd.s32 $0x2400, s7;
	s13 =	smul.u32 $0x9C4, s31  }
0x7: {  	s12 =	sshll.u32 s31, $0x6;
	s4 =	smul.u32 $0x140000, s5;
	s5 =	ssub.s32 $0x2, s5  }
0x8: {  	s19 =	sadd.s32 $0xC040, s7;
	_ =	strace $0x8000004D;
	s11 =	sshrl.u32 s5, $0x1  }
0x9: {  	s14 =	sadd.s32 s6, s2;
	s20 =	sadd.s32 $0x50, s13;
	s8 =	sshrl.u32 s4, $0x3  }
0xa: {  	s4 =	sadd.s32 s6, s4;
	s11 =	ssub.s32 s5, s11;
	s5 =	sor.u32 $0x1C04, s12  }
.Ltmp0:
0xb: {  	s6 =	sadd.s32 s10, s13;
	s10 =	sadd.s32 s10, s20;
	(pc) =	sbr.rel .LBB2_1-.Ltmp0, $4  }
0xc: {  	s12 =	simm.s32 $0x4;
	s13 =	sadd.s32 s13, s19;
	s19 =	sadd.s32 s19, s20  }
0xd: {  	s20 =	simm.s32 $0x2;
	s8 =	sadd.s32 s8, s7;
	s9 =	sshrl.u32 s4, $0x3  }
0xe: {  	s4 =	sadd.s32 $0x15E00, s7;
	s9 =	sadd.s32 s9, s7;
	s7 =	sadd.s32 $0x70000, s8  }
0xf: {  	s8 =	sadd.s32 $0xC0000, s9;
	s9 =	smax.u32 s11, $0x1;
	s11 =	sshrl.u32 s14, $0x3  }
.LBB2_9:
0x10: {  	_ =	swait.ge [sflag:s21], $0x2800  }
0x11: {  	[sflag:s21] =	ssyncset.done $0x0  }
0x12: {  	s0 =	simm.s32 $0x8C0;
	[sflag:s21] =	ssyncadd.s32 $0xFFFFD800  }
0x13: {  	[spmem:s2] =	stream.indirect.scatter.add.f32 [tilespmem:s17], [sflag:$0x2], $0x80, s0, s16, $0xb8;
	[tilespmem:$0x1EC80] =	vst v63  }
0x14: {  	_ =	swait.ge [sflag:s21], $0x2800  }
0x15: {  	[sflag:s21] =	ssyncset.done $0x0  }
0x16: {  	[sflag:s21] =	ssyncadd.s32 $0xFFFFD800  }
0x17: {  	[spmem:s2] =	stream.indirect.scatter.add.f32 [tilespmem:s18], [sflag:$0x2], $0x80, s23, s16, $0xb8;
	[tilespmem:$0x1EC80] =	vst v63  }
0x18: {  	_ =	swait.ge [sflag:s20], $0x2800  }
0x19: {  	[sflag:s20] =	ssyncset.done $0x0  }
0x1a: {  	[sflag:s20] =	ssyncadd.s32 $0xFFFFD800  }
0x1b: {  	_ =	swait.ge [sflag:s20], $0x2800  }
0x1c: {  	[sflag:s20] =	ssyncset.done $0x0  }
0x1d: {  	[sflag:s20] =	ssyncadd.s32 $0xFFFFD800  }
0x1e: {  	_ =	swait.ge [sflag:s20], $0x2800  }
0x1f: {  	[sflag:s20] =	ssyncset.done $0x0  }
0x20: {  	[sflag:s20] =	ssyncadd.s32 $0xFFFFD800  }
0x21: {  	_ =	swait.ge [sflag:s20], $0x2800  }
0x22: {  	[sflag:s20] =	ssyncset.done $0x0  }
0x23: {  	s24 =	sadd.s32 $0x1, s24;
	[sflag:s20] =	ssyncadd.s32 $0xFFFFD800  }
0x24: {  	p0 =	sne.s32 s24, s9;
	[bflag:$0x0] =	sbarrier.arrive $0xFFFF  }
0x25: {  	[hbm:s8], [sflag:s5] =	dma.local [spmem:s11], $0x2800  }
.Ltmp1:
0x26: {  	_ =	swait.ge [sflag:s12], $0x2800;
	(pc) =	sbr.rel @!p0 .LBB2_10-.Ltmp1, $3  }
0x27: {  	[sflag:s12] =	ssyncset.done $0x0  }
0x28: {  	[sflag:s12] =	ssyncadd.s32 $0xFFFFD800  }
0x29: {  	[bflag:$0x0] =	sbarrier.arrive $0xFFFF;
	_ =	sdelay $0x1  }
.LBB2_1:
0x2a: {  	[spmem:s11], [sflag:s5] =	dma.local [hbm:s4], $0x2800  }
0x2b: {  	_ =	swait.ge [sflag:s12], $0x2800  }
0x2c: {  	[sflag:s12] =	ssyncset.done $0x0  }
0x2d: {  	[sflag:s12] =	ssyncadd.s32 $0xFFFFD800  }
0x2e: {  	[bflag:$0x0] =	sbarrier.arrive $0xFFFF  }
0x2f: {  	[tilespmem:s3], [sflag:$0x3] =	stream.linear.gather [hbm4b:s6+s3], $0x320, $0x38;
	[tilespmem:$0x1EC80] =	vst v63  }
0x30: {  	s0 =	simm.s32 $0x640  }
0x31: {  	[tilespmem:s0], [sflag:$0x3] =	stream.linear.gather [hbm4b:s13+s3], $0x320, $0x38;
	[tilespmem:$0x1EC80] =	vst v63  }
0x32: {  	_ =	swait.ge [sflag:s15], $0x320  }
0x33: {  	[sflag:s15] =	ssyncset.done $0x0  }
0x34: {  	[sflag:s15] =	ssyncadd.s32 $0xFFFFFCE0  }
0x35: {  	_ =	swait.ge [sflag:s15], $0x320  }
.Ltmp2:
0x36: {  	[sflag:s15] =	ssyncset.done $0x0;
	(pc) =	sbr.rel .LBB2_2-.Ltmp2, $4  }
0x37: {  	[sflag:s15] =	ssyncadd.s32 $0xFFFFFCE0  }
0x38: {  	[tilespmem:s17], [sflag:$0x1] =	stream.indirect.gather [hbm4b:s7+s16], $0x80, s3, s16, $0xb8;
	[tilespmem:$0x1EC80] =	vst v63  }
0x39: {  	s25 =	smov.u32 s19;
	s26 =	smov.u32 s10;
	s28 =	simm.s32 $0x2  }
0x3a: {  	[tilespmem:s18], [sflag:$0x1] =	stream.indirect.gather [hbm4b:s7+s16], $0x80, s16, s16, $0xb8;
	[tilespmem:$0x1EC80] =	vst v63  }
.LBB2_6:
0x3b: {  	s31 =	sxor.u32 $0xFFFFFFFF, s29  }
0x3c: {  	s31 =	sand.u32 $0x1, s31  }
0x3d: {  	s31 =	smul.u32 $0x320, s31;
	_ =	sdelay $0x1  }
0x3e: {  	[tilespmem:s31], [sflag:$0x3] =	stream.linear.gather [hbm4b:s26+s3], $0x320, $0x38;
	[tilespmem:$0x1EC80] =	vst v63  }
0x3f: {  	s31 =	sadd.s32 $0x640, s31  }
0x40: {  	[tilespmem:s31], [sflag:$0x3] =	stream.linear.gather [hbm4b:s25+s3], $0x320, $0x38;
	[tilespmem:$0x1EC80] =	vst v63  }
.LBB2_7:
0x41: {  	_ =	swait.ge [sflag:s20], $0x2800  }
0x42: {  	[sflag:s20] =	ssyncset.done $0x0  }
0x43: {  	[sflag:s20] =	ssyncadd.s32 $0xFFFFD800  }
.LBB2_8:
0x44: {  	s31 =	sadd.s32 $0xFFFFFFFE, s28  }
0x45: {  	s0 =	sshll.u32 s31, $0x10  }
0x46: {  	s0 =	sshra.s32 s0, $0x10  }
0x47: {  	s14 =	smul.u32 $0x6667, s0  }
0x48: {  	s1 =	sand.u32 $0x3, s28;
	s29 =	sand.u32 $0x1, s29;
	s30 =	smul.u32 $0x140, s30  }
0x49: {  	s1 =	smul.u32 $0xA000, s1;
	s22 =	sshrl.u32 s14, $0x1F;
	s14 =	sshra.s32 s14, $0x12  }
0x4a: {  	p0 =	seq.s32 s29, $0x1;
	s14 =	sadd.s32 s22, s14;
	s22 =	simm.s32 $0x320  }
0x4b: {  	s30 =	sshrl.u32 s30, $0x2;
	s1 =	sshrl.u32 s1, $0x2;
	s22 =	simm.s32 @!p0 $0x0  }
0x4c: {  	s1 =	sadd.s32 $0xC80, s1;
	s22 =	sadd.s32 s30, s22;
	s30 =	smul.u32 $0xFFFFFFF6, s14  }
0x4d: {  	[tilespmem:s1], [sflag:$0x1] =	stream.indirect.gather [hbm4b:s7+s16], $0x80, s22, s16, $0xb8;
	[tilespmem:$0x1EC80] =	vst v63  }
0x4e: {  	s29 =	sadd.s32 s31, s30  }
0x4f: {  	s30 =	sand.u32 $0xFFFF, s29  }
0x50: {  	p6 =	slt.u32 s28, $0x3;
	p1 =	sne.s32 s30, $0x0  }
0x51: {  	p0 =	por !p6, !p1  }
0x52: {  	s22 =	simm.s32 $0x1;
	p0 =	por !p0, !p0  }
0x53: {  	s0 =	sshrl.u32 s0, $0x1D;
	s22 =	simm.s32 @!p0 $0x0  }
0x54: {  	s0 =	sand.u32 $0x3, s0;
	s14 =	ssub.s32 s14, s22  }
0x55: {  	s0 =	sadd.s32 s0, s31;
	s22 =	sand.u32 $0x80, s14  }
0x56: {  	s0 =	sand.u32 $0xFFFC, s0;
	s22 =	sshrl.u32 s22, $0x7  }
0x57: {  	s0 =	ssub.s32 s31, s0;
	s22 =	sadd.s32 s22, s14  }
0x58: {  	s0 =	sshll.u32 s0, $0x10;
	s22 =	sand.u32 $0xFE, s22  }
0x59: {  	s0 =	sshra.s32 s0, $0x10;
	s14 =	ssub.s32 s14, s22  }
0x5a: {  	s0 =	smul.u32 $0xA000, s0;
	s14 =	sshll.u32 s14, $0x18  }
0x5b: {  	s28 =	sadd.s32 $0x1, s28;
	s1 =	smul.u32 $0x1400000, s29;
	s14 =	sshra.s32 s14, $0x18  }
0x5c: {  	p0 =	sne.s32 s28, $0xFA;
	s14 =	smul.u32 $0xC80, s14  }
.Ltmp3:
0x5d: {  	s26 =	sadd.s32 $0xA, s26;
	s25 =	sadd.s32 $0xA, s25;
	(pc) =	sbr.rel @!p0 .LBB2_9-.Ltmp3, $4  }
0x5e: {  	_ =	swait.ge [sflag:s21], $0x2800;
	s1 =	sshra.s32 s1, $0x12;
	s14 =	sshra.s32 s14, $0x2  }
0x5f: {  	[sflag:s21] =	ssyncset.done $0x0;
	s0 =	sshra.s32 s0, $0x2;
	s1 =	sadd.s32 s1, s14  }
0x60: {  	[sflag:s21] =	ssyncadd.s32 $0xFFFFD800;
	s0 =	sadd.s32 $0xC80, s0;
	s1 =	sadd.s32 $0x640, s1  }
0x61: {  	[spmem:s2] =	stream.indirect.scatter.add.f32 [tilespmem:s0], [sflag:$0x2], $0x80, s1, s16, $0xb8;
	[tilespmem:$0x1EC80] =	vst v63  }
.LBB2_2:
0x62: {  	s29 =	smul.u32 $0xCD, s28;
	_ =	sdelay $0x1  }
0x63: {  	s29 =	sshrl.u32 s29, $0xB  }
0x64: {  	s29 =	sand.u32 $0x1F, s29  }
0x65: {  	s30 =	smul.u32 $0xA, s29;
	_ =	sdelay $0x1  }
0x66: {  	s31 =	ssub.s32 s28, s30  }
0x67: {  	s30 =	sand.u32 $0xFF, s31  }
0x68: {  	p0 =	sne.s32 s30, $0x0  }
.Ltmp4:
0x69: {  	_ = 	snop;
	(pc) =	sbr.rel @!p0 .LBB2_3-.Ltmp4, $1  }
0x6a: {  	_ =	sdelay $0x3  }
0x6b: {  	p0 =	sgt.u32 s28, $0xEA  }
0x6c: {  	s31 =	sand.u32 @!p0 $0xFF, s31  }
0x6d: {  	p1 =	sne.s32 @!p0 s31, $0x4  }
0x6e: {  	p0 =	por p0, p1  }
.Ltmp5:
0x6f: {  	_ = 	snop;
	(pc) =	sbr.rel @!p0 .LBB2_6-.Ltmp5, $4  }
.Ltmp6:
0x70: {  	_ = 	snop;
	(pc) =	sbr.rel @p0 .LBB2_4-.Ltmp6, $4  }
0x71: {  	_ = 	snop  }
0x72: {  	_ = 	snop  }
0x73: {  	_ = 	snop  }
0x74: {  	_ = 	snop  }
.LBB2_3:
0x75: {  	_ =	swait.ge [sflag:s15], $0x320  }
0x76: {  	[sflag:s15] =	ssyncset.done $0x0  }
0x77: {  	[sflag:s15] =	ssyncadd.s32 $0xFFFFFCE0  }
0x78: {  	_ =	swait.ge [sflag:s15], $0x320  }
0x79: {  	[sflag:s15] =	ssyncset.done $0x0  }
0x7a: {  	[sflag:s15] =	ssyncadd.s32 $0xFFFFFCE0  }
.LBB2_4:
0x7b: {  	p0 =	slt.u32 s28, $0x4  }
.Ltmp7:
0x7c: {  	_ = 	snop;
	(pc) =	sbr.rel @p0 .LBB2_8-.Ltmp7, $4  }
.Ltmp8:
0x7d: {  	_ = 	snop;
	(pc) =	sbr.rel @!p0 .LBB2_7-.Ltmp8, $4  }
0x7e: {  	_ = 	snop  }
0x7f: {  	_ = 	snop  }
0x80: {  	_ = 	snop  }
0x81: {  	_ = 	snop  }
.LBB2_10:
0x82: {  	_ =	sfence.sel $0x180000  }
0x83: {  	[bflag:$0x0] =	sbarrier.arrive $0xFFFF  }
0x84: {  	_ =	strace $0x9000004D  }
0x85: {  	s0 =	stileid.u32;
	[bflag:$0x2] =	sbarrier.arrive $0xFFFF  }
0x86: {  	p0 =	sne.s32 s0, $0x0;
	s0 =	rddreg [dreg:$0x2]  }
0x87: {  	s0 =	sadd.s32 @!p0 $0x100000, s0  }
0x88: {  	[sflag:s0] =	ssyncadd.tile.s32 @!p0 $0x1;
	_ =	shalt  }
.Lfunc_end2:
_tile_overlayer_lowered:
.L_overlay_start_2:
0x89: {  	(tag) =	ssettag $0x2  }
0x8a: {  	s0 =	rddreg [dreg:$0x0];
	s2 =	stileid.u32  }
0x8b: {  	s1 =	rddreg [dreg:$0x1];
	p0 =	sne.s32 s2, $0x0  }
0x8c: {  	s3 =	rddreg [dreg:$0x2];
	[bflag:$0x3] =	sbarrier.arrive $0xFFFF;
	s2 =	simm.s32 @!p0 $0x1C04  }
0x8d: {  	[timem:s3], [sflag:s2] =	dma.local @!p0 [hbm:s0], s1  }
0x8e: {  	s0 =	simm.s32 @!p0 $0x4  }
0x8f: {  	_ =	swait.ge @!p0 [sflag:s0], s1  }
0x90: {  	s1 =	ssub.s32 @!p0 $0x0, s1;
	[sflag:s0] =	ssyncset.done @!p0 $0x0  }
0x91: {  	[sflag:s0] =	ssyncadd.s32 @!p0 s1  }
0x92: {  	[bflag:$0x3] =	sbarrier.arrive $0xFFFF  }
0x93: {  	_ =	shalt  }

// kernel: kernel.8.cloned.1.call-start
scs
__scs_entry_jumppad:
0x0: {  	(pc) =	sbr.rel $0x88, $3  }
0x1: {  	(tag) =	ssettag $0x0;
	lr =	simm.s32 $0x1  }
0x2: {  	[smem:$0x3F99] =	sst lr;
	_ =	strace $0xD0000000  }
0x3: {  	_ = 	snop  }
0x4: {  	_ = 	snop  }
0x5: {  	_ = 	snop  }
0x6: {  	_ = 	snop  }
0x7: {  	_ = 	snop  }
__scs_overlays_trampoline_lowered:
0x8: {  	[smem:$0x3FA8] =	sst s0  }
0x9: {  	[smem:$0x3FA9] =	sst s1  }
0xa: {  	[smem:$0x3FAA] =	sst s2  }
0xb: {  	[smem:$0x3FAB] =	sst s3  }
0xc: {  	[smem:$0x3FAC] =	sst s4  }
0xd: {  	[smem:$0x3FAD] =	sst s5  }
0xe: {  	[smem:$0x3FAE] =	sst s6  }
0xf: {  	[smem:$0x3FAF] =	sst s7  }
0x10: {  	[smem:$0x3FB0] =	sst s8  }
0x11: {  	[smem:$0x3FB1] =	sst s9;
	s0 =	simm.s32 @!p0 $0x0  }
0x12: {  	s1 =	sld [smem:$0x3F97];
	s0 =	simm.s32 @p0 $0x1  }
0x13: {  	[smem:$0x3FB2] =	sst s0;
	s0 =	simm.s32 @!p1 $0x0  }
0x14: {  	s2 =	sld [smem:$0x3F96];
	s0 =	simm.s32 @p1 $0x1  }
0x15: {  	[smem:$0x3FB3] =	sst s0;
	s0 =	simm.s32 @!p2 $0x0  }
0x16: {  	s3 =	sld [smem:$0x3FDB];
	s0 =	simm.s32 @p2 $0x1  }
0x17: {  	s4 =	simm.s32 $0x1BF5;
	[smem:$0x3FB5] =	sst s0  }
0x18: {  	s0 =	sld [smem:$0x3F98];
	_ =	swait.ge [sflag:s4], $0x0  }
0x19: {  	s7 =	sld [smem:$0x3F99]  }
0x1a: {  	s8 =	sadd.s32 $0xFFFFE003, lr  }
0x1b: {  	s9 =	sadd.s32 $0xFFFFFEF7, lr;
	s5 =	simm.s32 $0xFFFFFFFF;
	p2 =	slt.u32 s8, $0xFFFFF086  }
0x1c: {  	p1 =	slt.u32 s9, $0xF7A;
	s5 =	simm.s32 @!p2 $0x0  }
0x1d: {  	s5 =	simm.s32 @p1 $0x1;
	p0 =	seq.s32 s7, s2  }
0x1e: {  	s7 =	smul.u32 @!p0 $0xF7A, s2;
	p2 =	seq.s32 @!p0 s5, $0x0  }
0x1f: {  	s9 =	smul.u32 $0xF7A, s1;
	s8 =	simm.s32 @!p0 $0x1BF5;
	p2 =	por !p2, p0  }
0x20: {  	[sflag:s8] =	ssyncset.s32 @!p0 $0xFFFFF086;
	s6 =	sadd.s32 @!p0 s3, s7;
	s7 =	simm.s32 @!p0 $0x108  }
0x21: {  	s3 =	sadd.s32 s3, s9;
	s6 =	sadd.s32 @!p0 $0x88, s6;
	s7 =	simm.s32 @p2 $0x1082  }
0x22: {  	[simem:s7], [sflag:s8] =	dma.local @!p0 [hbm:s6], $0xF7A  }
0x23: {  	s9 =	sor.u32 $0xD0000000, s2;
	s6 =	simm.s32 $0x108;
	_ =	swait.ge @!p0 [sflag:s8], $0x0  }
0x24: {  	s3 =	sadd.s32 $0x88, s3;
	s6 =	simm.s32 @!p1 $0x1082;
	[sflag:s4] =	ssyncset.s32 $0xFFFFF086  }
0x25: {  	[simem:s6], [sflag:s4] =	dma.local [hbm:s3], $0xF7A  }
0x26: {  	[smem:$0x3F99] =	sst s1;
	(tag) =	ssettag s2;
	_ =	strace s9  }
0x27: {  	s1 =	sld [smem:$0x3FA9]  }
0x28: {  	s2 =	sld [smem:$0x3FAA]  }
0x29: {  	s4 =	sld [smem:$0x3FAC]  }
0x2a: {  	p0 =	seq.s32 s5, $0x0;
	s5 =	sld [smem:$0x3FAD]  }
0x2b: {  	s6 =	sld [smem:$0x3FAE]  }
0x2c: {  	s7 =	sld [smem:$0x3FAF]  }
0x2d: {  	s3 =	simm.s32 $0x108;
	s8 =	sld [smem:$0x3FB0]  }
0x2e: {  	s3 =	simm.s32 @!p0 $0x1082;
	s9 =	sld [smem:$0x3FB1]  }
0x2f: {  	lr =	sadd.s32 s0, s3;
	s0 =	sld [smem:$0x3FA8]  }
0x30: {  	s3 =	sld [smem:$0x3FAB]  }
0x31: {  	[smem:$0x3FB4] =	sst s10  }
0x32: {  	s10 =	sld [smem:$0x3FB2];
	_ =	sdelay $0x3  }
0x33: {  	p0 =	seq.s32 s10, $0x1;
	s10 =	sld [smem:$0x3FB4];
	_ =	sdelay $0x3  }
0x34: {  	[smem:$0x3FB4] =	sst s10  }
0x35: {  	s10 =	sld [smem:$0x3FB3];
	_ =	sdelay $0x3  }
0x36: {  	p1 =	seq.s32 s10, $0x1;
	s10 =	sld [smem:$0x3FB4];
	_ =	sdelay $0x3  }
0x37: {  	[smem:$0x3FB4] =	sst s10  }
0x38: {  	s10 =	sld [smem:$0x3FB5]  }
0x39: {  	_ = 	snop;
	(pc) =	sbr.ind lr, $3  }
0x3a: {  	_ = 	snop  }
0x3b: {  	_ = 	snop  }
0x3c: {  	p2 =	seq.s32 s10, $0x1;
	s10 =	sld [smem:$0x3FB4]  }
0x3d: {  	_ =	shalt  }
0x3e: {  	_ =	shalt  }
0x3f: {  	_ =	shalt  }
0x40: {  	_ =	shalt  }
0x41: {  	_ =	shalt  }
0x42: {  	_ =	shalt  }
0x43: {  	_ =	shalt  }
0x44: {  	_ =	shalt  }
0x45: {  	_ =	shalt  }
0x46: {  	_ =	shalt  }
0x47: {  	_ =	shalt  }
0x48: {  	_ =	shalt  }
0x49: {  	_ =	shalt  }
0x4a: {  	_ =	shalt  }
0x4b: {  	_ =	shalt  }
0x4c: {  	_ =	shalt  }
0x4d: {  	_ =	shalt  }
0x4e: {  	_ =	shalt  }
0x4f: {  	_ =	shalt  }
0x50: {  	_ =	shalt  }
0x51: {  	_ =	shalt  }
0x52: {  	_ =	shalt  }
0x53: {  	_ =	shalt  }
0x54: {  	_ =	shalt  }
0x55: {  	_ =	shalt  }
0x56: {  	_ =	shalt  }
0x57: {  	_ =	shalt  }
0x58: {  	_ =	shalt  }
0x59: {  	_ =	shalt  }
0x5a: {  	_ =	shalt  }
0x5b: {  	_ =	shalt  }
0x5c: {  	_ =	shalt  }
0x5d: {  	_ =	shalt  }
0x5e: {  	_ =	shalt  }
0x5f: {  	_ =	shalt  }
0x60: {  	_ =	shalt  }
0x61: {  	_ =	shalt  }
0x62: {  	_ =	shalt  }
0x63: {  	_ =	shalt  }
0x64: {  	_ =	shalt  }
0x65: {  	_ =	shalt  }
0x66: {  	_ =	shalt  }
0x67: {  	_ =	shalt  }
0x68: {  	_ =	shalt  }
0x69: {  	_ =	shalt  }
0x6a: {  	_ =	shalt  }
0x6b: {  	_ =	shalt  }
0x6c: {  	_ =	shalt  }
0x6d: {  	_ =	shalt  }
0x6e: {  	_ =	shalt  }
0x6f: {  	_ =	shalt  }
0x70: {  	_ =	shalt  }
0x71: {  	_ =	shalt  }
0x72: {  	_ =	shalt  }
0x73: {  	_ =	shalt  }
0x74: {  	_ =	shalt  }
0x75: {  	_ =	shalt  }
0x76: {  	_ =	shalt  }
0x77: {  	_ =	shalt  }
0x78: {  	_ =	shalt  }
0x79: {  	_ =	shalt  }
0x7a: {  	_ =	shalt  }
0x7b: {  	_ =	shalt  }
0x7c: {  	_ =	shalt  }
0x7d: {  	_ =	shalt  }
0x7e: {  	_ =	shalt  }
0x7f: {  	_ =	shalt  }
0x80: {  	_ =	shalt  }
0x81: {  	_ =	shalt  }
0x82: {  	_ =	shalt  }
0x83: {  	_ =	shalt  }
0x84: {  	_ =	shalt  }
0x85: {  	_ =	shalt  }
0x86: {  	_ =	shalt  }
0x87: {  	_ =	shalt  }
.Lfunc_end0:
.L_simem_size_0:
called_computation_lowered:
.L_overlay_start_0:
0x88: {  	s2 =	sld [smem:$0x3FD9]  }
0x89: {  	s3 =	sld [smem:$0x3FFE];
	_ =	sdelay $0x1  }
0x8a: {  	s1 =	srdreg.scid  }
0x8b: {  	s0 =	sand.u32 $0x1, s1  }
0x8c: {  	s17 =	sshll.u32 s0, $0xA;
	s2 =	sadd.s32 s3, s2  }
0x8d: {  	s2 =	sadd.s32 s2, s17  }
0x8e: {  	[smem:$0x3FC0] =	sst s2  }
0x8f: {  	_ = 	snop  }
0x90: {  	s2 =	sld [smem:$0x3FD0];
	(tm) =	ssettm $0x1  }
0x91: {  	s18 =	sld [smem:$0x3FFB];
	_ =	sdelay $0x3  }
0x92: {  	_ =	strace s18  }
0x93: {  	s3 =	sld [smem:$0x3FFC];
	_ =	sdelay $0x3  }
0x94: {  	_ =	strace s3  }
0x95: {  	s3 =	sld [smem:$0x3FFD];
	_ =	sdelay $0x3  }
0x96: {  	_ =	strace s3  }
0x97: {  	_ =	strace $0x8FFFFFFF  }
0x98: {  	s19 =	sld [smem:$0x3FDB];
	_ =	sdelay $0x1  }
0x99: {  	s4 =	simm.s32 $_scs_section_size  }
0x9a: {  	s5 =	simm.s32 $_size__tile_overlayer_lowered;
	s6 =	simm.s32 $_tile_overlayer_lowered  }
0x9b: {  	s22 =	simm.s32 $0x1BFF;
	s21 =	sshll.u32 s6, $0x1;
	s3 =	sadd.s32 s4, s19  }
0x9c: {  	s7 =	simm.s32 $0x0;
	s20 =	sshll.u32 s5, $0x1;
	s5 =	sadd.s32 s21, s3  }
0x9d: {  	[timem:s7], [sflag:s22] =	dma.local [hbm:s5], s20  }
0x9e: {  	_ =	swait.ge [sflag:s22], s20  }
0x9f: {  	s4 =	ssub.s32 $0x0, s20;
	[sflag:s22] =	ssyncset.done $0x0  }
0xa0: {  	[sflag:s22] =	ssyncadd.s32 s4;
	_ =	sdelay $0x1  }
0xa1: {  	s23 =	simm.s32 $0x1B8B  }
0xa2: {  	_ =	swait.ge [sflag:s23], $0x1  }
0xa3: {  	[sflag:s23] =	ssyncset.done $0x0  }
0xa4: {  	s25 =	simm.s32 $0x1B8E;
	s24 =	sld [smem:$0x3FFE];
	[sflag:s23] =	ssyncadd.s32 $0xFFFFFFFF  }
0xa5: {  	s26 =	simm.s32 $execute0_lowered;
	[smem:$0x3FD2] =	sst s25  }
0xa6: {  	s5 =	sshll.u32 s26, $0x1;
	_ =	strace $0x80000046;
	[dreg:$0x1] =	wrdreg $0xFFFFFFFF  }
0xa7: {  	s28 =	simm.s32 $_size_execute0_lowered;
	s3 =	sadd.s32 s3, s5;
	[dreg:$0x0] =	wrdreg $0x0  }
0xa8: {  	s5 =	sshll.u32 s28, $0x1;
	[dreg:$0x2] =	wrdreg s3  }
0xa9: {  	[dreg:$0x3] =	wrdreg s5  }
0xaa: {  	[dreg:$0x4] =	wrdreg $0xC0  }
0xab: {  	_ =	task [dreg:s7], $0x5FFFF  }
0xac: {  	[dreg:$0x1] =	wrdreg $0xFFFFFFFF  }
0xad: {  	[dreg:$0x0] =	wrdreg $0x60  }
0xae: {  	[dreg:$0x2] =	wrdreg s24  }
0xaf: {  	[dreg:$0x3] =	wrdreg s2  }
0xb0: {  	[dreg:$0x4] =	wrdreg $0x14A00  }
0xb1: {  	[dreg:$0x5] =	wrdreg $0x9  }
0xb2: {  	_ =	task.clear_ibuf [dreg:s7], $0x6FFFF;
	_ =	strace $0x90000046  }
0xb3: {  	s29 =	simm.s32 $0x9;
	_ =	strace $0x80000048  }
0xb4: {  	_ =	swait.ge [sflag:s29], $0x1  }
0xb5: {  	[sflag:s29] =	ssyncadd.s32 $0xFFFFFFFF  }
0xb6: {  	_ =	strace $0x90000048  }
0xb7: {  	_ =	sfence  }
0xb8: {  	s30 =	sld [smem:$0x0];
	_ =	sdelay $0x2  }
0xb9: {  	s31 =	sshll.u32 s1, $0xD;
	s1 =	sshrl.u32 s1, $0x2  }
0xba: {  	s3 =	sand.u32 $0x4000, s31;
	s1 =	sadd.s32 s1, s30  }
0xbb: {  	s0 =	sor.u32 s3, s0;
	s1 =	sshll.u32 s1, $0x11  }
0xbc: {  	s0 =	sor.u32 s1, s0  }
0xbd: {  	s0 =	sadd.s32 $0x8F2B, s0  }
0xbe: {  	[sflag:s0] =	ssyncadd.remote.s32 $0x1  }
0xbf: {  	_ =	sfence.sel $0xFFFF  }
0xc0: {  	[dreg:$0x0] =	wrdreg $0xFFFFFFFF;
	(pc) =	sbr.abs _section_cstart, $3  }
0xc1: {  	[dreg:$0x1] =	wrdreg $0xFFFFFFFF  }
0xc2: {  	_ =	task.clear_ibuf [dreg:s7], $0x2FFFF;
	_ =	strace $0x9FFFFFFF  }
0xc3: {  	(tm) =	ssettm $0x7FFFFFFF  }
tec
execute0_lowered:
.L_overlay_start_1:
0x0: {  	(tag) =	ssettag $0x1  }
0x1: {  	s6 =	rddreg [dreg:$0x0]  }
0x2: {  	s1 =	srdreg.scid;
	s2 =	rddreg [dreg:$0x1]  }
0x3: {  	s0 =	stileid.u32;
	s3 =	rddreg [dreg:$0x2];
	s4 =	simm.s32 $0x0  }
0x4: {  	s7 =	sand.u32 $0x1, s1;
	s8 =	smul.u32 $0x2800, s0;
	s1 =	rddreg [dreg:$0x3]  }
0x5: {  	[smem:$0x7FF] =	sst s4;
	s12 =	sshll.u32 s0, $0x1;
	s13 =	smul.u32 $0x9C4, s0  }
0x6: {  	s15 =	sadd.s32 $0xC040, s6;
	s31 =	sshll.u32 s0, $0x6;
	s5 =	smul.u32 $0x28000, s7  }
0x7: {  	_ =	strace $0x80000047;
	s10 =	ssub.s32 $0x2, s7;
	s28 =	sor.u32 s7, s12  }
0x8: {  	s29 =	smul.u32 $0x4E2, s7;
	s11 =	sshrl.u32 s10, $0x1;
	s14 =	sadd.s32 s8, s3  }
0x9: {  	s16 =	smul.u32 $0x4E2, s28;
	s5 =	sadd.s32 s8, s5;
	s10 =	ssub.s32 s10, s11  }
0xa: {  	s30 =	sadd.s32 s29, s13;
	s8 =	simm.s32 $0xFA0;
	s11 =	sshrl.u32 s14, $0x3  }
.Ltmp0:
0xb: {  	s13 =	simm.s32 $0x2;
	s9 =	sshrl.u32 s5, $0x3;
	(pc) =	sbr.rel .LBB2_1-.Ltmp0, $4  }
0xc: {  	s5 =	sadd.s32 $0x15E00, s6;
	s7 =	smax.u32 s10, $0x1;
	s17 =	sadd.s32 $0xA0, s30  }
0xd: {  	s10 =	sor.u32 $0x1C03, s31;
	s12 =	sadd.s32 s16, s15;
	s16 =	simm.s32 $0x50  }
0xe: {  	s9 =	sadd.s32 s9, s6;
	s14 =	sadd.s32 s15, s17;
	s15 =	simm.s32 $0x1  }
0xf: {  	s17 =	simm.s32 $0x0;
	s6 =	sadd.s32 $0x16000, s9;
	s9 =	simm.s32 $0x3  }
.LBB2_9:
0x10: {  	_ =	swait.ge [sflag:s15], $0x500  }
0x11: {  	[sflag:s15] =	ssyncset.done $0x0  }
0x12: {  	[sflag:s15] =	ssyncadd.s32 $0xFFFFFB00  }
0x13: {  	_ =	swait.ge [sflag:s15], $0x500  }
0x14: {  	[sflag:s15] =	ssyncset.done $0x0  }
0x15: {  	[sflag:s15] =	ssyncadd.s32 $0xFFFFFB00  }
0x16: {  	_ =	swait.ge [sflag:s15], $0x500  }
0x17: {  	[sflag:s15] =	ssyncset.done $0x0  }
0x18: {  	[sflag:s15] =	ssyncadd.s32 $0xFFFFFB00  }
0x19: {  	_ =	swait.ge [sflag:s15], $0x500  }
0x1a: {  	[sflag:s15] =	ssyncset.done $0x0  }
0x1b: {  	[sflag:s15] =	ssyncadd.s32 $0xFFFFFB00  }
0x1c: {  	_ =	swait.ge [sflag:s15], $0x500  }
0x1d: {  	[sflag:s15] =	ssyncset.done $0x0  }
0x1e: {  	[sflag:s15] =	ssyncadd.s32 $0xFFFFFB00  }
0x1f: {  	_ =	swait.ge [sflag:s15], $0x500  }
0x20: {  	[sflag:s15] =	ssyncset.done $0x0  }
0x21: {  	[sflag:s15] =	ssyncadd.s32 $0xFFFFFB00  }
0x22: {  	_ =	swait.ge [sflag:s15], $0x500  }
0x23: {  	[sflag:s15] =	ssyncset.done $0x0  }
0x24: {  	[sflag:s15] =	ssyncadd.s32 $0xFFFFFB00  }
0x25: {  	_ =	swait.ge [sflag:s15], $0x500  }
0x26: {  	s17 =	sadd.s32 $0x1, s17;
	[sflag:s15] =	ssyncset.done $0x0  }
0x27: {  	p0 =	sne.s32 s17, s7;
	[sflag:s15] =	ssyncadd.s32 $0xFFFFFB00  }
.Ltmp1:
0x28: {  	[bflag:$0x0] =	sbarrier.arrive $0xFFFF;
	(pc) =	sbr.rel @!p0 .LBB2_10-.Ltmp1, $4  }
0x29: {  	[hbm:s6], [sflag:s10] =	dma.local [spmem:s11], $0x500  }
0x2a: {  	_ =	swait.ge [sflag:s9], $0x500  }
0x2b: {  	[sflag:s9] =	ssyncset.done $0x0  }
0x2c: {  	[sflag:s9] =	ssyncadd.s32 $0xFFFFFB00  }
.LBB2_1:
0x2d: {  	[tilespmem:s8], [sflag:$0x3] =	stream.linear.gather [hbm4b:s5+s4], $0x500, $0x38;
	[tilespmem:$0x3CA0] =	vst v63  }
0x2e: {  	_ =	swait.ge [sflag:s9], $0x500  }
0x2f: {  	[sflag:s9] =	ssyncset.done $0x0  }
0x30: {  	[sflag:s9] =	ssyncadd.s32 $0xFFFFFB00  }
0x31: {  	[spmem:s11], [sflag:s10] =	dma.local [hbm:s2], $0x500  }
0x32: {  	_ =	swait.ge [sflag:s9], $0x500  }
0x33: {  	[sflag:s9] =	ssyncset.done $0x0  }
0x34: {  	[sflag:s9] =	ssyncadd.s32 $0xFFFFFB00  }
.Ltmp2:
0x35: {  	[bflag:$0x0] =	sbarrier.arrive $0xFFFF;
	(pc) =	sbr.rel .LBB2_2-.Ltmp2, $4  }
0x36: {  	[tilespmem:s4], [sflag:$0x2] =	stream.linear.gather [hbm4b:s12+s4], $0x7D0, $0x38;
	[tilespmem:$0x3CA0] =	vst v63  }
0x37: {  	_ =	swait.ge [sflag:s13], $0x7D0  }
0x38: {  	[sflag:s13] =	ssyncset.done $0x0  }
0x39: {  	s18 =	smov.u32 s14;
	s19 =	simm.s32 $0x0;
	[sflag:s13] =	ssyncadd.s32 $0xFFFFF830  }
.LBB2_5:
0x3a: {  	p0 =	sgt.u32 s19, $0x54  }
0x3b: {  	s22 =	sand.u32 @!p0 $0xFF, s21  }
0x3c: {  	p1 =	sne.s32 @!p0 s22, $0x9  }
0x3d: {  	p0 =	por p0, p1  }
.Ltmp3:
0x3e: {  	_ = 	snop;
	(pc) =	sbr.rel @p0 .LBB2_4-.Ltmp3, $1  }
0x3f: {  	_ =	sdelay $0x3  }
0x40: {  	s22 =	sand.u32 $0x1, s20  }
0x41: {  	p0 =	seq.s32 s22, $0x1;
	s22 =	simm.s32 $0x0  }
0x42: {  	s22 =	simm.s32 @!p0 $0x7D0  }
0x43: {  	[tilespmem:s22], [sflag:$0x2] =	stream.linear.gather [hbm4b:s18+s4], $0x7D0, $0x38;
	[tilespmem:$0x3CA0] =	vst v63  }
.LBB2_7:
0x44: {  	_ =	swait.ge [sflag:s15], $0x500  }
0x45: {  	[sflag:s15] =	ssyncset.done $0x0  }
0x46: {  	[sflag:s15] =	ssyncadd.s32 $0xFFFFFB00  }
.LBB2_8:
0x47: {  	s21 =	sand.u32 $0xFF, s21;
	s20 =	sand.u32 $0x1, s20  }
0x48: {  	s19 =	sadd.s32 $0x1, s19;
	p0 =	seq.s32 s20, $0x1;
	s20 =	simm.s32 $0x7D0  }
0x49: {  	s21 =	smul.u32 $0x140, s21;
	s20 =	simm.s32 @!p0 $0x0;
	p0 =	sne.s32 s19, $0x7D  }
.Ltmp4:
0x4a: {  	_ = 	snop;
	(pc) =	sbr.rel @!p0 .LBB2_9-.Ltmp4, $4  }
0x4b: {  	_ = 	snop  }
0x4c: {  	s21 =	sshrl.u32 s21, $0x2  }
0x4d: {  	s18 =	sadd.s32 $0xA, s18;
	s20 =	sadd.s32 s21, s20  }
0x4e: {  	[spmem:s3] =	stream.indirect.scatter.add.f32 [tilespmem:s8], [sflag:$0x1], $0x10, s20, s16, $0xb8;
	[tilespmem:$0x3CA0] =	vst v63  }
.LBB2_2:
0x4f: {  	s20 =	smul.u32 $0x29, s19;
	_ =	sdelay $0x1  }
0x50: {  	s20 =	sshrl.u32 s20, $0xA  }
0x51: {  	s20 =	sand.u32 $0x3F, s20  }
0x52: {  	s21 =	smul.u32 $0x19, s20;
	_ =	sdelay $0x1  }
0x53: {  	p0 =	seq.s32 s19, $0x0;
	s21 =	ssub.s32 s19, s21  }
0x54: {  	s22 =	sand.u32 @!p0 $0xFF, s21  }
0x55: {  	p1 =	sne.s32 @!p0 s22, $0x0  }
0x56: {  	p0 =	por p0, p1  }
.Ltmp5:
0x57: {  	_ = 	snop;
	(pc) =	sbr.rel @p0 .LBB2_5-.Ltmp5, $1  }
0x58: {  	_ =	sdelay $0x3  }
0x59: {  	_ =	swait.ge [sflag:s13], $0x7D0  }
0x5a: {  	[sflag:s13] =	ssyncset.done $0x0  }
0x5b: {  	[sflag:s13] =	ssyncadd.s32 $0xFFFFF830  }
.LBB2_4:
0x5c: {  	p0 =	slt.u32 s19, $0x8  }
.Ltmp6:
0x5d: {  	_ = 	snop;
	(pc) =	sbr.rel @p0 .LBB2_8-.Ltmp6, $4  }
.Ltmp7:
0x5e: {  	_ = 	snop;
	(pc) =	sbr.rel @!p0 .LBB2_7-.Ltmp7, $4  }
0x5f: {  	_ = 	snop  }
0x60: {  	_ = 	snop  }
0x61: {  	_ = 	snop  }
0x62: {  	_ = 	snop  }
.LBB2_10:
0x63: {  	_ =	sfence.sel $0x180000  }
0x64: {  	[bflag:$0x0] =	sbarrier.arrive $0xFFFF  }
0x65: {  	p0 =	sne.s32 s0, $0x0;
	_ =	strace $0x90000047  }
0x66: {  	s0 =	sadd.s32 @!p0 $0x100000, s1;
	[bflag:$0x2] =	sbarrier.arrive $0xFFFF  }
0x67: {  	[sflag:s0] =	ssyncadd.tile.s32 @!p0 $0x1;
	_ =	shalt  }
.Lfunc_end2:
_tile_overlayer_lowered:
.L_overlay_start_2:
0x68: {  	(tag) =	ssettag $0x2  }
0x69: {  	s0 =	rddreg [dreg:$0x0];
	s2 =	stileid.u32  }
0x6a: {  	s1 =	rddreg [dreg:$0x1];
	p0 =	sne.s32 s2, $0x0  }
0x6b: {  	s3 =	rddreg [dreg:$0x2];
	[bflag:$0x3] =	sbarrier.arrive $0xFFFF;
	s2 =	simm.s32 @!p0 $0x1C03  }
0x6c: {  	[timem:s3], [sflag:s2] =	dma.local @!p0 [hbm:s0], s1  }
0x6d: {  	s0 =	simm.s32 @!p0 $0x3  }
0x6e: {  	_ =	swait.ge @!p0 [sflag:s0], s1  }
0x6f: {  	s1 =	ssub.s32 @!p0 $0x0, s1;
	[sflag:s0] =	ssyncset.done @!p0 $0x0  }
0x70: {  	[sflag:s0] =	ssyncadd.s32 @!p0 s1  }
0x71: {  	[bflag:$0x3] =	sbarrier.arrive $0xFFFF  }
0x72: {  	_ =	shalt  }

</sc_bundles>
